<compile_context>
chip_gen: v7x
topology: tpu7x:2x2x1
jax: 0.10.2.dev20260603
libtpu: 0.0.44.dev20260713+nightly
codegen_flags: <defaults>
</compile_context>

<pallas_src>
import functools

import jax
import jax.numpy as jnp
from jax import lax
from jax.experimental import pallas as pl
from jax.experimental.pallas import tpu as pltpu
from jax.experimental.pallas import tpu_sc as plsc

N = 10000
E = 320000
D = 128

NC = 2
NS = 16
NW = NC * NS
CH = 80
NCH = E // (NW * CH)
ROWS_PT = 624
TAIL = N - NS * ROWS_PT
ZCHUNKS = [(k * CH, CH) for k in range(7)] + [(7 * CH, 64)]
LANES = 16
NJ = D // LANES


def _mm_body(h_ref, w_ref, o_ref):
    w = w_ref[0] + w_ref[1]
    o_ref[...] = jnp.dot(h_ref[...], w, preferred_element_type=jnp.float32)


def _combine_body(p_ref, b_ref, o_ref):
    o_ref[...] = p_ref[0] + p_ref[1] + b_ref[...]


_GATHER_DNUMS = lax.GatherDimensionNumbers(
    offset_dims=(), collapsed_slice_dims=(0,), start_index_map=(0,))


def _lane_shuffle(x, idx):
    return lax.gather(x, idx[:, None], _GATHER_DNUMS, (1,),
                      mode=lax.GatherScatterMode.PROMISE_IN_BOUNDS)


def _sc_edge_pass(hs_hbm, ei_hbm, ef_hbm, out_hbm,
                  src_v, dst_v, ef_v, rows_v, invb_v, acc,
                  sem_i, sem_e, sem_g, sem_s):
    cid = lax.axis_index("c")
    sid = lax.axis_index("s")
    wid = cid * NS + sid

    def zrow(r, carry):
        for j in range(NJ):
            rows_v[0, r, pl.ds(LANES * j, LANES)] = jnp.zeros(
                (LANES,), jnp.float32)
        return carry

    lax.fori_loop(0, CH, zrow, 0)
    base0 = sid * ROWS_PT
    for off, sz in ZCHUNKS:
        pltpu.sync_copy(rows_v.at[0, pl.ds(0, sz)],
                        acc.at[pl.ds(base0 + off, sz)])

    @pl.when(sid == NS - 1)
    def _zero_tail():
        pltpu.sync_copy(rows_v.at[0, pl.ds(0, TAIL)],
                        acc.at[pl.ds(NS * ROWS_PT, TAIL)])

    plsc.subcore_barrier()

    lane = lax.iota(jnp.int32, LANES)
    bfly = [lane ^ (1 << k) for k in range(4)]

    def _chunk_base(i):
        return (wid + i * NW) * CH

    def _idx_start(i, s):
        base = _chunk_base(i)
        pltpu.async_copy(ei_hbm.at[pl.ds(base, CH)], src_v.at[s], sem_i)
        pltpu.async_copy(ei_hbm.at[pl.ds(E + base, CH)], dst_v.at[s], sem_i)

    def _idx_wait(i, s):
        base = _chunk_base(i)
        pltpu.make_async_copy(
            ei_hbm.at[pl.ds(base, CH)], src_v.at[s], sem_i).wait()
        pltpu.make_async_copy(
            ei_hbm.at[pl.ds(E + base, CH)], dst_v.at[s], sem_i).wait()

    _idx_start(0, 0)
    pltpu.async_copy(ef_hbm.at[pl.ds(_chunk_base(0), CH)], ef_v.at[0], sem_e)
    _idx_wait(0, 0)
    pltpu.async_copy(hs_hbm.at[src_v.at[0]], rows_v.at[0], sem_g)
    _idx_start(1, 1)

    def chunk_body(i, carry):
        b = jnp.bitwise_and(i, 1)
        nb = 1 - b
        s0 = lax.rem(i, 3)
        s1 = lax.rem(i + 1, 3)
        s2 = lax.rem(i + 2, 3)
        sp = lax.rem(i + 2, 3)
        pltpu.make_async_copy(
            hs_hbm.at[src_v.at[s0]], rows_v.at[b], sem_g).wait()
        pltpu.make_async_copy(
            ef_hbm.at[pl.ds(_chunk_base(i), CH)], ef_v.at[b], sem_e).wait()

        @pl.when(i < NCH - 1)
        def _start_next_gather():
            _idx_wait(i + 1, s1)
            pltpu.async_copy(hs_hbm.at[src_v.at[s1]], rows_v.at[nb], sem_g)

            @pl.when(i > 0)
            def _drain_prev_scatter():
                pltpu.make_async_copy(
                    ef_v.at[nb], acc.at[dst_v.at[sp]], sem_s).wait()

            pltpu.async_copy(
                ef_hbm.at[pl.ds(_chunk_base(i + 1), CH)], ef_v.at[nb], sem_e)

        @pl.when(i < NCH - 2)
        def _start_next_idx():
            _idx_start(i + 2, s2)

        @plsc.parallel_loop(0, CH, unroll=2)
        def rowsum(r):
            xs = []
            for j in range(NJ):
                x = jnp.exp(ef_v[b, r, pl.ds(LANES * j, LANES)])
                ef_v[b, r, pl.ds(LANES * j, LANES)] = x
                xs.append(x)
            t = [xs[2 * j] + xs[2 * j + 1] for j in range(4)]
            u = [t[0] + t[1], t[2] + t[3]]
            s = u[0] + u[1]
            for p in bfly:
                s = s + _lane_shuffle(s, p)
            invb_v[b, pl.ds(pl.multiple_of(r * LANES, 8), LANES)] = 1.0 / s

        @plsc.parallel_loop(0, CH, unroll=4)
        def rowmul(r):
            inv = invb_v[b, pl.ds(pl.multiple_of(r * LANES, 8), LANES)]
            for j in range(NJ):
                ef_v[b, r, pl.ds(LANES * j, LANES)] = (
                    ef_v[b, r, pl.ds(LANES * j, LANES)]
                    * (rows_v[b, r, pl.ds(LANES * j, LANES)] * inv))

        pltpu.async_copy(ef_v.at[b], acc.at[dst_v.at[s0]], sem_s, add=True)
        return carry

    lax.fori_loop(0, NCH, chunk_body, 0)

    lastb = jnp.int32((NCH - 1) % 2)
    pltpu.make_async_copy(
        ef_v.at[1 - lastb], acc.at[dst_v.at[jnp.int32((NCH - 2) % 3)]],
        sem_s).wait()
    pltpu.make_async_copy(
        ef_v.at[lastb], acc.at[dst_v.at[jnp.int32((NCH - 1) % 3)]],
        sem_s).wait()
    plsc.subcore_barrier()

    for off, sz in ZCHUNKS:
        start = base0 + off
        pltpu.sync_copy(acc.at[pl.ds(start, sz)], rows_v.at[0, pl.ds(0, sz)])
        pltpu.sync_copy(rows_v.at[0, pl.ds(0, sz)],
                        out_hbm.at[cid, pl.ds(start, sz)])

    @pl.when(sid == NS - 1)
    def _copy_tail():
        pltpu.sync_copy(acc.at[pl.ds(NS * ROWS_PT, TAIL)],
                        rows_v.at[0, pl.ds(0, TAIL)])
        pltpu.sync_copy(rows_v.at[0, pl.ds(0, TAIL)],
                        out_hbm.at[cid, pl.ds(NS * ROWS_PT, TAIL)])


_sc_call = functools.partial(
    pl.kernel,
    mesh=plsc.VectorSubcoreMesh(core_axis_name="c", subcore_axis_name="s"),
    out_type=jax.ShapeDtypeStruct((NC, N, D), jnp.float32),
    scratch_types=[
        pltpu.VMEM((3, CH), jnp.int32),
        pltpu.VMEM((3, CH), jnp.int32),
        pltpu.VMEM((2, CH, D), jnp.float32),
        pltpu.VMEM((2, CH, D), jnp.float32),
        pltpu.VMEM((2, CH * LANES), jnp.float32),
        pltpu.VMEM_SHARED((N, D), jnp.float32),
        pltpu.SemaphoreType.DMA,
        pltpu.SemaphoreType.DMA,
        pltpu.SemaphoreType.DMA,
        pltpu.SemaphoreType.DMA,
    ],
)(_sc_edge_pass)


def kernel(h, edge_index, edge_feat, weight, bias):
    hs = pl.pallas_call(
        _mm_body,
        grid=(5,),
        in_specs=[
            pl.BlockSpec((2000, D), lambda i: (i, 0)),
            pl.BlockSpec((2, D, D), lambda i: (0, 0, 0)),
        ],
        out_specs=pl.BlockSpec((2000, D), lambda i: (i, 0)),
        out_shape=jax.ShapeDtypeStruct((N, D), jnp.float32),
    )(h, weight)

    partials = _sc_call(hs, edge_index.reshape(2 * E), edge_feat)

    out = pl.pallas_call(
        _combine_body,
        grid=(5,),
        in_specs=[
            pl.BlockSpec((NC, 2000, D), lambda i: (0, i, 0)),
            pl.BlockSpec((1, D), lambda i: (0, 0)),
        ],
        out_specs=pl.BlockSpec((2000, D), lambda i: (i, 0)),
        out_shape=jax.ShapeDtypeStruct((N, D), jnp.float32),
    )(partials, bias.reshape(1, D))
    return out

# --- scband reference (transcript-rebuilt; emitter-appended) ---
"""Pipeline reference for scband-sem-graph-conv-29832842838122 (READ-ONLY COPY).

The authoritative reference and input builder live on the scoring server;
editing this copy changes nothing except your own understanding.
"""

import jax, jax.numpy as jnp
import numpy as np

N = 10000
E = 320000
D_IN = 128
D_OUT = 128


def setup_inputs(seed: int = 0) -> dict:
    key = jax.random.key(seed)
    k1, k2, k3, k4, k5 = jax.random.split(key, 5)
    h = jax.random.normal(k1, (N, D_IN), dtype=jnp.float32)
    edge_index = jax.random.randint(k2, (2, E), 0, N, dtype=jnp.int32)
    edge_feat = jax.random.normal(k3, (E, D_OUT), dtype=jnp.float32)
    # learned params: weight (2, D_IN, D_OUT) xavier-uniform-like, bias (D_OUT,) uniform
    gain = 1.414
    fan_in = D_IN * D_OUT
    fan_out = 2 * D_OUT
    limit = gain * np.sqrt(6.0 / (fan_in + fan_out))
    weight = jax.random.uniform(k4, (2, D_IN, D_OUT), dtype=jnp.float32, minval=-limit, maxval=limit)
    std_v = 1.0 / np.sqrt(D_OUT)
    bias = jax.random.uniform(k5, (D_OUT,), dtype=jnp.float32, minval=-std_v, maxval=std_v)
    return {"h": h, "edge_index": edge_index, "edge_feat": edge_feat, "weight": weight, "bias": bias}


def reference(h, edge_index, edge_feat, weight, bias):
    # h0 = h @ W[0], h1 = h @ W[1]
    h0 = jnp.matmul(h, weight[0])
    h1 = jnp.matmul(h, weight[1])
    # e = softmax over edge-feature dim (dim=1)
    e = jax.nn.softmax(edge_feat, axis=1)
    src = edge_index[0]
    dst = edge_index[1]
    # u_mul_e then sum-aggregate to dst: m = h_src * e; out[dst] += m
    m0 = jnp.take(h0, src, axis=0) * e
    m1 = jnp.take(h1, src, axis=0) * e
    h0_out = jax.ops.segment_sum(m0, dst, num_segments=N)
    h1_out = jax.ops.segment_sum(m1, dst, num_segments=N)
    output = h0_out + h1_out + bias
    return output

if __name__ == "__main__":
    import jax
    _d = setup_inputs()
    print(jax.jit(kernel)(*tuple(_d.values())))

</pallas_src>

<mosaic_0001>
#map = affine_map<(d0, d1) -> (0, 0)>
#map1 = affine_map<(d0, d1) -> (0)>
#map2 = affine_map<(d0, d1) -> (0, 0, 0)>
module attributes {stable_mosaic.version = 14 : i64} {
  func.func @_sc_edge_pass(%arg0: i32, %arg1: i32, %arg2: memref<10000x128xf32, #tpu.memory_space<hbm>>, %arg3: memref<640000xi32, #tpu.memory_space<hbm>>, %arg4: memref<320000x128xf32, #tpu.memory_space<hbm>>, %arg5: memref<2x10000x128xf32, #tpu.memory_space<hbm>>, %arg6: memref<3x80xi32, #tpu.memory_space<vmem>>, %arg7: memref<3x80xi32, #tpu.memory_space<vmem>>, %arg8: memref<2x80x128xf32, #tpu.memory_space<vmem>>, %arg9: memref<2x80x128xf32, #tpu.memory_space<vmem>>, %arg10: memref<2x1280xf32, #tpu.memory_space<vmem>>, %arg11: memref<10000x128xf32, #tpu.memory_space<vmem_shared>>, %arg12: memref<!tpu.dma_semaphore, #tpu.memory_space<semaphore_mem>>, %arg13: memref<!tpu.dma_semaphore, #tpu.memory_space<semaphore_mem>>, %arg14: memref<!tpu.dma_semaphore, #tpu.memory_space<semaphore_mem>>, %arg15: memref<!tpu.dma_semaphore, #tpu.memory_space<semaphore_mem>>) attributes {dimension_semantics = [#tpu.dimension_semantics<core_parallel>, #tpu.dimension_semantics<subcore_parallel>], iteration_bounds = array<i64: 2, 16>, scalar_prefetch = 0 : i64, scratch_operands = 10 : i64, tpu.core_type = #tpu.core_type<sc_vector_subcore>, window_params = [{transform_indices = #map}, {transform_indices = #map1}, {transform_indices = #map}, {transform_indices = #map2}]} {
    %mul3A = arith.constant 16 : i32
    %mul3A_0 = arith.muli %arg0, %mul3A : i32
    %add3A = arith.addi %mul3A_0, %arg1 : i32
    %scan3A = arith.constant 0 : i32
    %scan3A_1 = arith.constant 0 : i32
    %scan3A_2 = arith.constant 80 : i32
    %scan3A_3 = arith.addi %scan3A_1, %scan3A_2 : i32
    %scan3A_4 = arith.constant 1 : i32
    scf.for %scan3A_212 = %scan3A_1 to %scan3A_3 step %scan3A_4  : i32 {
      %broadcast_in_dim3A = arith.constant 0.000000e+00 : f32
      %broadcast_in_dim3A_213 = vector.broadcast %broadcast_in_dim3A : f32 to vector<16xf32>
      %swap3A = arith.constant 0 : i32
      %swap3A_214 = arith.index_cast %swap3A : i32 to index
      %swap3A_215 = arith.index_cast %scan3A_212 : i32 to index
      %swap3A_216 = arith.constant 0 : index
      %swap3A_217 = tpu.vector_load %arg9[%swap3A_214, %swap3A_215, %swap3A_216] {strides = array<i32>} : memref<2x80x128xf32, #tpu.memory_space<vmem>>, vector<1x1x16xf32>,
      %swap3A_218 = vector.shape_cast %swap3A_217 : vector<1x1x16xf32> to vector<16xf32>
      %swap3A_219 = vector.shape_cast %broadcast_in_dim3A_213 : vector<16xf32> to vector<1x1x16xf32>
      tpu.vector_store %arg9[%swap3A_214, %swap3A_215, %swap3A_216], %swap3A_219 {strides = array<i32>} : memref<2x80x128xf32, #tpu.memory_space<vmem>>, vector<1x1x16xf32>,
      %broadcast_in_dim3A_220 = arith.constant 0.000000e+00 : f32
      %broadcast_in_dim3A_221 = vector.broadcast %broadcast_in_dim3A_220 : f32 to vector<16xf32>
      %swap3A_222 = arith.constant 0 : i32
      %swap3A_223 = arith.index_cast %swap3A_222 : i32 to index
      %swap3A_224 = arith.index_cast %scan3A_212 : i32 to index
      %swap3A_225 = arith.constant 16 : index
      %swap3A_226 = tpu.vector_load %arg9[%swap3A_223, %swap3A_224, %swap3A_225] {strides = array<i32>} : memref<2x80x128xf32, #tpu.memory_space<vmem>>, vector<1x1x16xf32>,
      %swap3A_227 = vector.shape_cast %swap3A_226 : vector<1x1x16xf32> to vector<16xf32>
      %swap3A_228 = vector.shape_cast %broadcast_in_dim3A_221 : vector<16xf32> to vector<1x1x16xf32>
      tpu.vector_store %arg9[%swap3A_223, %swap3A_224, %swap3A_225], %swap3A_228 {strides = array<i32>} : memref<2x80x128xf32, #tpu.memory_space<vmem>>, vector<1x1x16xf32>,
      %broadcast_in_dim3A_229 = arith.constant 0.000000e+00 : f32
      %broadcast_in_dim3A_230 = vector.broadcast %broadcast_in_dim3A_229 : f32 to vector<16xf32>
      %swap3A_231 = arith.constant 0 : i32
      %swap3A_232 = arith.index_cast %swap3A_231 : i32 to index
      %swap3A_233 = arith.index_cast %scan3A_212 : i32 to index
      %swap3A_234 = arith.constant 32 : index
      %swap3A_235 = tpu.vector_load %arg9[%swap3A_232, %swap3A_233, %swap3A_234] {strides = array<i32>} : memref<2x80x128xf32, #tpu.memory_space<vmem>>, vector<1x1x16xf32>,
      %swap3A_236 = vector.shape_cast %swap3A_235 : vector<1x1x16xf32> to vector<16xf32>
      %swap3A_237 = vector.shape_cast %broadcast_in_dim3A_230 : vector<16xf32> to vector<1x1x16xf32>
      tpu.vector_store %arg9[%swap3A_232, %swap3A_233, %swap3A_234], %swap3A_237 {strides = array<i32>} : memref<2x80x128xf32, #tpu.memory_space<vmem>>, vector<1x1x16xf32>,
      %broadcast_in_dim3A_238 = arith.constant 0.000000e+00 : f32
      %broadcast_in_dim3A_239 = vector.broadcast %broadcast_in_dim3A_238 : f32 to vector<16xf32>
      %swap3A_240 = arith.constant 0 : i32
      %swap3A_241 = arith.index_cast %swap3A_240 : i32 to index
      %swap3A_242 = arith.index_cast %scan3A_212 : i32 to index
      %swap3A_243 = arith.constant 48 : index
      %swap3A_244 = tpu.vector_load %arg9[%swap3A_241, %swap3A_242, %swap3A_243] {strides = array<i32>} : memref<2x80x128xf32, #tpu.memory_space<vmem>>, vector<1x1x16xf32>,
      %swap3A_245 = vector.shape_cast %swap3A_244 : vector<1x1x16xf32> to vector<16xf32>
      %swap3A_246 = vector.shape_cast %broadcast_in_dim3A_239 : vector<16xf32> to vector<1x1x16xf32>
      tpu.vector_store %arg9[%swap3A_241, %swap3A_242, %swap3A_243], %swap3A_246 {strides = array<i32>} : memref<2x80x128xf32, #tpu.memory_space<vmem>>, vector<1x1x16xf32>,
      %broadcast_in_dim3A_247 = arith.constant 0.000000e+00 : f32
      %broadcast_in_dim3A_248 = vector.broadcast %broadcast_in_dim3A_247 : f32 to vector<16xf32>
      %swap3A_249 = arith.constant 0 : i32
      %swap3A_250 = arith.index_cast %swap3A_249 : i32 to index
      %swap3A_251 = arith.index_cast %scan3A_212 : i32 to index
      %swap3A_252 = arith.constant 64 : index
      %swap3A_253 = tpu.vector_load %arg9[%swap3A_250, %swap3A_251, %swap3A_252] {strides = array<i32>} : memref<2x80x128xf32, #tpu.memory_space<vmem>>, vector<1x1x16xf32>,
      %swap3A_254 = vector.shape_cast %swap3A_253 : vector<1x1x16xf32> to vector<16xf32>
      %swap3A_255 = vector.shape_cast %broadcast_in_dim3A_248 : vector<16xf32> to vector<1x1x16xf32>
      tpu.vector_store %arg9[%swap3A_250, %swap3A_251, %swap3A_252], %swap3A_255 {strides = array<i32>} : memref<2x80x128xf32, #tpu.memory_space<vmem>>, vector<1x1x16xf32>,
      %broadcast_in_dim3A_256 = arith.constant 0.000000e+00 : f32
      %broadcast_in_dim3A_257 = vector.broadcast %broadcast_in_dim3A_256 : f32 to vector<16xf32>
      %swap3A_258 = arith.constant 0 : i32
      %swap3A_259 = arith.index_cast %swap3A_258 : i32 to index
      %swap3A_260 = arith.index_cast %scan3A_212 : i32 to index
      %swap3A_261 = arith.constant 80 : index
      %swap3A_262 = tpu.vector_load %arg9[%swap3A_259, %swap3A_260, %swap3A_261] {strides = array<i32>} : memref<2x80x128xf32, #tpu.memory_space<vmem>>, vector<1x1x16xf32>,
      %swap3A_263 = vector.shape_cast %swap3A_262 : vector<1x1x16xf32> to vector<16xf32>
      %swap3A_264 = vector.shape_cast %broadcast_in_dim3A_257 : vector<16xf32> to vector<1x1x16xf32>
      tpu.vector_store %arg9[%swap3A_259, %swap3A_260, %swap3A_261], %swap3A_264 {strides = array<i32>} : memref<2x80x128xf32, #tpu.memory_space<vmem>>, vector<1x1x16xf32>,
      %broadcast_in_dim3A_265 = arith.constant 0.000000e+00 : f32
      %broadcast_in_dim3A_266 = vector.broadcast %broadcast_in_dim3A_265 : f32 to vector<16xf32>
      %swap3A_267 = arith.constant 0 : i32
      %swap3A_268 = arith.index_cast %swap3A_267 : i32 to index
      %swap3A_269 = arith.index_cast %scan3A_212 : i32 to index
      %swap3A_270 = arith.constant 96 : index
      %swap3A_271 = tpu.vector_load %arg9[%swap3A_268, %swap3A_269, %swap3A_270] {strides = array<i32>} : memref<2x80x128xf32, #tpu.memory_space<vmem>>, vector<1x1x16xf32>,
      %swap3A_272 = vector.shape_cast %swap3A_271 : vector<1x1x16xf32> to vector<16xf32>
      %swap3A_273 = vector.shape_cast %broadcast_in_dim3A_266 : vector<16xf32> to vector<1x1x16xf32>
      tpu.vector_store %arg9[%swap3A_268, %swap3A_269, %swap3A_270], %swap3A_273 {strides = array<i32>} : memref<2x80x128xf32, #tpu.memory_space<vmem>>, vector<1x1x16xf32>,
      %broadcast_in_dim3A_274 = arith.constant 0.000000e+00 : f32
      %broadcast_in_dim3A_275 = vector.broadcast %broadcast_in_dim3A_274 : f32 to vector<16xf32>
      %swap3A_276 = arith.constant 0 : i32
      %swap3A_277 = arith.index_cast %swap3A_276 : i32 to index
      %swap3A_278 = arith.index_cast %scan3A_212 : i32 to index
      %swap3A_279 = arith.constant 112 : index
      %swap3A_280 = tpu.vector_load %arg9[%swap3A_277, %swap3A_278, %swap3A_279] {strides = array<i32>} : memref<2x80x128xf32, #tpu.memory_space<vmem>>, vector<1x1x16xf32>,
      %swap3A_281 = vector.shape_cast %swap3A_280 : vector<1x1x16xf32> to vector<16xf32>
      %swap3A_282 = vector.shape_cast %broadcast_in_dim3A_275 : vector<16xf32> to vector<1x1x16xf32>
      tpu.vector_store %arg9[%swap3A_277, %swap3A_278, %swap3A_279], %swap3A_282 {strides = array<i32>} : memref<2x80x128xf32, #tpu.memory_space<vmem>>, vector<1x1x16xf32>,
    }
    %scan3A_5 = arith.constant 80 : i32
    %mul3A_6 = arith.constant 624 : i32
    %mul3A_7 = arith.muli %arg1, %mul3A_6 : i32
    %add3A_8 = arith.constant 0 : i32
    %add3A_9 = arith.addi %mul3A_7, %add3A_8 : i32
    %run_scoped3A = arith.constant 0 : i32
    "tpu.region"() ({
      %run_scoped3A_212 = tpu.sem_alloc : memref<!tpu.dma_semaphore, #tpu.memory_space<semaphore_mem>>
      %dma_start3A_213 = arith.constant 0 : i32
      %dma_start3A_214 = arith.constant 0 : i32
      %dma_start3A_215 = tpu.memref_slice %arg9[%run_scoped3A, %dma_start3A_213, %dma_start3A_214] : memref<2x80x128xf32, #tpu.memory_space<vmem>> -> memref<1x80x128xf32, #tpu.memory_space<vmem>>
      %dma_start3A_216 = tpu.memref_squeeze %dma_start3A_215 : memref<1x80x128xf32, #tpu.memory_space<vmem>> -> memref<80x128xf32, #tpu.memory_space<vmem>>
      %dma_start3A_217 = arith.constant 0 : i32
      %dma_start3A_218 = tpu.memref_slice %arg11[%add3A_9, %dma_start3A_217] : memref<10000x128xf32, #tpu.memory_space<vmem_shared>> -> memref<80x128xf32, #tpu.memory_space<vmem_shared>>
      %dma_start3A_219 = arith.constant 0 : i32
      %dma_start3A_220 = tpu.memref_slice %arg11[%add3A_9, %dma_start3A_219] : memref<10000x128xf32, #tpu.memory_space<vmem_shared>> -> memref<80x128xf32, #tpu.memory_space<vmem_shared>>
      %dma_start3A_221 = arith.constant 0 : i32
      %dma_start3A_222 = arith.constant 0 : i32
      %dma_start3A_223 = tpu.memref_slice %arg9[%run_scoped3A, %dma_start3A_221, %dma_start3A_222] : memref<2x80x128xf32, #tpu.memory_space<vmem>> -> memref<1x80x128xf32, #tpu.memory_space<vmem>>
      %dma_start3A_224 = tpu.memref_squeeze %dma_start3A_223 : memref<1x80x128xf32, #tpu.memory_space<vmem>> -> memref<80x128xf32, #tpu.memory_space<vmem>>
      tpu.enqueue_dma source(%dma_start3A_224 : memref<80x128xf32, #tpu.memory_space<vmem>>) target(%dma_start3A_220 : memref<80x128xf32, #tpu.memory_space<vmem_shared>>) target_semaphore(%run_scoped3A_212 : memref<!tpu.dma_semaphore, #tpu.memory_space<semaphore_mem>>)
      %dma_wait3A_225 = arith.constant 0 : i32
      %dma_wait3A_226 = arith.constant 0 : i32
      %dma_wait3A_227 = tpu.memref_slice %arg9[%run_scoped3A, %dma_wait3A_225, %dma_wait3A_226] : memref<2x80x128xf32, #tpu.memory_space<vmem>> -> memref<1x80x128xf32, #tpu.memory_space<vmem>>
      %dma_wait3A_228 = tpu.memref_squeeze %dma_wait3A_227 : memref<1x80x128xf32, #tpu.memory_space<vmem>> -> memref<80x128xf32, #tpu.memory_space<vmem>>
      %dma_wait3A_229 = arith.constant 0 : i32
      %dma_wait3A_230 = tpu.memref_slice %arg11[%add3A_9, %dma_wait3A_229] : memref<10000x128xf32, #tpu.memory_space<vmem_shared>> -> memref<80x128xf32, #tpu.memory_space<vmem_shared>>
      %dma_wait3A_231 = arith.constant 0 : i32
      %dma_wait3A_232 = tpu.memref_slice %arg11[%add3A_9, %dma_wait3A_231] : memref<10000x128xf32, #tpu.memory_space<vmem_shared>> -> memref<80x128xf32, #tpu.memory_space<vmem_shared>>
      %dma_wait3A_233 = arith.constant 0 : i32
      %dma_wait3A_234 = arith.constant 0 : i32
      %dma_wait3A_235 = tpu.memref_slice %arg9[%run_scoped3A, %dma_wait3A_233, %dma_wait3A_234] : memref<2x80x128xf32, #tpu.memory_space<vmem>> -> memref<1x80x128xf32, #tpu.memory_space<vmem>>
      %dma_wait3A_236 = tpu.memref_squeeze %dma_wait3A_235 : memref<1x80x128xf32, #tpu.memory_space<vmem>> -> memref<80x128xf32, #tpu.memory_space<vmem>>
      tpu.wait_dma2 semaphore(%run_scoped3A_212 : memref<!tpu.dma_semaphore, #tpu.memory_space<semaphore_mem>>) src(%dma_wait3A_236 : memref<80x128xf32, #tpu.memory_space<vmem>>) dst(%dma_wait3A_232 : memref<80x128xf32, #tpu.memory_space<vmem_shared>>)
      tpu.yield
    }) : () -> ()
    %add3A_10 = arith.constant 80 : i32
    %add3A_11 = arith.addi %mul3A_7, %add3A_10 : i32
    %run_scoped3A_12 = arith.constant 0 : i32
    "tpu.region"() ({
      %run_scoped3A_212 = tpu.sem_alloc : memref<!tpu.dma_semaphore, #tpu.memory_space<semaphore_mem>>
      %dma_start3A_213 = arith.constant 0 : i32
      %dma_start3A_214 = arith.constant 0 : i32
      %dma_start3A_215 = tpu.memref_slice %arg9[%run_scoped3A_12, %dma_start3A_213, %dma_start3A_214] : memref<2x80x128xf32, #tpu.memory_space<vmem>> -> memref<1x80x128xf32, #tpu.memory_space<vmem>>
      %dma_start3A_216 = tpu.memref_squeeze %dma_start3A_215 : memref<1x80x128xf32, #tpu.memory_space<vmem>> -> memref<80x128xf32, #tpu.memory_space<vmem>>
      %dma_start3A_217 = arith.constant 0 : i32
      %dma_start3A_218 = tpu.memref_slice %arg11[%add3A_11, %dma_start3A_217] : memref<10000x128xf32, #tpu.memory_space<vmem_shared>> -> memref<80x128xf32, #tpu.memory_space<vmem_shared>>
      %dma_start3A_219 = arith.constant 0 : i32
      %dma_start3A_220 = tpu.memref_slice %arg11[%add3A_11, %dma_start3A_219] : memref<10000x128xf32, #tpu.memory_space<vmem_shared>> -> memref<80x128xf32, #tpu.memory_space<vmem_shared>>
      %dma_start3A_221 = arith.constant 0 : i32
      %dma_start3A_222 = arith.constant 0 : i32
      %dma_start3A_223 = tpu.memref_slice %arg9[%run_scoped3A_12, %dma_start3A_221, %dma_start3A_222] : memref<2x80x128xf32, #tpu.memory_space<vmem>> -> memref<1x80x128xf32, #tpu.memory_space<vmem>>
      %dma_start3A_224 = tpu.memref_squeeze %dma_start3A_223 : memref<1x80x128xf32, #tpu.memory_space<vmem>> -> memref<80x128xf32, #tpu.memory_space<vmem>>
      tpu.enqueue_dma source(%dma_start3A_224 : memref<80x128xf32, #tpu.memory_space<vmem>>) target(%dma_start3A_220 : memref<80x128xf32, #tpu.memory_space<vmem_shared>>) target_semaphore(%run_scoped3A_212 : memref<!tpu.dma_semaphore, #tpu.memory_space<semaphore_mem>>)
      %dma_wait3A_225 = arith.constant 0 : i32
      %dma_wait3A_226 = arith.constant 0 : i32
      %dma_wait3A_227 = tpu.memref_slice %arg9[%run_scoped3A_12, %dma_wait3A_225, %dma_wait3A_226] : memref<2x80x128xf32, #tpu.memory_space<vmem>> -> memref<1x80x128xf32, #tpu.memory_space<vmem>>
      %dma_wait3A_228 = tpu.memref_squeeze %dma_wait3A_227 : memref<1x80x128xf32, #tpu.memory_space<vmem>> -> memref<80x128xf32, #tpu.memory_space<vmem>>
      %dma_wait3A_229 = arith.constant 0 : i32
      %dma_wait3A_230 = tpu.memref_slice %arg11[%add3A_11, %dma_wait3A_229] : memref<10000x128xf32, #tpu.memory_space<vmem_shared>> -> memref<80x128xf32, #tpu.memory_space<vmem_shared>>
      %dma_wait3A_231 = arith.constant 0 : i32
      %dma_wait3A_232 = tpu.memref_slice %arg11[%add3A_11, %dma_wait3A_231] : memref<10000x128xf32, #tpu.memory_space<vmem_shared>> -> memref<80x128xf32, #tpu.memory_space<vmem_shared>>
      %dma_wait3A_233 = arith.constant 0 : i32
      %dma_wait3A_234 = arith.constant 0 : i32
      %dma_wait3A_235 = tpu.memref_slice %arg9[%run_scoped3A_12, %dma_wait3A_233, %dma_wait3A_234] : memref<2x80x128xf32, #tpu.memory_space<vmem>> -> memref<1x80x128xf32, #tpu.memory_space<vmem>>
      %dma_wait3A_236 = tpu.memref_squeeze %dma_wait3A_235 : memref<1x80x128xf32, #tpu.memory_space<vmem>> -> memref<80x128xf32, #tpu.memory_space<vmem>>
      tpu.wait_dma2 semaphore(%run_scoped3A_212 : memref<!tpu.dma_semaphore, #tpu.memory_space<semaphore_mem>>) src(%dma_wait3A_236 : memref<80x128xf32, #tpu.memory_space<vmem>>) dst(%dma_wait3A_232 : memref<80x128xf32, #tpu.memory_space<vmem_shared>>)
      tpu.yield
    }) : () -> ()
    %add3A_13 = arith.constant 160 : i32
    %add3A_14 = arith.addi %mul3A_7, %add3A_13 : i32
    %run_scoped3A_15 = arith.constant 0 : i32
    "tpu.region"() ({
      %run_scoped3A_212 = tpu.sem_alloc : memref<!tpu.dma_semaphore, #tpu.memory_space<semaphore_mem>>
      %dma_start3A_213 = arith.constant 0 : i32
      %dma_start3A_214 = arith.constant 0 : i32
      %dma_start3A_215 = tpu.memref_slice %arg9[%run_scoped3A_15, %dma_start3A_213, %dma_start3A_214] : memref<2x80x128xf32, #tpu.memory_space<vmem>> -> memref<1x80x128xf32, #tpu.memory_space<vmem>>
      %dma_start3A_216 = tpu.memref_squeeze %dma_start3A_215 : memref<1x80x128xf32, #tpu.memory_space<vmem>> -> memref<80x128xf32, #tpu.memory_space<vmem>>
      %dma_start3A_217 = arith.constant 0 : i32
      %dma_start3A_218 = tpu.memref_slice %arg11[%add3A_14, %dma_start3A_217] : memref<10000x128xf32, #tpu.memory_space<vmem_shared>> -> memref<80x128xf32, #tpu.memory_space<vmem_shared>>
      %dma_start3A_219 = arith.constant 0 : i32
      %dma_start3A_220 = tpu.memref_slice %arg11[%add3A_14, %dma_start3A_219] : memref<10000x128xf32, #tpu.memory_space<vmem_shared>> -> memref<80x128xf32, #tpu.memory_space<vmem_shared>>
      %dma_start3A_221 = arith.constant 0 : i32
      %dma_start3A_222 = arith.constant 0 : i32
      %dma_start3A_223 = tpu.memref_slice %arg9[%run_scoped3A_15, %dma_start3A_221, %dma_start3A_222] : memref<2x80x128xf32, #tpu.memory_space<vmem>> -> memref<1x80x128xf32, #tpu.memory_space<vmem>>
      %dma_start3A_224 = tpu.memref_squeeze %dma_start3A_223 : memref<1x80x128xf32, #tpu.memory_space<vmem>> -> memref<80x128xf32, #tpu.memory_space<vmem>>
      tpu.enqueue_dma source(%dma_start3A_224 : memref<80x128xf32, #tpu.memory_space<vmem>>) target(%dma_start3A_220 : memref<80x128xf32, #tpu.memory_space<vmem_shared>>) target_semaphore(%run_scoped3A_212 : memref<!tpu.dma_semaphore, #tpu.memory_space<semaphore_mem>>)
      %dma_wait3A_225 = arith.constant 0 : i32
      %dma_wait3A_226 = arith.constant 0 : i32
      %dma_wait3A_227 = tpu.memref_slice %arg9[%run_scoped3A_15, %dma_wait3A_225, %dma_wait3A_226] : memref<2x80x128xf32, #tpu.memory_space<vmem>> -> memref<1x80x128xf32, #tpu.memory_space<vmem>>
      %dma_wait3A_228 = tpu.memref_squeeze %dma_wait3A_227 : memref<1x80x128xf32, #tpu.memory_space<vmem>> -> memref<80x128xf32, #tpu.memory_space<vmem>>
      %dma_wait3A_229 = arith.constant 0 : i32
      %dma_wait3A_230 = tpu.memref_slice %arg11[%add3A_14, %dma_wait3A_229] : memref<10000x128xf32, #tpu.memory_space<vmem_shared>> -> memref<80x128xf32, #tpu.memory_space<vmem_shared>>
      %dma_wait3A_231 = arith.constant 0 : i32
      %dma_wait3A_232 = tpu.memref_slice %arg11[%add3A_14, %dma_wait3A_231] : memref<10000x128xf32, #tpu.memory_space<vmem_shared>> -> memref<80x128xf32, #tpu.memory_space<vmem_shared>>
      %dma_wait3A_233 = arith.constant 0 : i32
      %dma_wait3A_234 = arith.constant 0 : i32
      %dma_wait3A_235 = tpu.memref_slice %arg9[%run_scoped3A_15, %dma_wait3A_233, %dma_wait3A_234] : memref<2x80x128xf32, #tpu.memory_space<vmem>> -> memref<1x80x128xf32, #tpu.memory_space<vmem>>
      %dma_wait3A_236 = tpu.memref_squeeze %dma_wait3A_235 : memref<1x80x128xf32, #tpu.memory_space<vmem>> -> memref<80x128xf32, #tpu.memory_space<vmem>>
      tpu.wait_dma2 semaphore(%run_scoped3A_212 : memref<!tpu.dma_semaphore, #tpu.memory_space<semaphore_mem>>) src(%dma_wait3A_236 : memref<80x128xf32, #tpu.memory_space<vmem>>) dst(%dma_wait3A_232 : memref<80x128xf32, #tpu.memory_space<vmem_shared>>)
      tpu.yield
    }) : () -> ()
    %add3A_16 = arith.constant 240 : i32
    %add3A_17 = arith.addi %mul3A_7, %add3A_16 : i32
    %run_scoped3A_18 = arith.constant 0 : i32
    "tpu.region"() ({
      %run_scoped3A_212 = tpu.sem_alloc : memref<!tpu.dma_semaphore, #tpu.memory_space<semaphore_mem>>
      %dma_start3A_213 = arith.constant 0 : i32
      %dma_start3A_214 = arith.constant 0 : i32
      %dma_start3A_215 = tpu.memref_slice %arg9[%run_scoped3A_18, %dma_start3A_213, %dma_start3A_214] : memref<2x80x128xf32, #tpu.memory_space<vmem>> -> memref<1x80x128xf32, #tpu.memory_space<vmem>>
      %dma_start3A_216 = tpu.memref_squeeze %dma_start3A_215 : memref<1x80x128xf32, #tpu.memory_space<vmem>> -> memref<80x128xf32, #tpu.memory_space<vmem>>
      %dma_start3A_217 = arith.constant 0 : i32
      %dma_start3A_218 = tpu.memref_slice %arg11[%add3A_17, %dma_start3A_217] : memref<10000x128xf32, #tpu.memory_space<vmem_shared>> -> memref<80x128xf32, #tpu.memory_space<vmem_shared>>
      %dma_start3A_219 = arith.constant 0 : i32
      %dma_start3A_220 = tpu.memref_slice %arg11[%add3A_17, %dma_start3A_219] : memref<10000x128xf32, #tpu.memory_space<vmem_shared>> -> memref<80x128xf32, #tpu.memory_space<vmem_shared>>
      %dma_start3A_221 = arith.constant 0 : i32
      %dma_start3A_222 = arith.constant 0 : i32
      %dma_start3A_223 = tpu.memref_slice %arg9[%run_scoped3A_18, %dma_start3A_221, %dma_start3A_222] : memref<2x80x128xf32, #tpu.memory_space<vmem>> -> memref<1x80x128xf32, #tpu.memory_space<vmem>>
      %dma_start3A_224 = tpu.memref_squeeze %dma_start3A_223 : memref<1x80x128xf32, #tpu.memory_space<vmem>> -> memref<80x128xf32, #tpu.memory_space<vmem>>
      tpu.enqueue_dma source(%dma_start3A_224 : memref<80x128xf32, #tpu.memory_space<vmem>>) target(%dma_start3A_220 : memref<80x128xf32, #tpu.memory_space<vmem_shared>>) target_semaphore(%run_scoped3A_212 : memref<!tpu.dma_semaphore, #tpu.memory_space<semaphore_mem>>)
      %dma_wait3A_225 = arith.constant 0 : i32
      %dma_wait3A_226 = arith.constant 0 : i32
      %dma_wait3A_227 = tpu.memref_slice %arg9[%run_scoped3A_18, %dma_wait3A_225, %dma_wait3A_226] : memref<2x80x128xf32, #tpu.memory_space<vmem>> -> memref<1x80x128xf32, #tpu.memory_space<vmem>>
      %dma_wait3A_228 = tpu.memref_squeeze %dma_wait3A_227 : memref<1x80x128xf32, #tpu.memory_space<vmem>> -> memref<80x128xf32, #tpu.memory_space<vmem>>
      %dma_wait3A_229 = arith.constant 0 : i32
      %dma_wait3A_230 = tpu.memref_slice %arg11[%add3A_17, %dma_wait3A_229] : memref<10000x128xf32, #tpu.memory_space<vmem_shared>> -> memref<80x128xf32, #tpu.memory_space<vmem_shared>>
      %dma_wait3A_231 = arith.constant 0 : i32
      %dma_wait3A_232 = tpu.memref_slice %arg11[%add3A_17, %dma_wait3A_231] : memref<10000x128xf32, #tpu.memory_space<vmem_shared>> -> memref<80x128xf32, #tpu.memory_space<vmem_shared>>
      %dma_wait3A_233 = arith.constant 0 : i32
      %dma_wait3A_234 = arith.constant 0 : i32
      %dma_wait3A_235 = tpu.memref_slice %arg9[%run_scoped3A_18, %dma_wait3A_233, %dma_wait3A_234] : memref<2x80x128xf32, #tpu.memory_space<vmem>> -> memref<1x80x128xf32, #tpu.memory_space<vmem>>
      %dma_wait3A_236 = tpu.memref_squeeze %dma_wait3A_235 : memref<1x80x128xf32, #tpu.memory_space<vmem>> -> memref<80x128xf32, #tpu.memory_space<vmem>>
      tpu.wait_dma2 semaphore(%run_scoped3A_212 : memref<!tpu.dma_semaphore, #tpu.memory_space<semaphore_mem>>) src(%dma_wait3A_236 : memref<80x128xf32, #tpu.memory_space<vmem>>) dst(%dma_wait3A_232 : memref<80x128xf32, #tpu.memory_space<vmem_shared>>)
      tpu.yield
    }) : () -> ()
    %add3A_19 = arith.constant 320 : i32
    %add3A_20 = arith.addi %mul3A_7, %add3A_19 : i32
    %run_scoped3A_21 = arith.constant 0 : i32
    "tpu.region"() ({
      %run_scoped3A_212 = tpu.sem_alloc : memref<!tpu.dma_semaphore, #tpu.memory_space<semaphore_mem>>
      %dma_start3A_213 = arith.constant 0 : i32
      %dma_start3A_214 = arith.constant 0 : i32
      %dma_start3A_215 = tpu.memref_slice %arg9[%run_scoped3A_21, %dma_start3A_213, %dma_start3A_214] : memref<2x80x128xf32, #tpu.memory_space<vmem>> -> memref<1x80x128xf32, #tpu.memory_space<vmem>>
      %dma_start3A_216 = tpu.memref_squeeze %dma_start3A_215 : memref<1x80x128xf32, #tpu.memory_space<vmem>> -> memref<80x128xf32, #tpu.memory_space<vmem>>
      %dma_start3A_217 = arith.constant 0 : i32
      %dma_start3A_218 = tpu.memref_slice %arg11[%add3A_20, %dma_start3A_217] : memref<10000x128xf32, #tpu.memory_space<vmem_shared>> -> memref<80x128xf32, #tpu.memory_space<vmem_shared>>
      %dma_start3A_219 = arith.constant 0 : i32
      %dma_start3A_220 = tpu.memref_slice %arg11[%add3A_20, %dma_start3A_219] : memref<10000x128xf32, #tpu.memory_space<vmem_shared>> -> memref<80x128xf32, #tpu.memory_space<vmem_shared>>
      %dma_start3A_221 = arith.constant 0 : i32
      %dma_start3A_222 = arith.constant 0 : i32
      %dma_start3A_223 = tpu.memref_slice %arg9[%run_scoped3A_21, %dma_start3A_221, %dma_start3A_222] : memref<2x80x128xf32, #tpu.memory_space<vmem>> -> memref<1x80x128xf32, #tpu.memory_space<vmem>>
      %dma_start3A_224 = tpu.memref_squeeze %dma_start3A_223 : memref<1x80x128xf32, #tpu.memory_space<vmem>> -> memref<80x128xf32, #tpu.memory_space<vmem>>
      tpu.enqueue_dma source(%dma_start3A_224 : memref<80x128xf32, #tpu.memory_space<vmem>>) target(%dma_start3A_220 : memref<80x128xf32, #tpu.memory_space<vmem_shared>>) target_semaphore(%run_scoped3A_212 : memref<!tpu.dma_semaphore, #tpu.memory_space<semaphore_mem>>)
      %dma_wait3A_225 = arith.constant 0 : i32
      %dma_wait3A_226 = arith.constant 0 : i32
      %dma_wait3A_227 = tpu.memref_slice %arg9[%run_scoped3A_21, %dma_wait3A_225, %dma_wait3A_226] : memref<2x80x128xf32, #tpu.memory_space<vmem>> -> memref<1x80x128xf32, #tpu.memory_space<vmem>>
      %dma_wait3A_228 = tpu.memref_squeeze %dma_wait3A_227 : memref<1x80x128xf32, #tpu.memory_space<vmem>> -> memref<80x128xf32, #tpu.memory_space<vmem>>
      %dma_wait3A_229 = arith.constant 0 : i32
      %dma_wait3A_230 = tpu.memref_slice %arg11[%add3A_20, %dma_wait3A_229] : memref<10000x128xf32, #tpu.memory_space<vmem_shared>> -> memref<80x128xf32, #tpu.memory_space<vmem_shared>>
      %dma_wait3A_231 = arith.constant 0 : i32
      %dma_wait3A_232 = tpu.memref_slice %arg11[%add3A_20, %dma_wait3A_231] : memref<10000x128xf32, #tpu.memory_space<vmem_shared>> -> memref<80x128xf32, #tpu.memory_space<vmem_shared>>
      %dma_wait3A_233 = arith.constant 0 : i32
      %dma_wait3A_234 = arith.constant 0 : i32
      %dma_wait3A_235 = tpu.memref_slice %arg9[%run_scoped3A_21, %dma_wait3A_233, %dma_wait3A_234] : memref<2x80x128xf32, #tpu.memory_space<vmem>> -> memref<1x80x128xf32, #tpu.memory_space<vmem>>
      %dma_wait3A_236 = tpu.memref_squeeze %dma_wait3A_235 : memref<1x80x128xf32, #tpu.memory_space<vmem>> -> memref<80x128xf32, #tpu.memory_space<vmem>>
      tpu.wait_dma2 semaphore(%run_scoped3A_212 : memref<!tpu.dma_semaphore, #tpu.memory_space<semaphore_mem>>) src(%dma_wait3A_236 : memref<80x128xf32, #tpu.memory_space<vmem>>) dst(%dma_wait3A_232 : memref<80x128xf32, #tpu.memory_space<vmem_shared>>)
      tpu.yield
    }) : () -> ()
    %add3A_22 = arith.constant 400 : i32
    %add3A_23 = arith.addi %mul3A_7, %add3A_22 : i32
    %run_scoped3A_24 = arith.constant 0 : i32
    "tpu.region"() ({
      %run_scoped3A_212 = tpu.sem_alloc : memref<!tpu.dma_semaphore, #tpu.memory_space<semaphore_mem>>
      %dma_start3A_213 = arith.constant 0 : i32
      %dma_start3A_214 = arith.constant 0 : i32
      %dma_start3A_215 = tpu.memref_slice %arg9[%run_scoped3A_24, %dma_start3A_213, %dma_start3A_214] : memref<2x80x128xf32, #tpu.memory_space<vmem>> -> memref<1x80x128xf32, #tpu.memory_space<vmem>>
      %dma_start3A_216 = tpu.memref_squeeze %dma_start3A_215 : memref<1x80x128xf32, #tpu.memory_space<vmem>> -> memref<80x128xf32, #tpu.memory_space<vmem>>
      %dma_start3A_217 = arith.constant 0 : i32
      %dma_start3A_218 = tpu.memref_slice %arg11[%add3A_23, %dma_start3A_217] : memref<10000x128xf32, #tpu.memory_space<vmem_shared>> -> memref<80x128xf32, #tpu.memory_space<vmem_shared>>
      %dma_start3A_219 = arith.constant 0 : i32
      %dma_start3A_220 = tpu.memref_slice %arg11[%add3A_23, %dma_start3A_219] : memref<10000x128xf32, #tpu.memory_space<vmem_shared>> -> memref<80x128xf32, #tpu.memory_space<vmem_shared>>
      %dma_start3A_221 = arith.constant 0 : i32
      %dma_start3A_222 = arith.constant 0 : i32
      %dma_start3A_223 = tpu.memref_slice %arg9[%run_scoped3A_24, %dma_start3A_221, %dma_start3A_222] : memref<2x80x128xf32, #tpu.memory_space<vmem>> -> memref<1x80x128xf32, #tpu.memory_space<vmem>>
      %dma_start3A_224 = tpu.memref_squeeze %dma_start3A_223 : memref<1x80x128xf32, #tpu.memory_space<vmem>> -> memref<80x128xf32, #tpu.memory_space<vmem>>
      tpu.enqueue_dma source(%dma_start3A_224 : memref<80x128xf32, #tpu.memory_space<vmem>>) target(%dma_start3A_220 : memref<80x128xf32, #tpu.memory_space<vmem_shared>>) target_semaphore(%run_scoped3A_212 : memref<!tpu.dma_semaphore, #tpu.memory_space<semaphore_mem>>)
      %dma_wait3A_225 = arith.constant 0 : i32
      %dma_wait3A_226 = arith.constant 0 : i32
      %dma_wait3A_227 = tpu.memref_slice %arg9[%run_scoped3A_24, %dma_wait3A_225, %dma_wait3A_226] : memref<2x80x128xf32, #tpu.memory_space<vmem>> -> memref<1x80x128xf32, #tpu.memory_space<vmem>>
      %dma_wait3A_228 = tpu.memref_squeeze %dma_wait3A_227 : memref<1x80x128xf32, #tpu.memory_space<vmem>> -> memref<80x128xf32, #tpu.memory_space<vmem>>
      %dma_wait3A_229 = arith.constant 0 : i32
      %dma_wait3A_230 = tpu.memref_slice %arg11[%add3A_23, %dma_wait3A_229] : memref<10000x128xf32, #tpu.memory_space<vmem_shared>> -> memref<80x128xf32, #tpu.memory_space<vmem_shared>>
      %dma_wait3A_231 = arith.constant 0 : i32
      %dma_wait3A_232 = tpu.memref_slice %arg11[%add3A_23, %dma_wait3A_231] : memref<10000x128xf32, #tpu.memory_space<vmem_shared>> -> memref<80x128xf32, #tpu.memory_space<vmem_shared>>
      %dma_wait3A_233 = arith.constant 0 : i32
      %dma_wait3A_234 = arith.constant 0 : i32
      %dma_wait3A_235 = tpu.memref_slice %arg9[%run_scoped3A_24, %dma_wait3A_233, %dma_wait3A_234] : memref<2x80x128xf32, #tpu.memory_space<vmem>> -> memref<1x80x128xf32, #tpu.memory_space<vmem>>
      %dma_wait3A_236 = tpu.memref_squeeze %dma_wait3A_235 : memref<1x80x128xf32, #tpu.memory_space<vmem>> -> memref<80x128xf32, #tpu.memory_space<vmem>>
      tpu.wait_dma2 semaphore(%run_scoped3A_212 : memref<!tpu.dma_semaphore, #tpu.memory_space<semaphore_mem>>) src(%dma_wait3A_236 : memref<80x128xf32, #tpu.memory_space<vmem>>) dst(%dma_wait3A_232 : memref<80x128xf32, #tpu.memory_space<vmem_shared>>)
      tpu.yield
    }) : () -> ()
    %add3A_25 = arith.constant 480 : i32
    %add3A_26 = arith.addi %mul3A_7, %add3A_25 : i32
    %run_scoped3A_27 = arith.constant 0 : i32
    "tpu.region"() ({
      %run_scoped3A_212 = tpu.sem_alloc : memref<!tpu.dma_semaphore, #tpu.memory_space<semaphore_mem>>
      %dma_start3A_213 = arith.constant 0 : i32
      %dma_start3A_214 = arith.constant 0 : i32
      %dma_start3A_215 = tpu.memref_slice %arg9[%run_scoped3A_27, %dma_start3A_213, %dma_start3A_214] : memref<2x80x128xf32, #tpu.memory_space<vmem>> -> memref<1x80x128xf32, #tpu.memory_space<vmem>>
      %dma_start3A_216 = tpu.memref_squeeze %dma_start3A_215 : memref<1x80x128xf32, #tpu.memory_space<vmem>> -> memref<80x128xf32, #tpu.memory_space<vmem>>
      %dma_start3A_217 = arith.constant 0 : i32
      %dma_start3A_218 = tpu.memref_slice %arg11[%add3A_26, %dma_start3A_217] : memref<10000x128xf32, #tpu.memory_space<vmem_shared>> -> memref<80x128xf32, #tpu.memory_space<vmem_shared>>
      %dma_start3A_219 = arith.constant 0 : i32
      %dma_start3A_220 = tpu.memref_slice %arg11[%add3A_26, %dma_start3A_219] : memref<10000x128xf32, #tpu.memory_space<vmem_shared>> -> memref<80x128xf32, #tpu.memory_space<vmem_shared>>
      %dma_start3A_221 = arith.constant 0 : i32
      %dma_start3A_222 = arith.constant 0 : i32
      %dma_start3A_223 = tpu.memref_slice %arg9[%run_scoped3A_27, %dma_start3A_221, %dma_start3A_222] : memref<2x80x128xf32, #tpu.memory_space<vmem>> -> memref<1x80x128xf32, #tpu.memory_space<vmem>>
      %dma_start3A_224 = tpu.memref_squeeze %dma_start3A_223 : memref<1x80x128xf32, #tpu.memory_space<vmem>> -> memref<80x128xf32, #tpu.memory_space<vmem>>
      tpu.enqueue_dma source(%dma_start3A_224 : memref<80x128xf32, #tpu.memory_space<vmem>>) target(%dma_start3A_220 : memref<80x128xf32, #tpu.memory_space<vmem_shared>>) target_semaphore(%run_scoped3A_212 : memref<!tpu.dma_semaphore, #tpu.memory_space<semaphore_mem>>)
      %dma_wait3A_225 = arith.constant 0 : i32
      %dma_wait3A_226 = arith.constant 0 : i32
      %dma_wait3A_227 = tpu.memref_slice %arg9[%run_scoped3A_27, %dma_wait3A_225, %dma_wait3A_226] : memref<2x80x128xf32, #tpu.memory_space<vmem>> -> memref<1x80x128xf32, #tpu.memory_space<vmem>>
      %dma_wait3A_228 = tpu.memref_squeeze %dma_wait3A_227 : memref<1x80x128xf32, #tpu.memory_space<vmem>> -> memref<80x128xf32, #tpu.memory_space<vmem>>
      %dma_wait3A_229 = arith.constant 0 : i32
      %dma_wait3A_230 = tpu.memref_slice %arg11[%add3A_26, %dma_wait3A_229] : memref<10000x128xf32, #tpu.memory_space<vmem_shared>> -> memref<80x128xf32, #tpu.memory_space<vmem_shared>>
      %dma_wait3A_231 = arith.constant 0 : i32
      %dma_wait3A_232 = tpu.memref_slice %arg11[%add3A_26, %dma_wait3A_231] : memref<10000x128xf32, #tpu.memory_space<vmem_shared>> -> memref<80x128xf32, #tpu.memory_space<vmem_shared>>
      %dma_wait3A_233 = arith.constant 0 : i32
      %dma_wait3A_234 = arith.constant 0 : i32
      %dma_wait3A_235 = tpu.memref_slice %arg9[%run_scoped3A_27, %dma_wait3A_233, %dma_wait3A_234] : memref<2x80x128xf32, #tpu.memory_space<vmem>> -> memref<1x80x128xf32, #tpu.memory_space<vmem>>
      %dma_wait3A_236 = tpu.memref_squeeze %dma_wait3A_235 : memref<1x80x128xf32, #tpu.memory_space<vmem>> -> memref<80x128xf32, #tpu.memory_space<vmem>>
      tpu.wait_dma2 semaphore(%run_scoped3A_212 : memref<!tpu.dma_semaphore, #tpu.memory_space<semaphore_mem>>) src(%dma_wait3A_236 : memref<80x128xf32, #tpu.memory_space<vmem>>) dst(%dma_wait3A_232 : memref<80x128xf32, #tpu.memory_space<vmem_shared>>)
      tpu.yield
    }) : () -> ()
    %add3A_28 = arith.constant 560 : i32
    %add3A_29 = arith.addi %mul3A_7, %add3A_28 : i32
    %run_scoped3A_30 = arith.constant 0 : i32
    "tpu.region"() ({
      %run_scoped3A_212 = tpu.sem_alloc : memref<!tpu.dma_semaphore, #tpu.memory_space<semaphore_mem>>
      %dma_start3A_213 = arith.constant 0 : i32
      %dma_start3A_214 = arith.constant 0 : i32
      %dma_start3A_215 = tpu.memref_slice %arg9[%run_scoped3A_30, %dma_start3A_213, %dma_start3A_214] : memref<2x80x128xf32, #tpu.memory_space<vmem>> -> memref<1x64x128xf32, #tpu.memory_space<vmem>>
      %dma_start3A_216 = tpu.memref_squeeze %dma_start3A_215 : memref<1x64x128xf32, #tpu.memory_space<vmem>> -> memref<64x128xf32, #tpu.memory_space<vmem>>
      %dma_start3A_217 = arith.constant 0 : i32
      %dma_start3A_218 = tpu.memref_slice %arg11[%add3A_29, %dma_start3A_217] : memref<10000x128xf32, #tpu.memory_space<vmem_shared>> -> memref<64x128xf32, #tpu.memory_space<vmem_shared>>
      %dma_start3A_219 = arith.constant 0 : i32
      %dma_start3A_220 = tpu.memref_slice %arg11[%add3A_29, %dma_start3A_219] : memref<10000x128xf32, #tpu.memory_space<vmem_shared>> -> memref<64x128xf32, #tpu.memory_space<vmem_shared>>
      %dma_start3A_221 = arith.constant 0 : i32
      %dma_start3A_222 = arith.constant 0 : i32
      %dma_start3A_223 = tpu.memref_slice %arg9[%run_scoped3A_30, %dma_start3A_221, %dma_start3A_222] : memref<2x80x128xf32, #tpu.memory_space<vmem>> -> memref<1x64x128xf32, #tpu.memory_space<vmem>>
      %dma_start3A_224 = tpu.memref_squeeze %dma_start3A_223 : memref<1x64x128xf32, #tpu.memory_space<vmem>> -> memref<64x128xf32, #tpu.memory_space<vmem>>
      tpu.enqueue_dma source(%dma_start3A_224 : memref<64x128xf32, #tpu.memory_space<vmem>>) target(%dma_start3A_220 : memref<64x128xf32, #tpu.memory_space<vmem_shared>>) target_semaphore(%run_scoped3A_212 : memref<!tpu.dma_semaphore, #tpu.memory_space<semaphore_mem>>)
      %dma_wait3A_225 = arith.constant 0 : i32
      %dma_wait3A_226 = arith.constant 0 : i32
      %dma_wait3A_227 = tpu.memref_slice %arg9[%run_scoped3A_30, %dma_wait3A_225, %dma_wait3A_226] : memref<2x80x128xf32, #tpu.memory_space<vmem>> -> memref<1x64x128xf32, #tpu.memory_space<vmem>>
      %dma_wait3A_228 = tpu.memref_squeeze %dma_wait3A_227 : memref<1x64x128xf32, #tpu.memory_space<vmem>> -> memref<64x128xf32, #tpu.memory_space<vmem>>
      %dma_wait3A_229 = arith.constant 0 : i32
      %dma_wait3A_230 = tpu.memref_slice %arg11[%add3A_29, %dma_wait3A_229] : memref<10000x128xf32, #tpu.memory_space<vmem_shared>> -> memref<64x128xf32, #tpu.memory_space<vmem_shared>>
      %dma_wait3A_231 = arith.constant 0 : i32
      %dma_wait3A_232 = tpu.memref_slice %arg11[%add3A_29, %dma_wait3A_231] : memref<10000x128xf32, #tpu.memory_space<vmem_shared>> -> memref<64x128xf32, #tpu.memory_space<vmem_shared>>
      %dma_wait3A_233 = arith.constant 0 : i32
      %dma_wait3A_234 = arith.constant 0 : i32
      %dma_wait3A_235 = tpu.memref_slice %arg9[%run_scoped3A_30, %dma_wait3A_233, %dma_wait3A_234] : memref<2x80x128xf32, #tpu.memory_space<vmem>> -> memref<1x64x128xf32, #tpu.memory_space<vmem>>
      %dma_wait3A_236 = tpu.memref_squeeze %dma_wait3A_235 : memref<1x64x128xf32, #tpu.memory_space<vmem>> -> memref<64x128xf32, #tpu.memory_space<vmem>>
      tpu.wait_dma2 semaphore(%run_scoped3A_212 : memref<!tpu.dma_semaphore, #tpu.memory_space<semaphore_mem>>) src(%dma_wait3A_236 : memref<64x128xf32, #tpu.memory_space<vmem>>) dst(%dma_wait3A_232 : memref<64x128xf32, #tpu.memory_space<vmem_shared>>)
      tpu.yield
    }) : () -> ()
    %eq3A = arith.constant 15 : i32
    %eq3A_31 = arith.cmpi eq, %arg1, %eq3A : i32
    %convert_element_type3A = arith.extui %eq3A_31 : i1 to i32
    %cond3A = arith.constant 0 : i32
    %cond3A_32 = arith.cmpi ne, %convert_element_type3A, %cond3A : i32
    scf.if %cond3A_32 {
      %run_scoped3A_212 = arith.constant 0 : i32
      "tpu.region"() ({
        %run_scoped3A_213 = tpu.sem_alloc : memref<!tpu.dma_semaphore, #tpu.memory_space<semaphore_mem>>
        %dma_start3A_214 = arith.constant 0 : i32
        %dma_start3A_215 = arith.constant 0 : i32
        %dma_start3A_216 = tpu.memref_slice %arg9[%run_scoped3A_212, %dma_start3A_214, %dma_start3A_215] : memref<2x80x128xf32, #tpu.memory_space<vmem>> -> memref<1x16x128xf32, #tpu.memory_space<vmem>>
        %dma_start3A_217 = tpu.memref_squeeze %dma_start3A_216 : memref<1x16x128xf32, #tpu.memory_space<vmem>> -> memref<16x128xf32, #tpu.memory_space<vmem>>
        %dma_start3A_218 = arith.constant 9984 : i32
        %dma_start3A_219 = arith.constant 0 : i32
        %dma_start3A_220 = tpu.memref_slice %arg11[%dma_start3A_218, %dma_start3A_219] : memref<10000x128xf32, #tpu.memory_space<vmem_shared>> -> memref<16x128xf32, #tpu.memory_space<vmem_shared>>
        %dma_start3A_221 = arith.constant 9984 : i32
        %dma_start3A_222 = arith.constant 0 : i32
        %dma_start3A_223 = tpu.memref_slice %arg11[%dma_start3A_221, %dma_start3A_222] : memref<10000x128xf32, #tpu.memory_space<vmem_shared>> -> memref<16x128xf32, #tpu.memory_space<vmem_shared>>
        %dma_start3A_224 = arith.constant 0 : i32
        %dma_start3A_225 = arith.constant 0 : i32
        %dma_start3A_226 = tpu.memref_slice %arg9[%run_scoped3A_212, %dma_start3A_224, %dma_start3A_225] : memref<2x80x128xf32, #tpu.memory_space<vmem>> -> memref<1x16x128xf32, #tpu.memory_space<vmem>>
        %dma_start3A_227 = tpu.memref_squeeze %dma_start3A_226 : memref<1x16x128xf32, #tpu.memory_space<vmem>> -> memref<16x128xf32, #tpu.memory_space<vmem>>
        tpu.enqueue_dma source(%dma_start3A_227 : memref<16x128xf32, #tpu.memory_space<vmem>>) target(%dma_start3A_223 : memref<16x128xf32, #tpu.memory_space<vmem_shared>>) target_semaphore(%run_scoped3A_213 : memref<!tpu.dma_semaphore, #tpu.memory_space<semaphore_mem>>)
        %dma_wait3A_228 = arith.constant 0 : i32
        %dma_wait3A_229 = arith.constant 0 : i32
        %dma_wait3A_230 = tpu.memref_slice %arg9[%run_scoped3A_212, %dma_wait3A_228, %dma_wait3A_229] : memref<2x80x128xf32, #tpu.memory_space<vmem>> -> memref<1x16x128xf32, #tpu.memory_space<vmem>>
        %dma_wait3A_231 = tpu.memref_squeeze %dma_wait3A_230 : memref<1x16x128xf32, #tpu.memory_space<vmem>> -> memref<16x128xf32, #tpu.memory_space<vmem>>
        %dma_wait3A_232 = arith.constant 9984 : i32
        %dma_wait3A_233 = arith.constant 0 : i32
        %dma_wait3A_234 = tpu.memref_slice %arg11[%dma_wait3A_232, %dma_wait3A_233] : memref<10000x128xf32, #tpu.memory_space<vmem_shared>> -> memref<16x128xf32, #tpu.memory_space<vmem_shared>>
        %dma_wait3A_235 = arith.constant 9984 : i32
        %dma_wait3A_236 = arith.constant 0 : i32
        %dma_wait3A_237 = tpu.memref_slice %arg11[%dma_wait3A_235, %dma_wait3A_236] : memref<10000x128xf32, #tpu.memory_space<vmem_shared>> -> memref<16x128xf32, #tpu.memory_space<vmem_shared>>
        %dma_wait3A_238 = arith.constant 0 : i32
        %dma_wait3A_239 = arith.constant 0 : i32
        %dma_wait3A_240 = tpu.memref_slice %arg9[%run_scoped3A_212, %dma_wait3A_238, %dma_wait3A_239] : memref<2x80x128xf32, #tpu.memory_space<vmem>> -> memref<1x16x128xf32, #tpu.memory_space<vmem>>
        %dma_wait3A_241 = tpu.memref_squeeze %dma_wait3A_240 : memref<1x16x128xf32, #tpu.memory_space<vmem>> -> memref<16x128xf32, #tpu.memory_space<vmem>>
        tpu.wait_dma2 semaphore(%run_scoped3A_213 : memref<!tpu.dma_semaphore, #tpu.memory_space<semaphore_mem>>) src(%dma_wait3A_241 : memref<16x128xf32, #tpu.memory_space<vmem>>) dst(%dma_wait3A_237 : memref<16x128xf32, #tpu.memory_space<vmem_shared>>)
        tpu.yield
      }) : () -> ()
    } else {
    }
    %barrier3A = arith.constant 0 : index
    tpu.barrier barrier_id(%barrier3A)
    %iota3A = tpu.iota {dimensions = array<i32: 0>} : vector<16xi32>
    %xor3A = arith.constant 1 : i32
    %xor3A_33 = vector.broadcast %xor3A : i32 to vector<16xi32>
    %xor3A_34 = arith.xori %iota3A, %xor3A_33 : vector<16xi32>
    %xor3A_35 = arith.constant 2 : i32
    %xor3A_36 = vector.broadcast %xor3A_35 : i32 to vector<16xi32>
    %xor3A_37 = arith.xori %iota3A, %xor3A_36 : vector<16xi32>
    %xor3A_38 = arith.constant 4 : i32
    %xor3A_39 = vector.broadcast %xor3A_38 : i32 to vector<16xi32>
    %xor3A_40 = arith.xori %iota3A, %xor3A_39 : vector<16xi32>
    %xor3A_41 = arith.constant 8 : i32
    %xor3A_42 = vector.broadcast %xor3A_41 : i32 to vector<16xi32>
    %xor3A_43 = arith.xori %iota3A, %xor3A_42 : vector<16xi32>
    %add3A_44 = arith.constant 0 : i32
    %add3A_45 = arith.addi %add3A, %add3A_44 : i32
    %mul3A_46 = arith.constant 80 : i32
    %mul3A_47 = arith.muli %add3A_45, %mul3A_46 : i32
    %dma_start3A = arith.constant 0 : i32
    %dma_start3A_48 = arith.constant 0 : i32
    %dma_start3A_49 = tpu.memref_slice %arg6[%dma_start3A, %dma_start3A_48] : memref<3x80xi32, #tpu.memory_space<vmem>> -> memref<1x80xi32, #tpu.memory_space<vmem>>
    %dma_start3A_50 = tpu.memref_squeeze %dma_start3A_49 : memref<1x80xi32, #tpu.memory_space<vmem>> -> memref<80xi32, #tpu.memory_space<vmem>>
    %dma_start3A_51 = tpu.memref_slice %arg3[%mul3A_47] : memref<640000xi32, #tpu.memory_space<hbm>> -> memref<80xi32, #tpu.memory_space<hbm>>
    %dma_start3A_52 = arith.constant 0 : i32
    %dma_start3A_53 = tpu.memref_slice %arg6[%dma_start3A, %dma_start3A_52] : memref<3x80xi32, #tpu.memory_space<vmem>> -> memref<1x80xi32, #tpu.memory_space<vmem>>
    %dma_start3A_54 = tpu.memref_squeeze %dma_start3A_53 : memref<1x80xi32, #tpu.memory_space<vmem>> -> memref<80xi32, #tpu.memory_space<vmem>>
    %dma_start3A_55 = tpu.memref_slice %arg3[%mul3A_47] : memref<640000xi32, #tpu.memory_space<hbm>> -> memref<80xi32, #tpu.memory_space<hbm>>
    tpu.enqueue_dma source(%dma_start3A_55 : memref<80xi32, #tpu.memory_space<hbm>>) target(%dma_start3A_54 : memref<80xi32, #tpu.memory_space<vmem>>) target_semaphore(%arg12 : memref<!tpu.dma_semaphore, #tpu.memory_space<semaphore_mem>>)
    %add3A_56 = arith.constant 320000 : i32
    %add3A_57 = arith.addi %add3A_56, %mul3A_47 : i32
    %dma_start3A_58 = arith.constant 0 : i32
    %dma_start3A_59 = arith.constant 0 : i32
    %dma_start3A_60 = tpu.memref_slice %arg7[%dma_start3A_58, %dma_start3A_59] : memref<3x80xi32, #tpu.memory_space<vmem>> -> memref<1x80xi32, #tpu.memory_space<vmem>>
    %dma_start3A_61 = tpu.memref_squeeze %dma_start3A_60 : memref<1x80xi32, #tpu.memory_space<vmem>> -> memref<80xi32, #tpu.memory_space<vmem>>
    %dma_start3A_62 = tpu.memref_slice %arg3[%add3A_57] : memref<640000xi32, #tpu.memory_space<hbm>> -> memref<80xi32, #tpu.memory_space<hbm>>
    %dma_start3A_63 = arith.constant 0 : i32
    %dma_start3A_64 = tpu.memref_slice %arg7[%dma_start3A_58, %dma_start3A_63] : memref<3x80xi32, #tpu.memory_space<vmem>> -> memref<1x80xi32, #tpu.memory_space<vmem>>
    %dma_start3A_65 = tpu.memref_squeeze %dma_start3A_64 : memref<1x80xi32, #tpu.memory_space<vmem>> -> memref<80xi32, #tpu.memory_space<vmem>>
    %dma_start3A_66 = tpu.memref_slice %arg3[%add3A_57] : memref<640000xi32, #tpu.memory_space<hbm>> -> memref<80xi32, #tpu.memory_space<hbm>>
    tpu.enqueue_dma source(%dma_start3A_66 : memref<80xi32, #tpu.memory_space<hbm>>) target(%dma_start3A_65 : memref<80xi32, #tpu.memory_space<vmem>>) target_semaphore(%arg12 : memref<!tpu.dma_semaphore, #tpu.memory_space<semaphore_mem>>)
    %add3A_67 = arith.constant 0 : i32
    %add3A_68 = arith.addi %add3A, %add3A_67 : i32
    %mul3A_69 = arith.constant 80 : i32
    %mul3A_70 = arith.muli %add3A_68, %mul3A_69 : i32
    %dma_start3A_71 = arith.constant 0 : i32
    %dma_start3A_72 = arith.constant 0 : i32
    %dma_start3A_73 = arith.constant 0 : i32
    %dma_start3A_74 = tpu.memref_slice %arg8[%dma_start3A_71, %dma_start3A_72, %dma_start3A_73] : memref<2x80x128xf32, #tpu.memory_space<vmem>> -> memref<1x80x128xf32, #tpu.memory_space<vmem>>
    %dma_start3A_75 = tpu.memref_squeeze %dma_start3A_74 : memref<1x80x128xf32, #tpu.memory_space<vmem>> -> memref<80x128xf32, #tpu.memory_space<vmem>>
    %dma_start3A_76 = arith.constant 0 : i32
    %dma_start3A_77 = tpu.memref_slice %arg4[%mul3A_70, %dma_start3A_76] : memref<320000x128xf32, #tpu.memory_space<hbm>> -> memref<80x128xf32, #tpu.memory_space<hbm>>
    %dma_start3A_78 = arith.constant 0 : i32
    %dma_start3A_79 = arith.constant 0 : i32
    %dma_start3A_80 = tpu.memref_slice %arg8[%dma_start3A_71, %dma_start3A_78, %dma_start3A_79] : memref<2x80x128xf32, #tpu.memory_space<vmem>> -> memref<1x80x128xf32, #tpu.memory_space<vmem>>
    %dma_start3A_81 = tpu.memref_squeeze %dma_start3A_80 : memref<1x80x128xf32, #tpu.memory_space<vmem>> -> memref<80x128xf32, #tpu.memory_space<vmem>>
    %dma_start3A_82 = arith.constant 0 : i32
    %dma_start3A_83 = tpu.memref_slice %arg4[%mul3A_70, %dma_start3A_82] : memref<320000x128xf32, #tpu.memory_space<hbm>> -> memref<80x128xf32, #tpu.memory_space<hbm>>
    tpu.enqueue_dma source(%dma_start3A_83 : memref<80x128xf32, #tpu.memory_space<hbm>>) target(%dma_start3A_81 : memref<80x128xf32, #tpu.memory_space<vmem>>) target_semaphore(%arg13 : memref<!tpu.dma_semaphore, #tpu.memory_space<semaphore_mem>>)
    %add3A_84 = arith.constant 0 : i32
    %add3A_85 = arith.addi %add3A, %add3A_84 : i32
    %mul3A_86 = arith.constant 80 : i32
    %mul3A_87 = arith.muli %add3A_85, %mul3A_86 : i32
    %dma_wait3A = arith.constant 0 : i32
    %dma_wait3A_88 = arith.constant 0 : i32
    %dma_wait3A_89 = tpu.memref_slice %arg6[%dma_wait3A, %dma_wait3A_88] : memref<3x80xi32, #tpu.memory_space<vmem>> -> memref<1x80xi32, #tpu.memory_space<vmem>>
    %dma_wait3A_90 = tpu.memref_squeeze %dma_wait3A_89 : memref<1x80xi32, #tpu.memory_space<vmem>> -> memref<80xi32, #tpu.memory_space<vmem>>
    %dma_wait3A_91 = tpu.memref_slice %arg3[%mul3A_87] : memref<640000xi32, #tpu.memory_space<hbm>> -> memref<80xi32, #tpu.memory_space<hbm>>
    %dma_wait3A_92 = arith.constant 0 : i32
    %dma_wait3A_93 = tpu.memref_slice %arg6[%dma_wait3A, %dma_wait3A_92] : memref<3x80xi32, #tpu.memory_space<vmem>> -> memref<1x80xi32, #tpu.memory_space<vmem>>
    %dma_wait3A_94 = tpu.memref_squeeze %dma_wait3A_93 : memref<1x80xi32, #tpu.memory_space<vmem>> -> memref<80xi32, #tpu.memory_space<vmem>>
    %dma_wait3A_95 = tpu.memref_slice %arg3[%mul3A_87] : memref<640000xi32, #tpu.memory_space<hbm>> -> memref<80xi32, #tpu.memory_space<hbm>>
    tpu.wait_dma2 semaphore(%arg12 : memref<!tpu.dma_semaphore, #tpu.memory_space<semaphore_mem>>) src(%dma_wait3A_95 : memref<80xi32, #tpu.memory_space<hbm>>) dst(%dma_wait3A_94 : memref<80xi32, #tpu.memory_space<vmem>>)
    %add3A_96 = arith.constant 320000 : i32
    %add3A_97 = arith.addi %add3A_96, %mul3A_87 : i32
    %dma_wait3A_98 = arith.constant 0 : i32
    %dma_wait3A_99 = arith.constant 0 : i32
    %dma_wait3A_100 = tpu.memref_slice %arg7[%dma_wait3A_98, %dma_wait3A_99] : memref<3x80xi32, #tpu.memory_space<vmem>> -> memref<1x80xi32, #tpu.memory_space<vmem>>
    %dma_wait3A_101 = tpu.memref_squeeze %dma_wait3A_100 : memref<1x80xi32, #tpu.memory_space<vmem>> -> memref<80xi32, #tpu.memory_space<vmem>>
    %dma_wait3A_102 = tpu.memref_slice %arg3[%add3A_97] : memref<640000xi32, #tpu.memory_space<hbm>> -> memref<80xi32, #tpu.memory_space<hbm>>
    %dma_wait3A_103 = arith.constant 0 : i32
    %dma_wait3A_104 = tpu.memref_slice %arg7[%dma_wait3A_98, %dma_wait3A_103] : memref<3x80xi32, #tpu.memory_space<vmem>> -> memref<1x80xi32, #tpu.memory_space<vmem>>
    %dma_wait3A_105 = tpu.memref_squeeze %dma_wait3A_104 : memref<1x80xi32, #tpu.memory_space<vmem>> -> memref<80xi32, #tpu.memory_space<vmem>>
    %dma_wait3A_106 = tpu.memref_slice %arg3[%add3A_97] : memref<640000xi32, #tpu.memory_space<hbm>> -> memref<80xi32, #tpu.memory_space<hbm>>
    tpu.wait_dma2 semaphore(%arg12 : memref<!tpu.dma_semaphore, #tpu.memory_space<semaphore_mem>>) src(%dma_wait3A_106 : memref<80xi32, #tpu.memory_space<hbm>>) dst(%dma_wait3A_105 : memref<80xi32, #tpu.memory_space<vmem>>)
    %dma_start3A_107 = arith.constant 0 : i32
    %dma_start3A_108 = arith.constant 0 : i32
    %dma_start3A_109 = arith.constant 0 : i32
    %dma_start3A_110 = arith.constant 0 : i32
    %dma_start3A_111 = tpu.memref_slice %arg9[%dma_start3A_108, %dma_start3A_109, %dma_start3A_110] : memref<2x80x128xf32, #tpu.memory_space<vmem>> -> memref<1x80x128xf32, #tpu.memory_space<vmem>>
    %dma_start3A_112 = tpu.memref_squeeze %dma_start3A_111 : memref<1x80x128xf32, #tpu.memory_space<vmem>> -> memref<80x128xf32, #tpu.memory_space<vmem>>
    %dma_start3A_113 = arith.constant 0 : i32
    %dma_start3A_114 = tpu.memref_slice %arg6[%dma_start3A_107, %dma_start3A_113] : memref<3x80xi32, #tpu.memory_space<vmem>> -> memref<1x80xi32, #tpu.memory_space<vmem>>
    %dma_start3A_115 = tpu.memref_squeeze %dma_start3A_114 : memref<1x80xi32, #tpu.memory_space<vmem>> -> memref<80xi32, #tpu.memory_space<vmem>>
    %dma_start3A_116 = arith.constant 0 : i32
    %dma_start3A_117 = arith.constant 0 : i32
    %dma_start3A_118 = tpu.memref_slice %arg2[%dma_start3A_116, %dma_start3A_117] : memref<10000x128xf32, #tpu.memory_space<hbm>> -> memref<10000x128xf32, #tpu.memory_space<hbm>>
    tpu.enqueue_indirect_dma source(%dma_start3A_118 : memref<10000x128xf32, #tpu.memory_space<hbm>>) target(%dma_start3A_112 : memref<80x128xf32, #tpu.memory_space<vmem>>) offsets(%dma_start3A_115 : memref<80xi32, #tpu.memory_space<vmem>>) semaphore(%arg14 : memref<!tpu.dma_semaphore, #tpu.memory_space<semaphore_mem>>)
    %add3A_119 = arith.constant 32 : i32
    %add3A_120 = arith.addi %add3A, %add3A_119 : i32
    %mul3A_121 = arith.constant 80 : i32
    %mul3A_122 = arith.muli %add3A_120, %mul3A_121 : i32
    %dma_start3A_123 = arith.constant 1 : i32
    %dma_start3A_124 = arith.constant 0 : i32
    %dma_start3A_125 = tpu.memref_slice %arg6[%dma_start3A_123, %dma_start3A_124] : memref<3x80xi32, #tpu.memory_space<vmem>> -> memref<1x80xi32, #tpu.memory_space<vmem>>
    %dma_start3A_126 = tpu.memref_squeeze %dma_start3A_125 : memref<1x80xi32, #tpu.memory_space<vmem>> -> memref<80xi32, #tpu.memory_space<vmem>>
    %dma_start3A_127 = tpu.memref_slice %arg3[%mul3A_122] : memref<640000xi32, #tpu.memory_space<hbm>> -> memref<80xi32, #tpu.memory_space<hbm>>
    %dma_start3A_128 = arith.constant 0 : i32
    %dma_start3A_129 = tpu.memref_slice %arg6[%dma_start3A_123, %dma_start3A_128] : memref<3x80xi32, #tpu.memory_space<vmem>> -> memref<1x80xi32, #tpu.memory_space<vmem>>
    %dma_start3A_130 = tpu.memref_squeeze %dma_start3A_129 : memref<1x80xi32, #tpu.memory_space<vmem>> -> memref<80xi32, #tpu.memory_space<vmem>>
    %dma_start3A_131 = tpu.memref_slice %arg3[%mul3A_122] : memref<640000xi32, #tpu.memory_space<hbm>> -> memref<80xi32, #tpu.memory_space<hbm>>
    tpu.enqueue_dma source(%dma_start3A_131 : memref<80xi32, #tpu.memory_space<hbm>>) target(%dma_start3A_130 : memref<80xi32, #tpu.memory_space<vmem>>) target_semaphore(%arg12 : memref<!tpu.dma_semaphore, #tpu.memory_space<semaphore_mem>>)
    %add3A_132 = arith.constant 320000 : i32
    %add3A_133 = arith.addi %add3A_132, %mul3A_122 : i32
    %dma_start3A_134 = arith.constant 1 : i32
    %dma_start3A_135 = arith.constant 0 : i32
    %dma_start3A_136 = tpu.memref_slice %arg7[%dma_start3A_134, %dma_start3A_135] : memref<3x80xi32, #tpu.memory_space<vmem>> -> memref<1x80xi32, #tpu.memory_space<vmem>>
    %dma_start3A_137 = tpu.memref_squeeze %dma_start3A_136 : memref<1x80xi32, #tpu.memory_space<vmem>> -> memref<80xi32, #tpu.memory_space<vmem>>
    %dma_start3A_138 = tpu.memref_slice %arg3[%add3A_133] : memref<640000xi32, #tpu.memory_space<hbm>> -> memref<80xi32, #tpu.memory_space<hbm>>
    %dma_start3A_139 = arith.constant 0 : i32
    %dma_start3A_140 = tpu.memref_slice %arg7[%dma_start3A_134, %dma_start3A_139] : memref<3x80xi32, #tpu.memory_space<vmem>> -> memref<1x80xi32, #tpu.memory_space<vmem>>
    %dma_start3A_141 = tpu.memref_squeeze %dma_start3A_140 : memref<1x80xi32, #tpu.memory_space<vmem>> -> memref<80xi32, #tpu.memory_space<vmem>>
    %dma_start3A_142 = tpu.memref_slice %arg3[%add3A_133] : memref<640000xi32, #tpu.memory_space<hbm>> -> memref<80xi32, #tpu.memory_space<hbm>>
    tpu.enqueue_dma source(%dma_start3A_142 : memref<80xi32, #tpu.memory_space<hbm>>) target(%dma_start3A_141 : memref<80xi32, #tpu.memory_space<vmem>>) target_semaphore(%arg12 : memref<!tpu.dma_semaphore, #tpu.memory_space<semaphore_mem>>)
    %scan3A_143 = arith.constant 0 : i32
    %scan3A_144 = arith.constant 0 : i32
    %scan3A_145 = arith.constant 125 : i32
    %scan3A_146 = arith.addi %scan3A_144, %scan3A_145 : i32
    %scan3A_147 = arith.constant 1 : i32
    scf.for %scan3A_212 = %scan3A_144 to %scan3A_146 step %scan3A_147  : i32 {
      %and3A = arith.constant 1 : i32
      %and3A_213 = arith.andi %scan3A_212, %and3A : i32
      %sub3A_214 = arith.constant 1 : i32
      %sub3A_215 = arith.subi %sub3A_214, %and3A_213 : i32
      %rem3A = arith.constant 3 : i32
      %rem3A_216 = arith.remsi %scan3A_212, %rem3A : i32
      %add3A_217 = arith.constant 1 : i32
      %add3A_218 = arith.addi %scan3A_212, %add3A_217 : i32
      %rem3A_219 = arith.constant 3 : i32
      %rem3A_220 = arith.remsi %add3A_218, %rem3A_219 : i32
      %add3A_221 = arith.constant 2 : i32
      %add3A_222 = arith.addi %scan3A_212, %add3A_221 : i32
      %rem3A_223 = arith.constant 3 : i32
      %rem3A_224 = arith.remsi %add3A_222, %rem3A_223 : i32
      %add3A_225 = arith.constant 2 : i32
      %add3A_226 = arith.addi %scan3A_212, %add3A_225 : i32
      %rem3A_227 = arith.constant 3 : i32
      %rem3A_228 = arith.remsi %add3A_226, %rem3A_227 : i32
      %dma_wait3A_229 = arith.constant 0 : i32
      %dma_wait3A_230 = arith.constant 0 : i32
      %dma_wait3A_231 = tpu.memref_slice %arg9[%and3A_213, %dma_wait3A_229, %dma_wait3A_230] : memref<2x80x128xf32, #tpu.memory_space<vmem>> -> memref<1x80x128xf32, #tpu.memory_space<vmem>>
      %dma_wait3A_232 = tpu.memref_squeeze %dma_wait3A_231 : memref<1x80x128xf32, #tpu.memory_space<vmem>> -> memref<80x128xf32, #tpu.memory_space<vmem>>
      %dma_wait3A_233 = arith.constant 0 : i32
      %dma_wait3A_234 = tpu.memref_slice %arg6[%rem3A_216, %dma_wait3A_233] : memref<3x80xi32, #tpu.memory_space<vmem>> -> memref<1x80xi32, #tpu.memory_space<vmem>>
      %dma_wait3A_235 = tpu.memref_squeeze %dma_wait3A_234 : memref<1x80xi32, #tpu.memory_space<vmem>> -> memref<80xi32, #tpu.memory_space<vmem>>
      %dma_wait3A_236 = arith.constant 0 : i32
      %dma_wait3A_237 = arith.constant 0 : i32
      %dma_wait3A_238 = tpu.memref_slice %arg2[%dma_wait3A_236, %dma_wait3A_237] : memref<10000x128xf32, #tpu.memory_space<hbm>> -> memref<10000x128xf32, #tpu.memory_space<hbm>>
      tpu.wait_indirect_dma semaphore(%arg14 : memref<!tpu.dma_semaphore, #tpu.memory_space<semaphore_mem>>) src(%dma_wait3A_238 : memref<10000x128xf32, #tpu.memory_space<hbm>>) dst(%dma_wait3A_232 : memref<80x128xf32, #tpu.memory_space<vmem>>)
      %mul3A_239 = arith.constant 32 : i32
      %mul3A_240 = arith.muli %scan3A_212, %mul3A_239 : i32
      %add3A_241 = arith.addi %add3A, %mul3A_240 : i32
      %mul3A_242 = arith.constant 80 : i32
      %mul3A_243 = arith.muli %add3A_241, %mul3A_242 : i32
      %dma_wait3A_244 = arith.constant 0 : i32
      %dma_wait3A_245 = arith.constant 0 : i32
      %dma_wait3A_246 = tpu.memref_slice %arg8[%and3A_213, %dma_wait3A_244, %dma_wait3A_245] : memref<2x80x128xf32, #tpu.memory_space<vmem>> -> memref<1x80x128xf32, #tpu.memory_space<vmem>>
      %dma_wait3A_247 = tpu.memref_squeeze %dma_wait3A_246 : memref<1x80x128xf32, #tpu.memory_space<vmem>> -> memref<80x128xf32, #tpu.memory_space<vmem>>
      %dma_wait3A_248 = arith.constant 0 : i32
      %dma_wait3A_249 = tpu.memref_slice %arg4[%mul3A_243, %dma_wait3A_248] : memref<320000x128xf32, #tpu.memory_space<hbm>> -> memref<80x128xf32, #tpu.memory_space<hbm>>
      %dma_wait3A_250 = arith.constant 0 : i32
      %dma_wait3A_251 = arith.constant 0 : i32
      %dma_wait3A_252 = tpu.memref_slice %arg8[%and3A_213, %dma_wait3A_250, %dma_wait3A_251] : memref<2x80x128xf32, #tpu.memory_space<vmem>> -> memref<1x80x128xf32, #tpu.memory_space<vmem>>
      %dma_wait3A_253 = tpu.memref_squeeze %dma_wait3A_252 : memref<1x80x128xf32, #tpu.memory_space<vmem>> -> memref<80x128xf32, #tpu.memory_space<vmem>>
      %dma_wait3A_254 = arith.constant 0 : i32
      %dma_wait3A_255 = tpu.memref_slice %arg4[%mul3A_243, %dma_wait3A_254] : memref<320000x128xf32, #tpu.memory_space<hbm>> -> memref<80x128xf32, #tpu.memory_space<hbm>>
      tpu.wait_dma2 semaphore(%arg13 : memref<!tpu.dma_semaphore, #tpu.memory_space<semaphore_mem>>) src(%dma_wait3A_255 : memref<80x128xf32, #tpu.memory_space<hbm>>) dst(%dma_wait3A_253 : memref<80x128xf32, #tpu.memory_space<vmem>>)
      %lt3A = arith.constant 124 : i32
      %lt3A_256 = arith.cmpi slt, %scan3A_212, %lt3A : i32
      %convert_element_type3A_257 = arith.extui %lt3A_256 : i1 to i32
      %cond3A_258 = arith.constant 0 : i32
      %cond3A_259 = arith.cmpi ne, %convert_element_type3A_257, %cond3A_258 : i32
      scf.if %cond3A_259 {
        %add3A_280 = arith.constant 1 : i32
        %add3A_281 = arith.addi %scan3A_212, %add3A_280 : i32
        %mul3A_282 = arith.constant 32 : i32
        %mul3A_283 = arith.muli %add3A_281, %mul3A_282 : i32
        %add3A_284 = arith.addi %add3A, %mul3A_283 : i32
        %mul3A_285 = arith.constant 80 : i32
        %mul3A_286 = arith.muli %add3A_284, %mul3A_285 : i32
        %dma_wait3A_287 = arith.constant 0 : i32
        %dma_wait3A_288 = tpu.memref_slice %arg6[%rem3A_220, %dma_wait3A_287] : memref<3x80xi32, #tpu.memory_space<vmem>> -> memref<1x80xi32, #tpu.memory_space<vmem>>
        %dma_wait3A_289 = tpu.memref_squeeze %dma_wait3A_288 : memref<1x80xi32, #tpu.memory_space<vmem>> -> memref<80xi32, #tpu.memory_space<vmem>>
        %dma_wait3A_290 = tpu.memref_slice %arg3[%mul3A_286] : memref<640000xi32, #tpu.memory_space<hbm>> -> memref<80xi32, #tpu.memory_space<hbm>>
        %dma_wait3A_291 = arith.constant 0 : i32
        %dma_wait3A_292 = tpu.memref_slice %arg6[%rem3A_220, %dma_wait3A_291] : memref<3x80xi32, #tpu.memory_space<vmem>> -> memref<1x80xi32, #tpu.memory_space<vmem>>
        %dma_wait3A_293 = tpu.memref_squeeze %dma_wait3A_292 : memref<1x80xi32, #tpu.memory_space<vmem>> -> memref<80xi32, #tpu.memory_space<vmem>>
        %dma_wait3A_294 = tpu.memref_slice %arg3[%mul3A_286] : memref<640000xi32, #tpu.memory_space<hbm>> -> memref<80xi32, #tpu.memory_space<hbm>>
        tpu.wait_dma2 semaphore(%arg12 : memref<!tpu.dma_semaphore, #tpu.memory_space<semaphore_mem>>) src(%dma_wait3A_294 : memref<80xi32, #tpu.memory_space<hbm>>) dst(%dma_wait3A_293 : memref<80xi32, #tpu.memory_space<vmem>>)
        %add3A_295 = arith.constant 320000 : i32
        %add3A_296 = arith.addi %add3A_295, %mul3A_286 : i32
        %dma_wait3A_297 = arith.constant 0 : i32
        %dma_wait3A_298 = tpu.memref_slice %arg7[%rem3A_220, %dma_wait3A_297] : memref<3x80xi32, #tpu.memory_space<vmem>> -> memref<1x80xi32, #tpu.memory_space<vmem>>
        %dma_wait3A_299 = tpu.memref_squeeze %dma_wait3A_298 : memref<1x80xi32, #tpu.memory_space<vmem>> -> memref<80xi32, #tpu.memory_space<vmem>>
        %dma_wait3A_300 = tpu.memref_slice %arg3[%add3A_296] : memref<640000xi32, #tpu.memory_space<hbm>> -> memref<80xi32, #tpu.memory_space<hbm>>
        %dma_wait3A_301 = arith.constant 0 : i32
        %dma_wait3A_302 = tpu.memref_slice %arg7[%rem3A_220, %dma_wait3A_301] : memref<3x80xi32, #tpu.memory_space<vmem>> -> memref<1x80xi32, #tpu.memory_space<vmem>>
        %dma_wait3A_303 = tpu.memref_squeeze %dma_wait3A_302 : memref<1x80xi32, #tpu.memory_space<vmem>> -> memref<80xi32, #tpu.memory_space<vmem>>
        %dma_wait3A_304 = tpu.memref_slice %arg3[%add3A_296] : memref<640000xi32, #tpu.memory_space<hbm>> -> memref<80xi32, #tpu.memory_space<hbm>>
        tpu.wait_dma2 semaphore(%arg12 : memref<!tpu.dma_semaphore, #tpu.memory_space<semaphore_mem>>) src(%dma_wait3A_304 : memref<80xi32, #tpu.memory_space<hbm>>) dst(%dma_wait3A_303 : memref<80xi32, #tpu.memory_space<vmem>>)
        %dma_start3A_305 = arith.constant 0 : i32
        %dma_start3A_306 = arith.constant 0 : i32
        %dma_start3A_307 = tpu.memref_slice %arg9[%sub3A_215, %dma_start3A_305, %dma_start3A_306] : memref<2x80x128xf32, #tpu.memory_space<vmem>> -> memref<1x80x128xf32, #tpu.memory_space<vmem>>
        %dma_start3A_308 = tpu.memref_squeeze %dma_start3A_307 : memref<1x80x128xf32, #tpu.memory_space<vmem>> -> memref<80x128xf32, #tpu.memory_space<vmem>>
        %dma_start3A_309 = arith.constant 0 : i32
        %dma_start3A_310 = tpu.memref_slice %arg6[%rem3A_220, %dma_start3A_309] : memref<3x80xi32, #tpu.memory_space<vmem>> -> memref<1x80xi32, #tpu.memory_space<vmem>>
        %dma_start3A_311 = tpu.memref_squeeze %dma_start3A_310 : memref<1x80xi32, #tpu.memory_space<vmem>> -> memref<80xi32, #tpu.memory_space<vmem>>
        %dma_start3A_312 = arith.constant 0 : i32
        %dma_start3A_313 = arith.constant 0 : i32
        %dma_start3A_314 = tpu.memref_slice %arg2[%dma_start3A_312, %dma_start3A_313] : memref<10000x128xf32, #tpu.memory_space<hbm>> -> memref<10000x128xf32, #tpu.memory_space<hbm>>
        tpu.enqueue_indirect_dma source(%dma_start3A_314 : memref<10000x128xf32, #tpu.memory_space<hbm>>) target(%dma_start3A_308 : memref<80x128xf32, #tpu.memory_space<vmem>>) offsets(%dma_start3A_311 : memref<80xi32, #tpu.memory_space<vmem>>) semaphore(%arg14 : memref<!tpu.dma_semaphore, #tpu.memory_space<semaphore_mem>>)
        %gt3A = arith.constant 0 : i32
        %gt3A_315 = arith.cmpi sgt, %scan3A_212, %gt3A : i32
        %convert_element_type3A_316 = arith.extui %gt3A_315 : i1 to i32
        %cond3A_317 = arith.constant 0 : i32
        %cond3A_318 = arith.cmpi ne, %convert_element_type3A_316, %cond3A_317 : i32
        scf.if %cond3A_318 {
          %dma_wait3A_338 = arith.constant 0 : i32
          %dma_wait3A_339 = arith.constant 0 : i32
          %dma_wait3A_340 = tpu.memref_slice %arg8[%sub3A_215, %dma_wait3A_338, %dma_wait3A_339] : memref<2x80x128xf32, #tpu.memory_space<vmem>> -> memref<1x80x128xf32, #tpu.memory_space<vmem>>
          %dma_wait3A_341 = tpu.memref_squeeze %dma_wait3A_340 : memref<1x80x128xf32, #tpu.memory_space<vmem>> -> memref<80x128xf32, #tpu.memory_space<vmem>>
          %dma_wait3A_342 = arith.constant 0 : i32
          %dma_wait3A_343 = tpu.memref_slice %arg7[%rem3A_228, %dma_wait3A_342] : memref<3x80xi32, #tpu.memory_space<vmem>> -> memref<1x80xi32, #tpu.memory_space<vmem>>
          %dma_wait3A_344 = tpu.memref_squeeze %dma_wait3A_343 : memref<1x80xi32, #tpu.memory_space<vmem>> -> memref<80xi32, #tpu.memory_space<vmem>>
          %dma_wait3A_345 = arith.constant 0 : i32
          %dma_wait3A_346 = arith.constant 0 : i32
          %dma_wait3A_347 = tpu.memref_slice %arg11[%dma_wait3A_345, %dma_wait3A_346] : memref<10000x128xf32, #tpu.memory_space<vmem_shared>> -> memref<10000x128xf32, #tpu.memory_space<vmem_shared>>
          tpu.wait_indirect_dma semaphore(%arg15 : memref<!tpu.dma_semaphore, #tpu.memory_space<semaphore_mem>>) src(%dma_wait3A_341 : memref<80x128xf32, #tpu.memory_space<vmem>>) dst(%dma_wait3A_347 : memref<10000x128xf32, #tpu.memory_space<vmem_shared>>)
        } else {
        }
        %add3A_319 = arith.constant 1 : i32
        %add3A_320 = arith.addi %scan3A_212, %add3A_319 : i32
        %mul3A_321 = arith.constant 32 : i32
        %mul3A_322 = arith.muli %add3A_320, %mul3A_321 : i32
        %add3A_323 = arith.addi %add3A, %mul3A_322 : i32
        %mul3A_324 = arith.constant 80 : i32
        %mul3A_325 = arith.muli %add3A_323, %mul3A_324 : i32
        %dma_start3A_326 = arith.constant 0 : i32
        %dma_start3A_327 = arith.constant 0 : i32
        %dma_start3A_328 = tpu.memref_slice %arg8[%sub3A_215, %dma_start3A_326, %dma_start3A_327] : memref<2x80x128xf32, #tpu.memory_space<vmem>> -> memref<1x80x128xf32, #tpu.memory_space<vmem>>
        %dma_start3A_329 = tpu.memref_squeeze %dma_start3A_328 : memref<1x80x128xf32, #tpu.memory_space<vmem>> -> memref<80x128xf32, #tpu.memory_space<vmem>>
        %dma_start3A_330 = arith.constant 0 : i32
        %dma_start3A_331 = tpu.memref_slice %arg4[%mul3A_325, %dma_start3A_330] : memref<320000x128xf32, #tpu.memory_space<hbm>> -> memref<80x128xf32, #tpu.memory_space<hbm>>
        %dma_start3A_332 = arith.constant 0 : i32
        %dma_start3A_333 = arith.constant 0 : i32
        %dma_start3A_334 = tpu.memref_slice %arg8[%sub3A_215, %dma_start3A_332, %dma_start3A_333] : memref<2x80x128xf32, #tpu.memory_space<vmem>> -> memref<1x80x128xf32, #tpu.memory_space<vmem>>
        %dma_start3A_335 = tpu.memref_squeeze %dma_start3A_334 : memref<1x80x128xf32, #tpu.memory_space<vmem>> -> memref<80x128xf32, #tpu.memory_space<vmem>>
        %dma_start3A_336 = arith.constant 0 : i32
        %dma_start3A_337 = tpu.memref_slice %arg4[%mul3A_325, %dma_start3A_336] : memref<320000x128xf32, #tpu.memory_space<hbm>> -> memref<80x128xf32, #tpu.memory_space<hbm>>
        tpu.enqueue_dma source(%dma_start3A_337 : memref<80x128xf32, #tpu.memory_space<hbm>>) target(%dma_start3A_335 : memref<80x128xf32, #tpu.memory_space<vmem>>) target_semaphore(%arg13 : memref<!tpu.dma_semaphore, #tpu.memory_space<semaphore_mem>>)
      } else {
      }
      %lt3A_260 = arith.constant 123 : i32
      %lt3A_261 = arith.cmpi slt, %scan3A_212, %lt3A_260 : i32
      %convert_element_type3A_262 = arith.extui %lt3A_261 : i1 to i32
      %cond3A_263 = arith.constant 0 : i32
      %cond3A_264 = arith.cmpi ne, %convert_element_type3A_262, %cond3A_263 : i32
      scf.if %cond3A_264 {
        %add3A_280 = arith.constant 2 : i32
        %add3A_281 = arith.addi %scan3A_212, %add3A_280 : i32
        %mul3A_282 = arith.constant 32 : i32
        %mul3A_283 = arith.muli %add3A_281, %mul3A_282 : i32
        %add3A_284 = arith.addi %add3A, %mul3A_283 : i32
        %mul3A_285 = arith.constant 80 : i32
        %mul3A_286 = arith.muli %add3A_284, %mul3A_285 : i32
        %dma_start3A_287 = arith.constant 0 : i32
        %dma_start3A_288 = tpu.memref_slice %arg6[%rem3A_224, %dma_start3A_287] : memref<3x80xi32, #tpu.memory_space<vmem>> -> memref<1x80xi32, #tpu.memory_space<vmem>>
        %dma_start3A_289 = tpu.memref_squeeze %dma_start3A_288 : memref<1x80xi32, #tpu.memory_space<vmem>> -> memref<80xi32, #tpu.memory_space<vmem>>
        %dma_start3A_290 = tpu.memref_slice %arg3[%mul3A_286] : memref<640000xi32, #tpu.memory_space<hbm>> -> memref<80xi32, #tpu.memory_space<hbm>>
        %dma_start3A_291 = arith.constant 0 : i32
        %dma_start3A_292 = tpu.memref_slice %arg6[%rem3A_224, %dma_start3A_291] : memref<3x80xi32, #tpu.memory_space<vmem>> -> memref<1x80xi32, #tpu.memory_space<vmem>>
        %dma_start3A_293 = tpu.memref_squeeze %dma_start3A_292 : memref<1x80xi32, #tpu.memory_space<vmem>> -> memref<80xi32, #tpu.memory_space<vmem>>
        %dma_start3A_294 = tpu.memref_slice %arg3[%mul3A_286] : memref<640000xi32, #tpu.memory_space<hbm>> -> memref<80xi32, #tpu.memory_space<hbm>>
        tpu.enqueue_dma source(%dma_start3A_294 : memref<80xi32, #tpu.memory_space<hbm>>) target(%dma_start3A_293 : memref<80xi32, #tpu.memory_space<vmem>>) target_semaphore(%arg12 : memref<!tpu.dma_semaphore, #tpu.memory_space<semaphore_mem>>)
        %add3A_295 = arith.constant 320000 : i32
        %add3A_296 = arith.addi %add3A_295, %mul3A_286 : i32
        %dma_start3A_297 = arith.constant 0 : i32
        %dma_start3A_298 = tpu.memref_slice %arg7[%rem3A_224, %dma_start3A_297] : memref<3x80xi32, #tpu.memory_space<vmem>> -> memref<1x80xi32, #tpu.memory_space<vmem>>
        %dma_start3A_299 = tpu.memref_squeeze %dma_start3A_298 : memref<1x80xi32, #tpu.memory_space<vmem>> -> memref<80xi32, #tpu.memory_space<vmem>>
        %dma_start3A_300 = tpu.memref_slice %arg3[%add3A_296] : memref<640000xi32, #tpu.memory_space<hbm>> -> memref<80xi32, #tpu.memory_space<hbm>>
        %dma_start3A_301 = arith.constant 0 : i32
        %dma_start3A_302 = tpu.memref_slice %arg7[%rem3A_224, %dma_start3A_301] : memref<3x80xi32, #tpu.memory_space<vmem>> -> memref<1x80xi32, #tpu.memory_space<vmem>>
        %dma_start3A_303 = tpu.memref_squeeze %dma_start3A_302 : memref<1x80xi32, #tpu.memory_space<vmem>> -> memref<80xi32, #tpu.memory_space<vmem>>
        %dma_start3A_304 = tpu.memref_slice %arg3[%add3A_296] : memref<640000xi32, #tpu.memory_space<hbm>> -> memref<80xi32, #tpu.memory_space<hbm>>
        tpu.enqueue_dma source(%dma_start3A_304 : memref<80xi32, #tpu.memory_space<hbm>>) target(%dma_start3A_303 : memref<80xi32, #tpu.memory_space<vmem>>) target_semaphore(%arg12 : memref<!tpu.dma_semaphore, #tpu.memory_space<semaphore_mem>>)
      } else {
      }
      %parallel_loop3A = arith.constant 0 : i32
      %parallel_loop3A_265 = arith.constant 80 : i32
      %parallel_loop3A_266 = arith.constant 1 : i32
      scf.for %parallel_loop3A_280 = %parallel_loop3A to %parallel_loop3A_265 step %parallel_loop3A_266  : i32 {
        %parallel_loop3A_281 = arith.index_cast %and3A_213 : i32 to index
        %parallel_loop3A_282 = arith.index_cast %parallel_loop3A_280 : i32 to index
        %parallel_loop3A_283 = arith.constant 0 : index
        %parallel_loop3A_284 = tpu.vector_load %arg8[%parallel_loop3A_281, %parallel_loop3A_282, %parallel_loop3A_283] {strides = array<i32>} : memref<2x80x128xf32, #tpu.memory_space<vmem>>, vector<1x1x16xf32>,
        %parallel_loop3A_285 = vector.shape_cast %parallel_loop3A_284 : vector<1x1x16xf32> to vector<16xf32>
        %parallel_loop3A_286 = math.exp %parallel_loop3A_285 : vector<16xf32>
        %parallel_loop3A_287 = arith.index_cast %and3A_213 : i32 to index
        %parallel_loop3A_288 = arith.index_cast %parallel_loop3A_280 : i32 to index
        %parallel_loop3A_289 = arith.constant 0 : index
        %parallel_loop3A_290 = tpu.vector_load %arg8[%parallel_loop3A_287, %parallel_loop3A_288, %parallel_loop3A_289] {strides = array<i32>} : memref<2x80x128xf32, #tpu.memory_space<vmem>>, vector<1x1x16xf32>,
        %parallel_loop3A_291 = vector.shape_cast %parallel_loop3A_290 : vector<1x1x16xf32> to vector<16xf32>
        %parallel_loop3A_292 = vector.shape_cast %parallel_loop3A_286 : vector<16xf32> to vector<1x1x16xf32>
        tpu.vector_store %arg8[%parallel_loop3A_287, %parallel_loop3A_288, %parallel_loop3A_289], %parallel_loop3A_292 {strides = array<i32>} : memref<2x80x128xf32, #tpu.memory_space<vmem>>, vector<1x1x16xf32>,
        %parallel_loop3A_293 = arith.index_cast %and3A_213 : i32 to index
        %parallel_loop3A_294 = arith.index_cast %parallel_loop3A_280 : i32 to index
        %parallel_loop3A_295 = arith.constant 16 : index
        %parallel_loop3A_296 = tpu.vector_load %arg8[%parallel_loop3A_293, %parallel_loop3A_294, %parallel_loop3A_295] {strides = array<i32>} : memref<2x80x128xf32, #tpu.memory_space<vmem>>, vector<1x1x16xf32>,
        %parallel_loop3A_297 = vector.shape_cast %parallel_loop3A_296 : vector<1x1x16xf32> to vector<16xf32>
        %parallel_loop3A_298 = math.exp %parallel_loop3A_297 : vector<16xf32>
        %parallel_loop3A_299 = arith.index_cast %and3A_213 : i32 to index
        %parallel_loop3A_300 = arith.index_cast %parallel_loop3A_280 : i32 to index
        %parallel_loop3A_301 = arith.constant 16 : index
        %parallel_loop3A_302 = tpu.vector_load %arg8[%parallel_loop3A_299, %parallel_loop3A_300, %parallel_loop3A_301] {strides = array<i32>} : memref<2x80x128xf32, #tpu.memory_space<vmem>>, vector<1x1x16xf32>,
        %parallel_loop3A_303 = vector.shape_cast %parallel_loop3A_302 : vector<1x1x16xf32> to vector<16xf32>
        %parallel_loop3A_304 = vector.shape_cast %parallel_loop3A_298 : vector<16xf32> to vector<1x1x16xf32>
        tpu.vector_store %arg8[%parallel_loop3A_299, %parallel_loop3A_300, %parallel_loop3A_301], %parallel_loop3A_304 {strides = array<i32>} : memref<2x80x128xf32, #tpu.memory_space<vmem>>, vector<1x1x16xf32>,
        %parallel_loop3A_305 = arith.index_cast %and3A_213 : i32 to index
        %parallel_loop3A_306 = arith.index_cast %parallel_loop3A_280 : i32 to index
        %parallel_loop3A_307 = arith.constant 32 : index
        %parallel_loop3A_308 = tpu.vector_load %arg8[%parallel_loop3A_305, %parallel_loop3A_306, %parallel_loop3A_307] {strides = array<i32>} : memref<2x80x128xf32, #tpu.memory_space<vmem>>, vector<1x1x16xf32>,
        %parallel_loop3A_309 = vector.shape_cast %parallel_loop3A_308 : vector<1x1x16xf32> to vector<16xf32>
        %parallel_loop3A_310 = math.exp %parallel_loop3A_309 : vector<16xf32>
        %parallel_loop3A_311 = arith.index_cast %and3A_213 : i32 to index
        %parallel_loop3A_312 = arith.index_cast %parallel_loop3A_280 : i32 to index
        %parallel_loop3A_313 = arith.constant 32 : index
        %parallel_loop3A_314 = tpu.vector_load %arg8[%parallel_loop3A_311, %parallel_loop3A_312, %parallel_loop3A_313] {strides = array<i32>} : memref<2x80x128xf32, #tpu.memory_space<vmem>>, vector<1x1x16xf32>,
        %parallel_loop3A_315 = vector.shape_cast %parallel_loop3A_314 : vector<1x1x16xf32> to vector<16xf32>
        %parallel_loop3A_316 = vector.shape_cast %parallel_loop3A_310 : vector<16xf32> to vector<1x1x16xf32>
        tpu.vector_store %arg8[%parallel_loop3A_311, %parallel_loop3A_312, %parallel_loop3A_313], %parallel_loop3A_316 {strides = array<i32>} : memref<2x80x128xf32, #tpu.memory_space<vmem>>, vector<1x1x16xf32>,
        %parallel_loop3A_317 = arith.index_cast %and3A_213 : i32 to index
        %parallel_loop3A_318 = arith.index_cast %parallel_loop3A_280 : i32 to index
        %parallel_loop3A_319 = arith.constant 48 : index
        %parallel_loop3A_320 = tpu.vector_load %arg8[%parallel_loop3A_317, %parallel_loop3A_318, %parallel_loop3A_319] {strides = array<i32>} : memref<2x80x128xf32, #tpu.memory_space<vmem>>, vector<1x1x16xf32>,
        %parallel_loop3A_321 = vector.shape_cast %parallel_loop3A_320 : vector<1x1x16xf32> to vector<16xf32>
        %parallel_loop3A_322 = math.exp %parallel_loop3A_321 : vector<16xf32>
        %parallel_loop3A_323 = arith.index_cast %and3A_213 : i32 to index
        %parallel_loop3A_324 = arith.index_cast %parallel_loop3A_280 : i32 to index
        %parallel_loop3A_325 = arith.constant 48 : index
        %parallel_loop3A_326 = tpu.vector_load %arg8[%parallel_loop3A_323, %parallel_loop3A_324, %parallel_loop3A_325] {strides = array<i32>} : memref<2x80x128xf32, #tpu.memory_space<vmem>>, vector<1x1x16xf32>,
        %parallel_loop3A_327 = vector.shape_cast %parallel_loop3A_326 : vector<1x1x16xf32> to vector<16xf32>
        %parallel_loop3A_328 = vector.shape_cast %parallel_loop3A_322 : vector<16xf32> to vector<1x1x16xf32>
        tpu.vector_store %arg8[%parallel_loop3A_323, %parallel_loop3A_324, %parallel_loop3A_325], %parallel_loop3A_328 {strides = array<i32>} : memref<2x80x128xf32, #tpu.memory_space<vmem>>, vector<1x1x16xf32>,
        %parallel_loop3A_329 = arith.index_cast %and3A_213 : i32 to index
        %parallel_loop3A_330 = arith.index_cast %parallel_loop3A_280 : i32 to index
        %parallel_loop3A_331 = arith.constant 64 : index
        %parallel_loop3A_332 = tpu.vector_load %arg8[%parallel_loop3A_329, %parallel_loop3A_330, %parallel_loop3A_331] {strides = array<i32>} : memref<2x80x128xf32, #tpu.memory_space<vmem>>, vector<1x1x16xf32>,
        %parallel_loop3A_333 = vector.shape_cast %parallel_loop3A_332 : vector<1x1x16xf32> to vector<16xf32>
        %parallel_loop3A_334 = math.exp %parallel_loop3A_333 : vector<16xf32>
        %parallel_loop3A_335 = arith.index_cast %and3A_213 : i32 to index
        %parallel_loop3A_336 = arith.index_cast %parallel_loop3A_280 : i32 to index
        %parallel_loop3A_337 = arith.constant 64 : index
        %parallel_loop3A_338 = tpu.vector_load %arg8[%parallel_loop3A_335, %parallel_loop3A_336, %parallel_loop3A_337] {strides = array<i32>} : memref<2x80x128xf32, #tpu.memory_space<vmem>>, vector<1x1x16xf32>,
        %parallel_loop3A_339 = vector.shape_cast %parallel_loop3A_338 : vector<1x1x16xf32> to vector<16xf32>
        %parallel_loop3A_340 = vector.shape_cast %parallel_loop3A_334 : vector<16xf32> to vector<1x1x16xf32>
        tpu.vector_store %arg8[%parallel_loop3A_335, %parallel_loop3A_336, %parallel_loop3A_337], %parallel_loop3A_340 {strides = array<i32>} : memref<2x80x128xf32, #tpu.memory_space<vmem>>, vector<1x1x16xf32>,
        %parallel_loop3A_341 = arith.index_cast %and3A_213 : i32 to index
        %parallel_loop3A_342 = arith.index_cast %parallel_loop3A_280 : i32 to index
        %parallel_loop3A_343 = arith.constant 80 : index
        %parallel_loop3A_344 = tpu.vector_load %arg8[%parallel_loop3A_341, %parallel_loop3A_342, %parallel_loop3A_343] {strides = array<i32>} : memref<2x80x128xf32, #tpu.memory_space<vmem>>, vector<1x1x16xf32>,
        %parallel_loop3A_345 = vector.shape_cast %parallel_loop3A_344 : vector<1x1x16xf32> to vector<16xf32>
        %parallel_loop3A_346 = math.exp %parallel_loop3A_345 : vector<16xf32>
        %parallel_loop3A_347 = arith.index_cast %and3A_213 : i32 to index
        %parallel_loop3A_348 = arith.index_cast %parallel_loop3A_280 : i32 to index
        %parallel_loop3A_349 = arith.constant 80 : index
        %parallel_loop3A_350 = tpu.vector_load %arg8[%parallel_loop3A_347, %parallel_loop3A_348, %parallel_loop3A_349] {strides = array<i32>} : memref<2x80x128xf32, #tpu.memory_space<vmem>>, vector<1x1x16xf32>,
        %parallel_loop3A_351 = vector.shape_cast %parallel_loop3A_350 : vector<1x1x16xf32> to vector<16xf32>
        %parallel_loop3A_352 = vector.shape_cast %parallel_loop3A_346 : vector<16xf32> to vector<1x1x16xf32>
        tpu.vector_store %arg8[%parallel_loop3A_347, %parallel_loop3A_348, %parallel_loop3A_349], %parallel_loop3A_352 {strides = array<i32>} : memref<2x80x128xf32, #tpu.memory_space<vmem>>, vector<1x1x16xf32>,
        %parallel_loop3A_353 = arith.index_cast %and3A_213 : i32 to index
        %parallel_loop3A_354 = arith.index_cast %parallel_loop3A_280 : i32 to index
        %parallel_loop3A_355 = arith.constant 96 : index
        %parallel_loop3A_356 = tpu.vector_load %arg8[%parallel_loop3A_353, %parallel_loop3A_354, %parallel_loop3A_355] {strides = array<i32>} : memref<2x80x128xf32, #tpu.memory_space<vmem>>, vector<1x1x16xf32>,
        %parallel_loop3A_357 = vector.shape_cast %parallel_loop3A_356 : vector<1x1x16xf32> to vector<16xf32>
        %parallel_loop3A_358 = math.exp %parallel_loop3A_357 : vector<16xf32>
        %parallel_loop3A_359 = arith.index_cast %and3A_213 : i32 to index
        %parallel_loop3A_360 = arith.index_cast %parallel_loop3A_280 : i32 to index
        %parallel_loop3A_361 = arith.constant 96 : index
        %parallel_loop3A_362 = tpu.vector_load %arg8[%parallel_loop3A_359, %parallel_loop3A_360, %parallel_loop3A_361] {strides = array<i32>} : memref<2x80x128xf32, #tpu.memory_space<vmem>>, vector<1x1x16xf32>,
        %parallel_loop3A_363 = vector.shape_cast %parallel_loop3A_362 : vector<1x1x16xf32> to vector<16xf32>
        %parallel_loop3A_364 = vector.shape_cast %parallel_loop3A_358 : vector<16xf32> to vector<1x1x16xf32>
        tpu.vector_store %arg8[%parallel_loop3A_359, %parallel_loop3A_360, %parallel_loop3A_361], %parallel_loop3A_364 {strides = array<i32>} : memref<2x80x128xf32, #tpu.memory_space<vmem>>, vector<1x1x16xf32>,
        %parallel_loop3A_365 = arith.index_cast %and3A_213 : i32 to index
        %parallel_loop3A_366 = arith.index_cast %parallel_loop3A_280 : i32 to index
        %parallel_loop3A_367 = arith.constant 112 : index
        %parallel_loop3A_368 = tpu.vector_load %arg8[%parallel_loop3A_365, %parallel_loop3A_366, %parallel_loop3A_367] {strides = array<i32>} : memref<2x80x128xf32, #tpu.memory_space<vmem>>, vector<1x1x16xf32>,
        %parallel_loop3A_369 = vector.shape_cast %parallel_loop3A_368 : vector<1x1x16xf32> to vector<16xf32>
        %parallel_loop3A_370 = math.exp %parallel_loop3A_369 : vector<16xf32>
        %parallel_loop3A_371 = arith.index_cast %and3A_213 : i32 to index
        %parallel_loop3A_372 = arith.index_cast %parallel_loop3A_280 : i32 to index
        %parallel_loop3A_373 = arith.constant 112 : index
        %parallel_loop3A_374 = tpu.vector_load %arg8[%parallel_loop3A_371, %parallel_loop3A_372, %parallel_loop3A_373] {strides = array<i32>} : memref<2x80x128xf32, #tpu.memory_space<vmem>>, vector<1x1x16xf32>,
        %parallel_loop3A_375 = vector.shape_cast %parallel_loop3A_374 : vector<1x1x16xf32> to vector<16xf32>
        %parallel_loop3A_376 = vector.shape_cast %parallel_loop3A_370 : vector<16xf32> to vector<1x1x16xf32>
        tpu.vector_store %arg8[%parallel_loop3A_371, %parallel_loop3A_372, %parallel_loop3A_373], %parallel_loop3A_376 {strides = array<i32>} : memref<2x80x128xf32, #tpu.memory_space<vmem>>, vector<1x1x16xf32>,
        %parallel_loop3A_377 = arith.addf %parallel_loop3A_286, %parallel_loop3A_298 : vector<16xf32>
        %parallel_loop3A_378 = arith.addf %parallel_loop3A_310, %parallel_loop3A_322 : vector<16xf32>
        %parallel_loop3A_379 = arith.addf %parallel_loop3A_334, %parallel_loop3A_346 : vector<16xf32>
        %parallel_loop3A_380 = arith.addf %parallel_loop3A_358, %parallel_loop3A_370 : vector<16xf32>
        %parallel_loop3A_381 = arith.addf %parallel_loop3A_377, %parallel_loop3A_378 : vector<16xf32>
        %parallel_loop3A_382 = arith.addf %parallel_loop3A_379, %parallel_loop3A_380 : vector<16xf32>
        %parallel_loop3A_383 = arith.addf %parallel_loop3A_381, %parallel_loop3A_382 : vector<16xf32>
        %parallel_loop3A_384 = vector.shape_cast %xor3A_34 : vector<16xi32> to vector<16x1xi32>
        %parallel_loop3A_385 = vector.shape_cast %parallel_loop3A_384 : vector<16x1xi32> to vector<16xi32>
        %parallel_loop3A_386 = tpu.dynamic_gather %parallel_loop3A_383[%parallel_loop3A_385] in [0] : vector<16xf32>, vector<16xi32> -> vector<16xf32>
        %parallel_loop3A_387 = arith.addf %parallel_loop3A_383, %parallel_loop3A_386 : vector<16xf32>
        %parallel_loop3A_388 = vector.shape_cast %xor3A_37 : vector<16xi32> to vector<16x1xi32>
        %parallel_loop3A_389 = vector.shape_cast %parallel_loop3A_388 : vector<16x1xi32> to vector<16xi32>
        %parallel_loop3A_390 = tpu.dynamic_gather %parallel_loop3A_387[%parallel_loop3A_389] in [0] : vector<16xf32>, vector<16xi32> -> vector<16xf32>
        %parallel_loop3A_391 = arith.addf %parallel_loop3A_387, %parallel_loop3A_390 : vector<16xf32>
        %parallel_loop3A_392 = vector.shape_cast %xor3A_40 : vector<16xi32> to vector<16x1xi32>
        %parallel_loop3A_393 = vector.shape_cast %parallel_loop3A_392 : vector<16x1xi32> to vector<16xi32>
        %parallel_loop3A_394 = tpu.dynamic_gather %parallel_loop3A_391[%parallel_loop3A_393] in [0] : vector<16xf32>, vector<16xi32> -> vector<16xf32>
        %parallel_loop3A_395 = arith.addf %parallel_loop3A_391, %parallel_loop3A_394 : vector<16xf32>
        %parallel_loop3A_396 = vector.shape_cast %xor3A_43 : vector<16xi32> to vector<16x1xi32>
        %parallel_loop3A_397 = vector.shape_cast %parallel_loop3A_396 : vector<16x1xi32> to vector<16xi32>
        %parallel_loop3A_398 = tpu.dynamic_gather %parallel_loop3A_395[%parallel_loop3A_397] in [0] : vector<16xf32>, vector<16xi32> -> vector<16xf32>
        %parallel_loop3A_399 = arith.addf %parallel_loop3A_395, %parallel_loop3A_398 : vector<16xf32>
        %parallel_loop3A_400 = arith.constant 1.000000e+00 : f32
        %parallel_loop3A_401 = vector.broadcast %parallel_loop3A_400 : f32 to vector<16xf32>
        %parallel_loop3A_402 = arith.divf %parallel_loop3A_401, %parallel_loop3A_399 : vector<16xf32>
        %parallel_loop3A_403 = arith.constant 16 : i32
        %parallel_loop3A_404 = arith.muli %parallel_loop3A_280, %parallel_loop3A_403 : i32
        %parallel_loop3A_405 = tpu.assume_multiple %parallel_loop3A_404, 8 : i32
        %parallel_loop3A_406 = arith.index_cast %and3A_213 : i32 to index
        %parallel_loop3A_407 = arith.index_cast %parallel_loop3A_405 : i32 to index
        %parallel_loop3A_408 = tpu.vector_load %arg10[%parallel_loop3A_406, %parallel_loop3A_407] {strides = array<i32>} : memref<2x1280xf32, #tpu.memory_space<vmem>>, vector<1x16xf32>,
        %parallel_loop3A_409 = vector.shape_cast %parallel_loop3A_408 : vector<1x16xf32> to vector<16xf32>
        %parallel_loop3A_410 = vector.shape_cast %parallel_loop3A_402 : vector<16xf32> to vector<1x16xf32>
        tpu.vector_store %arg10[%parallel_loop3A_406, %parallel_loop3A_407], %parallel_loop3A_410 {strides = array<i32>} : memref<2x1280xf32, #tpu.memory_space<vmem>>, vector<1x16xf32>,
      } {sc.loop_unroll_factor = 2 : i64, sc.parallel_access}
      %parallel_loop3A_267 = arith.constant 0 : i32
      %parallel_loop3A_268 = arith.constant 80 : i32
      %parallel_loop3A_269 = arith.constant 1 : i32
      scf.for %parallel_loop3A_280 = %parallel_loop3A_267 to %parallel_loop3A_268 step %parallel_loop3A_269  : i32 {
        %parallel_loop3A_281 = arith.constant 16 : i32
        %parallel_loop3A_282 = arith.muli %parallel_loop3A_280, %parallel_loop3A_281 : i32
        %parallel_loop3A_283 = tpu.assume_multiple %parallel_loop3A_282, 8 : i32
        %parallel_loop3A_284 = arith.index_cast %and3A_213 : i32 to index
        %parallel_loop3A_285 = arith.index_cast %parallel_loop3A_283 : i32 to index
        %parallel_loop3A_286 = tpu.vector_load %arg10[%parallel_loop3A_284, %parallel_loop3A_285] {strides = array<i32>} : memref<2x1280xf32, #tpu.memory_space<vmem>>, vector<1x16xf32>,
        %parallel_loop3A_287 = vector.shape_cast %parallel_loop3A_286 : vector<1x16xf32> to vector<16xf32>
        %parallel_loop3A_288 = arith.index_cast %and3A_213 : i32 to index
        %parallel_loop3A_289 = arith.index_cast %parallel_loop3A_280 : i32 to index
        %parallel_loop3A_290 = arith.constant 0 : index
        %parallel_loop3A_291 = tpu.vector_load %arg8[%parallel_loop3A_288, %parallel_loop3A_289, %parallel_loop3A_290] {strides = array<i32>} : memref<2x80x128xf32, #tpu.memory_space<vmem>>, vector<1x1x16xf32>,
        %parallel_loop3A_292 = vector.shape_cast %parallel_loop3A_291 : vector<1x1x16xf32> to vector<16xf32>
        %parallel_loop3A_293 = arith.index_cast %and3A_213 : i32 to index
        %parallel_loop3A_294 = arith.index_cast %parallel_loop3A_280 : i32 to index
        %parallel_loop3A_295 = arith.constant 0 : index
        %parallel_loop3A_296 = tpu.vector_load %arg9[%parallel_loop3A_293, %parallel_loop3A_294, %parallel_loop3A_295] {strides = array<i32>} : memref<2x80x128xf32, #tpu.memory_space<vmem>>, vector<1x1x16xf32>,
        %parallel_loop3A_297 = vector.shape_cast %parallel_loop3A_296 : vector<1x1x16xf32> to vector<16xf32>
        %parallel_loop3A_298 = arith.mulf %parallel_loop3A_297, %parallel_loop3A_287 : vector<16xf32>
        %parallel_loop3A_299 = arith.mulf %parallel_loop3A_292, %parallel_loop3A_298 : vector<16xf32>
        %parallel_loop3A_300 = arith.index_cast %and3A_213 : i32 to index
        %parallel_loop3A_301 = arith.index_cast %parallel_loop3A_280 : i32 to index
        %parallel_loop3A_302 = arith.constant 0 : index
        %parallel_loop3A_303 = tpu.vector_load %arg8[%parallel_loop3A_300, %parallel_loop3A_301, %parallel_loop3A_302] {strides = array<i32>} : memref<2x80x128xf32, #tpu.memory_space<vmem>>, vector<1x1x16xf32>,
        %parallel_loop3A_304 = vector.shape_cast %parallel_loop3A_303 : vector<1x1x16xf32> to vector<16xf32>
        %parallel_loop3A_305 = vector.shape_cast %parallel_loop3A_299 : vector<16xf32> to vector<1x1x16xf32>
        tpu.vector_store %arg8[%parallel_loop3A_300, %parallel_loop3A_301, %parallel_loop3A_302], %parallel_loop3A_305 {strides = array<i32>} : memref<2x80x128xf32, #tpu.memory_space<vmem>>, vector<1x1x16xf32>,
        %parallel_loop3A_306 = arith.index_cast %and3A_213 : i32 to index
        %parallel_loop3A_307 = arith.index_cast %parallel_loop3A_280 : i32 to index
        %parallel_loop3A_308 = arith.constant 16 : index
        %parallel_loop3A_309 = tpu.vector_load %arg8[%parallel_loop3A_306, %parallel_loop3A_307, %parallel_loop3A_308] {strides = array<i32>} : memref<2x80x128xf32, #tpu.memory_space<vmem>>, vector<1x1x16xf32>,
        %parallel_loop3A_310 = vector.shape_cast %parallel_loop3A_309 : vector<1x1x16xf32> to vector<16xf32>
        %parallel_loop3A_311 = arith.index_cast %and3A_213 : i32 to index
        %parallel_loop3A_312 = arith.index_cast %parallel_loop3A_280 : i32 to index
        %parallel_loop3A_313 = arith.constant 16 : index
        %parallel_loop3A_314 = tpu.vector_load %arg9[%parallel_loop3A_311, %parallel_loop3A_312, %parallel_loop3A_313] {strides = array<i32>} : memref<2x80x128xf32, #tpu.memory_space<vmem>>, vector<1x1x16xf32>,
        %parallel_loop3A_315 = vector.shape_cast %parallel_loop3A_314 : vector<1x1x16xf32> to vector<16xf32>
        %parallel_loop3A_316 = arith.mulf %parallel_loop3A_315, %parallel_loop3A_287 : vector<16xf32>
        %parallel_loop3A_317 = arith.mulf %parallel_loop3A_310, %parallel_loop3A_316 : vector<16xf32>
        %parallel_loop3A_318 = arith.index_cast %and3A_213 : i32 to index
        %parallel_loop3A_319 = arith.index_cast %parallel_loop3A_280 : i32 to index
        %parallel_loop3A_320 = arith.constant 16 : index
        %parallel_loop3A_321 = tpu.vector_load %arg8[%parallel_loop3A_318, %parallel_loop3A_319, %parallel_loop3A_320] {strides = array<i32>} : memref<2x80x128xf32, #tpu.memory_space<vmem>>, vector<1x1x16xf32>,
        %parallel_loop3A_322 = vector.shape_cast %parallel_loop3A_321 : vector<1x1x16xf32> to vector<16xf32>
        %parallel_loop3A_323 = vector.shape_cast %parallel_loop3A_317 : vector<16xf32> to vector<1x1x16xf32>
        tpu.vector_store %arg8[%parallel_loop3A_318, %parallel_loop3A_319, %parallel_loop3A_320], %parallel_loop3A_323 {strides = array<i32>} : memref<2x80x128xf32, #tpu.memory_space<vmem>>, vector<1x1x16xf32>,
        %parallel_loop3A_324 = arith.index_cast %and3A_213 : i32 to index
        %parallel_loop3A_325 = arith.index_cast %parallel_loop3A_280 : i32 to index
        %parallel_loop3A_326 = arith.constant 32 : index
        %parallel_loop3A_327 = tpu.vector_load %arg8[%parallel_loop3A_324, %parallel_loop3A_325, %parallel_loop3A_326] {strides = array<i32>} : memref<2x80x128xf32, #tpu.memory_space<vmem>>, vector<1x1x16xf32>,
        %parallel_loop3A_328 = vector.shape_cast %parallel_loop3A_327 : vector<1x1x16xf32> to vector<16xf32>
        %parallel_loop3A_329 = arith.index_cast %and3A_213 : i32 to index
        %parallel_loop3A_330 = arith.index_cast %parallel_loop3A_280 : i32 to index
        %parallel_loop3A_331 = arith.constant 32 : index
        %parallel_loop3A_332 = tpu.vector_load %arg9[%parallel_loop3A_329, %parallel_loop3A_330, %parallel_loop3A_331] {strides = array<i32>} : memref<2x80x128xf32, #tpu.memory_space<vmem>>, vector<1x1x16xf32>,
        %parallel_loop3A_333 = vector.shape_cast %parallel_loop3A_332 : vector<1x1x16xf32> to vector<16xf32>
        %parallel_loop3A_334 = arith.mulf %parallel_loop3A_333, %parallel_loop3A_287 : vector<16xf32>
        %parallel_loop3A_335 = arith.mulf %parallel_loop3A_328, %parallel_loop3A_334 : vector<16xf32>
        %parallel_loop3A_336 = arith.index_cast %and3A_213 : i32 to index
        %parallel_loop3A_337 = arith.index_cast %parallel_loop3A_280 : i32 to index
        %parallel_loop3A_338 = arith.constant 32 : index
        %parallel_loop3A_339 = tpu.vector_load %arg8[%parallel_loop3A_336, %parallel_loop3A_337, %parallel_loop3A_338] {strides = array<i32>} : memref<2x80x128xf32, #tpu.memory_space<vmem>>, vector<1x1x16xf32>,
        %parallel_loop3A_340 = vector.shape_cast %parallel_loop3A_339 : vector<1x1x16xf32> to vector<16xf32>
        %parallel_loop3A_341 = vector.shape_cast %parallel_loop3A_335 : vector<16xf32> to vector<1x1x16xf32>
        tpu.vector_store %arg8[%parallel_loop3A_336, %parallel_loop3A_337, %parallel_loop3A_338], %parallel_loop3A_341 {strides = array<i32>} : memref<2x80x128xf32, #tpu.memory_space<vmem>>, vector<1x1x16xf32>,
        %parallel_loop3A_342 = arith.index_cast %and3A_213 : i32 to index
        %parallel_loop3A_343 = arith.index_cast %parallel_loop3A_280 : i32 to index
        %parallel_loop3A_344 = arith.constant 48 : index
        %parallel_loop3A_345 = tpu.vector_load %arg8[%parallel_loop3A_342, %parallel_loop3A_343, %parallel_loop3A_344] {strides = array<i32>} : memref<2x80x128xf32, #tpu.memory_space<vmem>>, vector<1x1x16xf32>,
        %parallel_loop3A_346 = vector.shape_cast %parallel_loop3A_345 : vector<1x1x16xf32> to vector<16xf32>
        %parallel_loop3A_347 = arith.index_cast %and3A_213 : i32 to index
        %parallel_loop3A_348 = arith.index_cast %parallel_loop3A_280 : i32 to index
        %parallel_loop3A_349 = arith.constant 48 : index
        %parallel_loop3A_350 = tpu.vector_load %arg9[%parallel_loop3A_347, %parallel_loop3A_348, %parallel_loop3A_349] {strides = array<i32>} : memref<2x80x128xf32, #tpu.memory_space<vmem>>, vector<1x1x16xf32>,
        %parallel_loop3A_351 = vector.shape_cast %parallel_loop3A_350 : vector<1x1x16xf32> to vector<16xf32>
        %parallel_loop3A_352 = arith.mulf %parallel_loop3A_351, %parallel_loop3A_287 : vector<16xf32>
        %parallel_loop3A_353 = arith.mulf %parallel_loop3A_346, %parallel_loop3A_352 : vector<16xf32>
        %parallel_loop3A_354 = arith.index_cast %and3A_213 : i32 to index
        %parallel_loop3A_355 = arith.index_cast %parallel_loop3A_280 : i32 to index
        %parallel_loop3A_356 = arith.constant 48 : index
        %parallel_loop3A_357 = tpu.vector_load %arg8[%parallel_loop3A_354, %parallel_loop3A_355, %parallel_loop3A_356] {strides = array<i32>} : memref<2x80x128xf32, #tpu.memory_space<vmem>>, vector<1x1x16xf32>,
        %parallel_loop3A_358 = vector.shape_cast %parallel_loop3A_357 : vector<1x1x16xf32> to vector<16xf32>
        %parallel_loop3A_359 = vector.shape_cast %parallel_loop3A_353 : vector<16xf32> to vector<1x1x16xf32>
        tpu.vector_store %arg8[%parallel_loop3A_354, %parallel_loop3A_355, %parallel_loop3A_356], %parallel_loop3A_359 {strides = array<i32>} : memref<2x80x128xf32, #tpu.memory_space<vmem>>, vector<1x1x16xf32>,
        %parallel_loop3A_360 = arith.index_cast %and3A_213 : i32 to index
        %parallel_loop3A_361 = arith.index_cast %parallel_loop3A_280 : i32 to index
        %parallel_loop3A_362 = arith.constant 64 : index
        %parallel_loop3A_363 = tpu.vector_load %arg8[%parallel_loop3A_360, %parallel_loop3A_361, %parallel_loop3A_362] {strides = array<i32>} : memref<2x80x128xf32, #tpu.memory_space<vmem>>, vector<1x1x16xf32>,
        %parallel_loop3A_364 = vector.shape_cast %parallel_loop3A_363 : vector<1x1x16xf32> to vector<16xf32>
        %parallel_loop3A_365 = arith.index_cast %and3A_213 : i32 to index
        %parallel_loop3A_366 = arith.index_cast %parallel_loop3A_280 : i32 to index
        %parallel_loop3A_367 = arith.constant 64 : index
        %parallel_loop3A_368 = tpu.vector_load %arg9[%parallel_loop3A_365, %parallel_loop3A_366, %parallel_loop3A_367] {strides = array<i32>} : memref<2x80x128xf32, #tpu.memory_space<vmem>>, vector<1x1x16xf32>,
        %parallel_loop3A_369 = vector.shape_cast %parallel_loop3A_368 : vector<1x1x16xf32> to vector<16xf32>
        %parallel_loop3A_370 = arith.mulf %parallel_loop3A_369, %parallel_loop3A_287 : vector<16xf32>
        %parallel_loop3A_371 = arith.mulf %parallel_loop3A_364, %parallel_loop3A_370 : vector<16xf32>
        %parallel_loop3A_372 = arith.index_cast %and3A_213 : i32 to index
        %parallel_loop3A_373 = arith.index_cast %parallel_loop3A_280 : i32 to index
        %parallel_loop3A_374 = arith.constant 64 : index
        %parallel_loop3A_375 = tpu.vector_load %arg8[%parallel_loop3A_372, %parallel_loop3A_373, %parallel_loop3A_374] {strides = array<i32>} : memref<2x80x128xf32, #tpu.memory_space<vmem>>, vector<1x1x16xf32>,
        %parallel_loop3A_376 = vector.shape_cast %parallel_loop3A_375 : vector<1x1x16xf32> to vector<16xf32>
        %parallel_loop3A_377 = vector.shape_cast %parallel_loop3A_371 : vector<16xf32> to vector<1x1x16xf32>
        tpu.vector_store %arg8[%parallel_loop3A_372, %parallel_loop3A_373, %parallel_loop3A_374], %parallel_loop3A_377 {strides = array<i32>} : memref<2x80x128xf32, #tpu.memory_space<vmem>>, vector<1x1x16xf32>,
        %parallel_loop3A_378 = arith.index_cast %and3A_213 : i32 to index
        %parallel_loop3A_379 = arith.index_cast %parallel_loop3A_280 : i32 to index
        %parallel_loop3A_380 = arith.constant 80 : index
        %parallel_loop3A_381 = tpu.vector_load %arg8[%parallel_loop3A_378, %parallel_loop3A_379, %parallel_loop3A_380] {strides = array<i32>} : memref<2x80x128xf32, #tpu.memory_space<vmem>>, vector<1x1x16xf32>,
        %parallel_loop3A_382 = vector.shape_cast %parallel_loop3A_381 : vector<1x1x16xf32> to vector<16xf32>
        %parallel_loop3A_383 = arith.index_cast %and3A_213 : i32 to index
        %parallel_loop3A_384 = arith.index_cast %parallel_loop3A_280 : i32 to index
        %parallel_loop3A_385 = arith.constant 80 : index
        %parallel_loop3A_386 = tpu.vector_load %arg9[%parallel_loop3A_383, %parallel_loop3A_384, %parallel_loop3A_385] {strides = array<i32>} : memref<2x80x128xf32, #tpu.memory_space<vmem>>, vector<1x1x16xf32>,
        %parallel_loop3A_387 = vector.shape_cast %parallel_loop3A_386 : vector<1x1x16xf32> to vector<16xf32>
        %parallel_loop3A_388 = arith.mulf %parallel_loop3A_387, %parallel_loop3A_287 : vector<16xf32>
        %parallel_loop3A_389 = arith.mulf %parallel_loop3A_382, %parallel_loop3A_388 : vector<16xf32>
        %parallel_loop3A_390 = arith.index_cast %and3A_213 : i32 to index
        %parallel_loop3A_391 = arith.index_cast %parallel_loop3A_280 : i32 to index
        %parallel_loop3A_392 = arith.constant 80 : index
        %parallel_loop3A_393 = tpu.vector_load %arg8[%parallel_loop3A_390, %parallel_loop3A_391, %parallel_loop3A_392] {strides = array<i32>} : memref<2x80x128xf32, #tpu.memory_space<vmem>>, vector<1x1x16xf32>,
        %parallel_loop3A_394 = vector.shape_cast %parallel_loop3A_393 : vector<1x1x16xf32> to vector<16xf32>
        %parallel_loop3A_395 = vector.shape_cast %parallel_loop3A_389 : vector<16xf32> to vector<1x1x16xf32>
        tpu.vector_store %arg8[%parallel_loop3A_390, %parallel_loop3A_391, %parallel_loop3A_392], %parallel_loop3A_395 {strides = array<i32>} : memref<2x80x128xf32, #tpu.memory_space<vmem>>, vector<1x1x16xf32>,
        %parallel_loop3A_396 = arith.index_cast %and3A_213 : i32 to index
        %parallel_loop3A_397 = arith.index_cast %parallel_loop3A_280 : i32 to index
        %parallel_loop3A_398 = arith.constant 96 : index
        %parallel_loop3A_399 = tpu.vector_load %arg8[%parallel_loop3A_396, %parallel_loop3A_397, %parallel_loop3A_398] {strides = array<i32>} : memref<2x80x128xf32, #tpu.memory_space<vmem>>, vector<1x1x16xf32>,
        %parallel_loop3A_400 = vector.shape_cast %parallel_loop3A_399 : vector<1x1x16xf32> to vector<16xf32>
        %parallel_loop3A_401 = arith.index_cast %and3A_213 : i32 to index
        %parallel_loop3A_402 = arith.index_cast %parallel_loop3A_280 : i32 to index
        %parallel_loop3A_403 = arith.constant 96 : index
        %parallel_loop3A_404 = tpu.vector_load %arg9[%parallel_loop3A_401, %parallel_loop3A_402, %parallel_loop3A_403] {strides = array<i32>} : memref<2x80x128xf32, #tpu.memory_space<vmem>>, vector<1x1x16xf32>,
        %parallel_loop3A_405 = vector.shape_cast %parallel_loop3A_404 : vector<1x1x16xf32> to vector<16xf32>
        %parallel_loop3A_406 = arith.mulf %parallel_loop3A_405, %parallel_loop3A_287 : vector<16xf32>
        %parallel_loop3A_407 = arith.mulf %parallel_loop3A_400, %parallel_loop3A_406 : vector<16xf32>
        %parallel_loop3A_408 = arith.index_cast %and3A_213 : i32 to index
        %parallel_loop3A_409 = arith.index_cast %parallel_loop3A_280 : i32 to index
        %parallel_loop3A_410 = arith.constant 96 : index
        %parallel_loop3A_411 = tpu.vector_load %arg8[%parallel_loop3A_408, %parallel_loop3A_409, %parallel_loop3A_410] {strides = array<i32>} : memref<2x80x128xf32, #tpu.memory_space<vmem>>, vector<1x1x16xf32>,
        %parallel_loop3A_412 = vector.shape_cast %parallel_loop3A_411 : vector<1x1x16xf32> to vector<16xf32>
        %parallel_loop3A_413 = vector.shape_cast %parallel_loop3A_407 : vector<16xf32> to vector<1x1x16xf32>
        tpu.vector_store %arg8[%parallel_loop3A_408, %parallel_loop3A_409, %parallel_loop3A_410], %parallel_loop3A_413 {strides = array<i32>} : memref<2x80x128xf32, #tpu.memory_space<vmem>>, vector<1x1x16xf32>,
        %parallel_loop3A_414 = arith.index_cast %and3A_213 : i32 to index
        %parallel_loop3A_415 = arith.index_cast %parallel_loop3A_280 : i32 to index
        %parallel_loop3A_416 = arith.constant 112 : index
        %parallel_loop3A_417 = tpu.vector_load %arg8[%parallel_loop3A_414, %parallel_loop3A_415, %parallel_loop3A_416] {strides = array<i32>} : memref<2x80x128xf32, #tpu.memory_space<vmem>>, vector<1x1x16xf32>,
        %parallel_loop3A_418 = vector.shape_cast %parallel_loop3A_417 : vector<1x1x16xf32> to vector<16xf32>
        %parallel_loop3A_419 = arith.index_cast %and3A_213 : i32 to index
        %parallel_loop3A_420 = arith.index_cast %parallel_loop3A_280 : i32 to index
        %parallel_loop3A_421 = arith.constant 112 : index
        %parallel_loop3A_422 = tpu.vector_load %arg9[%parallel_loop3A_419, %parallel_loop3A_420, %parallel_loop3A_421] {strides = array<i32>} : memref<2x80x128xf32, #tpu.memory_space<vmem>>, vector<1x1x16xf32>,
        %parallel_loop3A_423 = vector.shape_cast %parallel_loop3A_422 : vector<1x1x16xf32> to vector<16xf32>
        %parallel_loop3A_424 = arith.mulf %parallel_loop3A_423, %parallel_loop3A_287 : vector<16xf32>
        %parallel_loop3A_425 = arith.mulf %parallel_loop3A_418, %parallel_loop3A_424 : vector<16xf32>
        %parallel_loop3A_426 = arith.index_cast %and3A_213 : i32 to index
        %parallel_loop3A_427 = arith.index_cast %parallel_loop3A_280 : i32 to index
        %parallel_loop3A_428 = arith.constant 112 : index
        %parallel_loop3A_429 = tpu.vector_load %arg8[%parallel_loop3A_426, %parallel_loop3A_427, %parallel_loop3A_428] {strides = array<i32>} : memref<2x80x128xf32, #tpu.memory_space<vmem>>, vector<1x1x16xf32>,
        %parallel_loop3A_430 = vector.shape_cast %parallel_loop3A_429 : vector<1x1x16xf32> to vector<16xf32>
        %parallel_loop3A_431 = vector.shape_cast %parallel_loop3A_425 : vector<16xf32> to vector<1x1x16xf32>
        tpu.vector_store %arg8[%parallel_loop3A_426, %parallel_loop3A_427, %parallel_loop3A_428], %parallel_loop3A_431 {strides = array<i32>} : memref<2x80x128xf32, #tpu.memory_space<vmem>>, vector<1x1x16xf32>,
      } {sc.loop_unroll_factor = 4 : i64, sc.parallel_access}
      %dma_start3A_270 = arith.constant 0 : i32
      %dma_start3A_271 = arith.constant 0 : i32
      %dma_start3A_272 = tpu.memref_slice %arg8[%and3A_213, %dma_start3A_270, %dma_start3A_271] : memref<2x80x128xf32, #tpu.memory_space<vmem>> -> memref<1x80x128xf32, #tpu.memory_space<vmem>>
      %dma_start3A_273 = tpu.memref_squeeze %dma_start3A_272 : memref<1x80x128xf32, #tpu.memory_space<vmem>> -> memref<80x128xf32, #tpu.memory_space<vmem>>
      %dma_start3A_274 = arith.constant 0 : i32
      %dma_start3A_275 = tpu.memref_slice %arg7[%rem3A_216, %dma_start3A_274] : memref<3x80xi32, #tpu.memory_space<vmem>> -> memref<1x80xi32, #tpu.memory_space<vmem>>
      %dma_start3A_276 = tpu.memref_squeeze %dma_start3A_275 : memref<1x80xi32, #tpu.memory_space<vmem>> -> memref<80xi32, #tpu.memory_space<vmem>>
      %dma_start3A_277 = arith.constant 0 : i32
      %dma_start3A_278 = arith.constant 0 : i32
      %dma_start3A_279 = tpu.memref_slice %arg11[%dma_start3A_277, %dma_start3A_278] : memref<10000x128xf32, #tpu.memory_space<vmem_shared>> -> memref<10000x128xf32, #tpu.memory_space<vmem_shared>>
      tpu.enqueue_indirect_dma source(%dma_start3A_273 : memref<80x128xf32, #tpu.memory_space<vmem>>) target(%dma_start3A_279 : memref<10000x128xf32, #tpu.memory_space<vmem_shared>>) offsets(%dma_start3A_276 : memref<80xi32, #tpu.memory_space<vmem>>) semaphore(%arg15 : memref<!tpu.dma_semaphore, #tpu.memory_space<semaphore_mem>>) {add = true}
    }
    %scan3A_148 = arith.constant 125 : i32
    %sub3A = arith.constant 1 : i32
    %sub3A_149 = arith.constant 0 : i32
    %sub3A_150 = arith.subi %sub3A, %sub3A_149 : i32
    %dma_wait3A_151 = arith.constant 0 : i32
    %dma_wait3A_152 = arith.constant 0 : i32
    %dma_wait3A_153 = arith.constant 0 : i32
    %dma_wait3A_154 = tpu.memref_slice %arg8[%sub3A_150, %dma_wait3A_152, %dma_wait3A_153] : memref<2x80x128xf32, #tpu.memory_space<vmem>> -> memref<1x80x128xf32, #tpu.memory_space<vmem>>
    %dma_wait3A_155 = tpu.memref_squeeze %dma_wait3A_154 : memref<1x80x128xf32, #tpu.memory_space<vmem>> -> memref<80x128xf32, #tpu.memory_space<vmem>>
    %dma_wait3A_156 = arith.constant 0 : i32
    %dma_wait3A_157 = tpu.memref_slice %arg7[%dma_wait3A_151, %dma_wait3A_156] : memref<3x80xi32, #tpu.memory_space<vmem>> -> memref<1x80xi32, #tpu.memory_space<vmem>>
    %dma_wait3A_158 = tpu.memref_squeeze %dma_wait3A_157 : memref<1x80xi32, #tpu.memory_space<vmem>> -> memref<80xi32, #tpu.memory_space<vmem>>
    %dma_wait3A_159 = arith.constant 0 : i32
    %dma_wait3A_160 = arith.constant 0 : i32
    %dma_wait3A_161 = tpu.memref_slice %arg11[%dma_wait3A_159, %dma_wait3A_160] : memref<10000x128xf32, #tpu.memory_space<vmem_shared>> -> memref<10000x128xf32, #tpu.memory_space<vmem_shared>>
    tpu.wait_indirect_dma semaphore(%arg15 : memref<!tpu.dma_semaphore, #tpu.memory_space<semaphore_mem>>) src(%dma_wait3A_155 : memref<80x128xf32, #tpu.memory_space<vmem>>) dst(%dma_wait3A_161 : memref<10000x128xf32, #tpu.memory_space<vmem_shared>>)
    %dma_wait3A_162 = arith.constant 0 : i32
    %dma_wait3A_163 = arith.constant 1 : i32
    %dma_wait3A_164 = arith.constant 0 : i32
    %dma_wait3A_165 = arith.constant 0 : i32
    %dma_wait3A_166 = tpu.memref_slice %arg8[%dma_wait3A_162, %dma_wait3A_164, %dma_wait3A_165] : memref<2x80x128xf32, #tpu.memory_space<vmem>> -> memref<1x80x128xf32, #tpu.memory_space<vmem>>
    %dma_wait3A_167 = tpu.memref_squeeze %dma_wait3A_166 : memref<1x80x128xf32, #tpu.memory_space<vmem>> -> memref<80x128xf32, #tpu.memory_space<vmem>>
    %dma_wait3A_168 = arith.constant 0 : i32
    %dma_wait3A_169 = tpu.memref_slice %arg7[%dma_wait3A_163, %dma_wait3A_168] : memref<3x80xi32, #tpu.memory_space<vmem>> -> memref<1x80xi32, #tpu.memory_space<vmem>>
    %dma_wait3A_170 = tpu.memref_squeeze %dma_wait3A_169 : memref<1x80xi32, #tpu.memory_space<vmem>> -> memref<80xi32, #tpu.memory_space<vmem>>
    %dma_wait3A_171 = arith.constant 0 : i32
    %dma_wait3A_172 = arith.constant 0 : i32
    %dma_wait3A_173 = tpu.memref_slice %arg11[%dma_wait3A_171, %dma_wait3A_172] : memref<10000x128xf32, #tpu.memory_space<vmem_shared>> -> memref<10000x128xf32, #tpu.memory_space<vmem_shared>>
    tpu.wait_indirect_dma semaphore(%arg15 : memref<!tpu.dma_semaphore, #tpu.memory_space<semaphore_mem>>) src(%dma_wait3A_167 : memref<80x128xf32, #tpu.memory_space<vmem>>) dst(%dma_wait3A_173 : memref<10000x128xf32, #tpu.memory_space<vmem_shared>>)
    %barrier3A_174 = arith.constant 0 : index
    tpu.barrier barrier_id(%barrier3A_174)
    %add3A_175 = arith.constant 0 : i32
    %add3A_176 = arith.addi %mul3A_7, %add3A_175 : i32
    %run_scoped3A_177 = arith.constant 0 : i32
    "tpu.region"() ({
      %run_scoped3A_212 = tpu.sem_alloc : memref<!tpu.dma_semaphore, #tpu.memory_space<semaphore_mem>>
      %dma_start3A_213 = arith.constant 0 : i32
      %dma_start3A_214 = arith.constant 0 : i32
      %dma_start3A_215 = tpu.memref_slice %arg9[%run_scoped3A_177, %dma_start3A_213, %dma_start3A_214] : memref<2x80x128xf32, #tpu.memory_space<vmem>> -> memref<1x80x128xf32, #tpu.memory_space<vmem>>
      %dma_start3A_216 = tpu.memref_squeeze %dma_start3A_215 : memref<1x80x128xf32, #tpu.memory_space<vmem>> -> memref<80x128xf32, #tpu.memory_space<vmem>>
      %dma_start3A_217 = arith.constant 0 : i32
      %dma_start3A_218 = tpu.memref_slice %arg11[%add3A_176, %dma_start3A_217] : memref<10000x128xf32, #tpu.memory_space<vmem_shared>> -> memref<80x128xf32, #tpu.memory_space<vmem_shared>>
      %dma_start3A_219 = arith.constant 0 : i32
      %dma_start3A_220 = arith.constant 0 : i32
      %dma_start3A_221 = tpu.memref_slice %arg9[%run_scoped3A_177, %dma_start3A_219, %dma_start3A_220] : memref<2x80x128xf32, #tpu.memory_space<vmem>> -> memref<1x80x128xf32, #tpu.memory_space<vmem>>
      %dma_start3A_222 = tpu.memref_squeeze %dma_start3A_221 : memref<1x80x128xf32, #tpu.memory_space<vmem>> -> memref<80x128xf32, #tpu.memory_space<vmem>>
      %dma_start3A_223 = arith.constant 0 : i32
      %dma_start3A_224 = tpu.memref_slice %arg11[%add3A_176, %dma_start3A_223] : memref<10000x128xf32, #tpu.memory_space<vmem_shared>> -> memref<80x128xf32, #tpu.memory_space<vmem_shared>>
      tpu.enqueue_dma source(%dma_start3A_224 : memref<80x128xf32, #tpu.memory_space<vmem_shared>>) target(%dma_start3A_222 : memref<80x128xf32, #tpu.memory_space<vmem>>) target_semaphore(%run_scoped3A_212 : memref<!tpu.dma_semaphore, #tpu.memory_space<semaphore_mem>>)
      %dma_wait3A_225 = arith.constant 0 : i32
      %dma_wait3A_226 = arith.constant 0 : i32
      %dma_wait3A_227 = tpu.memref_slice %arg9[%run_scoped3A_177, %dma_wait3A_225, %dma_wait3A_226] : memref<2x80x128xf32, #tpu.memory_space<vmem>> -> memref<1x80x128xf32, #tpu.memory_space<vmem>>
      %dma_wait3A_228 = tpu.memref_squeeze %dma_wait3A_227 : memref<1x80x128xf32, #tpu.memory_space<vmem>> -> memref<80x128xf32, #tpu.memory_space<vmem>>
      %dma_wait3A_229 = arith.constant 0 : i32
      %dma_wait3A_230 = tpu.memref_slice %arg11[%add3A_176, %dma_wait3A_229] : memref<10000x128xf32, #tpu.memory_space<vmem_shared>> -> memref<80x128xf32, #tpu.memory_space<vmem_shared>>
      %dma_wait3A_231 = arith.constant 0 : i32
      %dma_wait3A_232 = arith.constant 0 : i32
      %dma_wait3A_233 = tpu.memref_slice %arg9[%run_scoped3A_177, %dma_wait3A_231, %dma_wait3A_232] : memref<2x80x128xf32, #tpu.memory_space<vmem>> -> memref<1x80x128xf32, #tpu.memory_space<vmem>>
      %dma_wait3A_234 = tpu.memref_squeeze %dma_wait3A_233 : memref<1x80x128xf32, #tpu.memory_space<vmem>> -> memref<80x128xf32, #tpu.memory_space<vmem>>
      %dma_wait3A_235 = arith.constant 0 : i32
      %dma_wait3A_236 = tpu.memref_slice %arg11[%add3A_176, %dma_wait3A_235] : memref<10000x128xf32, #tpu.memory_space<vmem_shared>> -> memref<80x128xf32, #tpu.memory_space<vmem_shared>>
      tpu.wait_dma2 semaphore(%run_scoped3A_212 : memref<!tpu.dma_semaphore, #tpu.memory_space<semaphore_mem>>) src(%dma_wait3A_236 : memref<80x128xf32, #tpu.memory_space<vmem_shared>>) dst(%dma_wait3A_234 : memref<80x128xf32, #tpu.memory_space<vmem>>)
      tpu.yield
    }) : () -> ()
    %run_scoped3A_178 = arith.constant 0 : i32
    "tpu.region"() ({
      %run_scoped3A_212 = tpu.sem_alloc : memref<!tpu.dma_semaphore, #tpu.memory_space<semaphore_mem>>
      %dma_start3A_213 = arith.constant 0 : i32
      %dma_start3A_214 = arith.constant 0 : i32
      %dma_start3A_215 = tpu.memref_slice %arg9[%run_scoped3A_178, %dma_start3A_213, %dma_start3A_214] : memref<2x80x128xf32, #tpu.memory_space<vmem>> -> memref<1x80x128xf32, #tpu.memory_space<vmem>>
      %dma_start3A_216 = tpu.memref_squeeze %dma_start3A_215 : memref<1x80x128xf32, #tpu.memory_space<vmem>> -> memref<80x128xf32, #tpu.memory_space<vmem>>
      %dma_start3A_217 = arith.constant 0 : i32
      %dma_start3A_218 = tpu.memref_slice %arg5[%arg0, %add3A_176, %dma_start3A_217] : memref<2x10000x128xf32, #tpu.memory_space<hbm>> -> memref<1x80x128xf32, #tpu.memory_space<hbm>>
      %dma_start3A_219 = tpu.memref_squeeze %dma_start3A_218 : memref<1x80x128xf32, #tpu.memory_space<hbm>> -> memref<80x128xf32, #tpu.memory_space<hbm>>
      %dma_start3A_220 = arith.constant 0 : i32
      %dma_start3A_221 = tpu.memref_slice %arg5[%arg0, %add3A_176, %dma_start3A_220] : memref<2x10000x128xf32, #tpu.memory_space<hbm>> -> memref<1x80x128xf32, #tpu.memory_space<hbm>>
      %dma_start3A_222 = tpu.memref_squeeze %dma_start3A_221 : memref<1x80x128xf32, #tpu.memory_space<hbm>> -> memref<80x128xf32, #tpu.memory_space<hbm>>
      %dma_start3A_223 = arith.constant 0 : i32
      %dma_start3A_224 = arith.constant 0 : i32
      %dma_start3A_225 = tpu.memref_slice %arg9[%run_scoped3A_178, %dma_start3A_223, %dma_start3A_224] : memref<2x80x128xf32, #tpu.memory_space<vmem>> -> memref<1x80x128xf32, #tpu.memory_space<vmem>>
      %dma_start3A_226 = tpu.memref_squeeze %dma_start3A_225 : memref<1x80x128xf32, #tpu.memory_space<vmem>> -> memref<80x128xf32, #tpu.memory_space<vmem>>
      tpu.enqueue_dma source(%dma_start3A_226 : memref<80x128xf32, #tpu.memory_space<vmem>>) target(%dma_start3A_222 : memref<80x128xf32, #tpu.memory_space<hbm>>) target_semaphore(%run_scoped3A_212 : memref<!tpu.dma_semaphore, #tpu.memory_space<semaphore_mem>>)
      %dma_wait3A_227 = arith.constant 0 : i32
      %dma_wait3A_228 = arith.constant 0 : i32
      %dma_wait3A_229 = tpu.memref_slice %arg9[%run_scoped3A_178, %dma_wait3A_227, %dma_wait3A_228] : memref<2x80x128xf32, #tpu.memory_space<vmem>> -> memref<1x80x128xf32, #tpu.memory_space<vmem>>
      %dma_wait3A_230 = tpu.memref_squeeze %dma_wait3A_229 : memref<1x80x128xf32, #tpu.memory_space<vmem>> -> memref<80x128xf32, #tpu.memory_space<vmem>>
      %dma_wait3A_231 = arith.constant 0 : i32
      %dma_wait3A_232 = tpu.memref_slice %arg5[%arg0, %add3A_176, %dma_wait3A_231] : memref<2x10000x128xf32, #tpu.memory_space<hbm>> -> memref<1x80x128xf32, #tpu.memory_space<hbm>>
      %dma_wait3A_233 = tpu.memref_squeeze %dma_wait3A_232 : memref<1x80x128xf32, #tpu.memory_space<hbm>> -> memref<80x128xf32, #tpu.memory_space<hbm>>
      %dma_wait3A_234 = arith.constant 0 : i32
      %dma_wait3A_235 = tpu.memref_slice %arg5[%arg0, %add3A_176, %dma_wait3A_234] : memref<2x10000x128xf32, #tpu.memory_space<hbm>> -> memref<1x80x128xf32, #tpu.memory_space<hbm>>
      %dma_wait3A_236 = tpu.memref_squeeze %dma_wait3A_235 : memref<1x80x128xf32, #tpu.memory_space<hbm>> -> memref<80x128xf32, #tpu.memory_space<hbm>>
      %dma_wait3A_237 = arith.constant 0 : i32
      %dma_wait3A_238 = arith.constant 0 : i32
      %dma_wait3A_239 = tpu.memref_slice %arg9[%run_scoped3A_178, %dma_wait3A_237, %dma_wait3A_238] : memref<2x80x128xf32, #tpu.memory_space<vmem>> -> memref<1x80x128xf32, #tpu.memory_space<vmem>>
      %dma_wait3A_240 = tpu.memref_squeeze %dma_wait3A_239 : memref<1x80x128xf32, #tpu.memory_space<vmem>> -> memref<80x128xf32, #tpu.memory_space<vmem>>
      tpu.wait_dma2 semaphore(%run_scoped3A_212 : memref<!tpu.dma_semaphore, #tpu.memory_space<semaphore_mem>>) src(%dma_wait3A_240 : memref<80x128xf32, #tpu.memory_space<vmem>>) dst(%dma_wait3A_236 : memref<80x128xf32, #tpu.memory_space<hbm>>)
      tpu.yield
    }) : () -> ()
    %add3A_179 = arith.constant 80 : i32
    %add3A_180 = arith.addi %mul3A_7, %add3A_179 : i32
    %run_scoped3A_181 = arith.constant 0 : i32
    "tpu.region"() ({
      %run_scoped3A_212 = tpu.sem_alloc : memref<!tpu.dma_semaphore, #tpu.memory_space<semaphore_mem>>
      %dma_start3A_213 = arith.constant 0 : i32
      %dma_start3A_214 = arith.constant 0 : i32
      %dma_start3A_215 = tpu.memref_slice %arg9[%run_scoped3A_181, %dma_start3A_213, %dma_start3A_214] : memref<2x80x128xf32, #tpu.memory_space<vmem>> -> memref<1x80x128xf32, #tpu.memory_space<vmem>>
      %dma_start3A_216 = tpu.memref_squeeze %dma_start3A_215 : memref<1x80x128xf32, #tpu.memory_space<vmem>> -> memref<80x128xf32, #tpu.memory_space<vmem>>
      %dma_start3A_217 = arith.constant 0 : i32
      %dma_start3A_218 = tpu.memref_slice %arg11[%add3A_180, %dma_start3A_217] : memref<10000x128xf32, #tpu.memory_space<vmem_shared>> -> memref<80x128xf32, #tpu.memory_space<vmem_shared>>
      %dma_start3A_219 = arith.constant 0 : i32
      %dma_start3A_220 = arith.constant 0 : i32
      %dma_start3A_221 = tpu.memref_slice %arg9[%run_scoped3A_181, %dma_start3A_219, %dma_start3A_220] : memref<2x80x128xf32, #tpu.memory_space<vmem>> -> memref<1x80x128xf32, #tpu.memory_space<vmem>>
      %dma_start3A_222 = tpu.memref_squeeze %dma_start3A_221 : memref<1x80x128xf32, #tpu.memory_space<vmem>> -> memref<80x128xf32, #tpu.memory_space<vmem>>
      %dma_start3A_223 = arith.constant 0 : i32
      %dma_start3A_224 = tpu.memref_slice %arg11[%add3A_180, %dma_start3A_223] : memref<10000x128xf32, #tpu.memory_space<vmem_shared>> -> memref<80x128xf32, #tpu.memory_space<vmem_shared>>
      tpu.enqueue_dma source(%dma_start3A_224 : memref<80x128xf32, #tpu.memory_space<vmem_shared>>) target(%dma_start3A_222 : memref<80x128xf32, #tpu.memory_space<vmem>>) target_semaphore(%run_scoped3A_212 : memref<!tpu.dma_semaphore, #tpu.memory_space<semaphore_mem>>)
      %dma_wait3A_225 = arith.constant 0 : i32
      %dma_wait3A_226 = arith.constant 0 : i32
      %dma_wait3A_227 = tpu.memref_slice %arg9[%run_scoped3A_181, %dma_wait3A_225, %dma_wait3A_226] : memref<2x80x128xf32, #tpu.memory_space<vmem>> -> memref<1x80x128xf32, #tpu.memory_space<vmem>>
      %dma_wait3A_228 = tpu.memref_squeeze %dma_wait3A_227 : memref<1x80x128xf32, #tpu.memory_space<vmem>> -> memref<80x128xf32, #tpu.memory_space<vmem>>
      %dma_wait3A_229 = arith.constant 0 : i32
      %dma_wait3A_230 = tpu.memref_slice %arg11[%add3A_180, %dma_wait3A_229] : memref<10000x128xf32, #tpu.memory_space<vmem_shared>> -> memref<80x128xf32, #tpu.memory_space<vmem_shared>>
      %dma_wait3A_231 = arith.constant 0 : i32
      %dma_wait3A_232 = arith.constant 0 : i32
      %dma_wait3A_233 = tpu.memref_slice %arg9[%run_scoped3A_181, %dma_wait3A_231, %dma_wait3A_232] : memref<2x80x128xf32, #tpu.memory_space<vmem>> -> memref<1x80x128xf32, #tpu.memory_space<vmem>>
      %dma_wait3A_234 = tpu.memref_squeeze %dma_wait3A_233 : memref<1x80x128xf32, #tpu.memory_space<vmem>> -> memref<80x128xf32, #tpu.memory_space<vmem>>
      %dma_wait3A_235 = arith.constant 0 : i32
      %dma_wait3A_236 = tpu.memref_slice %arg11[%add3A_180, %dma_wait3A_235] : memref<10000x128xf32, #tpu.memory_space<vmem_shared>> -> memref<80x128xf32, #tpu.memory_space<vmem_shared>>
      tpu.wait_dma2 semaphore(%run_scoped3A_212 : memref<!tpu.dma_semaphore, #tpu.memory_space<semaphore_mem>>) src(%dma_wait3A_236 : memref<80x128xf32, #tpu.memory_space<vmem_shared>>) dst(%dma_wait3A_234 : memref<80x128xf32, #tpu.memory_space<vmem>>)
      tpu.yield
    }) : () -> ()
    %run_scoped3A_182 = arith.constant 0 : i32
    "tpu.region"() ({
      %run_scoped3A_212 = tpu.sem_alloc : memref<!tpu.dma_semaphore, #tpu.memory_space<semaphore_mem>>
      %dma_start3A_213 = arith.constant 0 : i32
      %dma_start3A_214 = arith.constant 0 : i32
      %dma_start3A_215 = tpu.memref_slice %arg9[%run_scoped3A_182, %dma_start3A_213, %dma_start3A_214] : memref<2x80x128xf32, #tpu.memory_space<vmem>> -> memref<1x80x128xf32, #tpu.memory_space<vmem>>
      %dma_start3A_216 = tpu.memref_squeeze %dma_start3A_215 : memref<1x80x128xf32, #tpu.memory_space<vmem>> -> memref<80x128xf32, #tpu.memory_space<vmem>>
      %dma_start3A_217 = arith.constant 0 : i32
      %dma_start3A_218 = tpu.memref_slice %arg5[%arg0, %add3A_180, %dma_start3A_217] : memref<2x10000x128xf32, #tpu.memory_space<hbm>> -> memref<1x80x128xf32, #tpu.memory_space<hbm>>
      %dma_start3A_219 = tpu.memref_squeeze %dma_start3A_218 : memref<1x80x128xf32, #tpu.memory_space<hbm>> -> memref<80x128xf32, #tpu.memory_space<hbm>>
      %dma_start3A_220 = arith.constant 0 : i32
      %dma_start3A_221 = tpu.memref_slice %arg5[%arg0, %add3A_180, %dma_start3A_220] : memref<2x10000x128xf32, #tpu.memory_space<hbm>> -> memref<1x80x128xf32, #tpu.memory_space<hbm>>
      %dma_start3A_222 = tpu.memref_squeeze %dma_start3A_221 : memref<1x80x128xf32, #tpu.memory_space<hbm>> -> memref<80x128xf32, #tpu.memory_space<hbm>>
      %dma_start3A_223 = arith.constant 0 : i32
      %dma_start3A_224 = arith.constant 0 : i32
      %dma_start3A_225 = tpu.memref_slice %arg9[%run_scoped3A_182, %dma_start3A_223, %dma_start3A_224] : memref<2x80x128xf32, #tpu.memory_space<vmem>> -> memref<1x80x128xf32, #tpu.memory_space<vmem>>
      %dma_start3A_226 = tpu.memref_squeeze %dma_start3A_225 : memref<1x80x128xf32, #tpu.memory_space<vmem>> -> memref<80x128xf32, #tpu.memory_space<vmem>>
      tpu.enqueue_dma source(%dma_start3A_226 : memref<80x128xf32, #tpu.memory_space<vmem>>) target(%dma_start3A_222 : memref<80x128xf32, #tpu.memory_space<hbm>>) target_semaphore(%run_scoped3A_212 : memref<!tpu.dma_semaphore, #tpu.memory_space<semaphore_mem>>)
      %dma_wait3A_227 = arith.constant 0 : i32
      %dma_wait3A_228 = arith.constant 0 : i32
      %dma_wait3A_229 = tpu.memref_slice %arg9[%run_scoped3A_182, %dma_wait3A_227, %dma_wait3A_228] : memref<2x80x128xf32, #tpu.memory_space<vmem>> -> memref<1x80x128xf32, #tpu.memory_space<vmem>>
      %dma_wait3A_230 = tpu.memref_squeeze %dma_wait3A_229 : memref<1x80x128xf32, #tpu.memory_space<vmem>> -> memref<80x128xf32, #tpu.memory_space<vmem>>
      %dma_wait3A_231 = arith.constant 0 : i32
      %dma_wait3A_232 = tpu.memref_slice %arg5[%arg0, %add3A_180, %dma_wait3A_231] : memref<2x10000x128xf32, #tpu.memory_space<hbm>> -> memref<1x80x128xf32, #tpu.memory_space<hbm>>
      %dma_wait3A_233 = tpu.memref_squeeze %dma_wait3A_232 : memref<1x80x128xf32, #tpu.memory_space<hbm>> -> memref<80x128xf32, #tpu.memory_space<hbm>>
      %dma_wait3A_234 = arith.constant 0 : i32
      %dma_wait3A_235 = tpu.memref_slice %arg5[%arg0, %add3A_180, %dma_wait3A_234] : memref<2x10000x128xf32, #tpu.memory_space<hbm>> -> memref<1x80x128xf32, #tpu.memory_space<hbm>>
      %dma_wait3A_236 = tpu.memref_squeeze %dma_wait3A_235 : memref<1x80x128xf32, #tpu.memory_space<hbm>> -> memref<80x128xf32, #tpu.memory_space<hbm>>
      %dma_wait3A_237 = arith.constant 0 : i32
      %dma_wait3A_238 = arith.constant 0 : i32
      %dma_wait3A_239 = tpu.memref_slice %arg9[%run_scoped3A_182, %dma_wait3A_237, %dma_wait3A_238] : memref<2x80x128xf32, #tpu.memory_space<vmem>> -> memref<1x80x128xf32, #tpu.memory_space<vmem>>
      %dma_wait3A_240 = tpu.memref_squeeze %dma_wait3A_239 : memref<1x80x128xf32, #tpu.memory_space<vmem>> -> memref<80x128xf32, #tpu.memory_space<vmem>>
      tpu.wait_dma2 semaphore(%run_scoped3A_212 : memref<!tpu.dma_semaphore, #tpu.memory_space<semaphore_mem>>) src(%dma_wait3A_240 : memref<80x128xf32, #tpu.memory_space<vmem>>) dst(%dma_wait3A_236 : memref<80x128xf32, #tpu.memory_space<hbm>>)
      tpu.yield
    }) : () -> ()
    %add3A_183 = arith.constant 160 : i32
    %add3A_184 = arith.addi %mul3A_7, %add3A_183 : i32
    %run_scoped3A_185 = arith.constant 0 : i32
    "tpu.region"() ({
      %run_scoped3A_212 = tpu.sem_alloc : memref<!tpu.dma_semaphore, #tpu.memory_space<semaphore_mem>>
      %dma_start3A_213 = arith.constant 0 : i32
      %dma_start3A_214 = arith.constant 0 : i32
      %dma_start3A_215 = tpu.memref_slice %arg9[%run_scoped3A_185, %dma_start3A_213, %dma_start3A_214] : memref<2x80x128xf32, #tpu.memory_space<vmem>> -> memref<1x80x128xf32, #tpu.memory_space<vmem>>
      %dma_start3A_216 = tpu.memref_squeeze %dma_start3A_215 : memref<1x80x128xf32, #tpu.memory_space<vmem>> -> memref<80x128xf32, #tpu.memory_space<vmem>>
      %dma_start3A_217 = arith.constant 0 : i32
      %dma_start3A_218 = tpu.memref_slice %arg11[%add3A_184, %dma_start3A_217] : memref<10000x128xf32, #tpu.memory_space<vmem_shared>> -> memref<80x128xf32, #tpu.memory_space<vmem_shared>>
      %dma_start3A_219 = arith.constant 0 : i32
      %dma_start3A_220 = arith.constant 0 : i32
      %dma_start3A_221 = tpu.memref_slice %arg9[%run_scoped3A_185, %dma_start3A_219, %dma_start3A_220] : memref<2x80x128xf32, #tpu.memory_space<vmem>> -> memref<1x80x128xf32, #tpu.memory_space<vmem>>
      %dma_start3A_222 = tpu.memref_squeeze %dma_start3A_221 : memref<1x80x128xf32, #tpu.memory_space<vmem>> -> memref<80x128xf32, #tpu.memory_space<vmem>>
      %dma_start3A_223 = arith.constant 0 : i32
      %dma_start3A_224 = tpu.memref_slice %arg11[%add3A_184, %dma_start3A_223] : memref<10000x128xf32, #tpu.memory_space<vmem_shared>> -> memref<80x128xf32, #tpu.memory_space<vmem_shared>>
      tpu.enqueue_dma source(%dma_start3A_224 : memref<80x128xf32, #tpu.memory_space<vmem_shared>>) target(%dma_start3A_222 : memref<80x128xf32, #tpu.memory_space<vmem>>) target_semaphore(%run_scoped3A_212 : memref<!tpu.dma_semaphore, #tpu.memory_space<semaphore_mem>>)
      %dma_wait3A_225 = arith.constant 0 : i32
      %dma_wait3A_226 = arith.constant 0 : i32
      %dma_wait3A_227 = tpu.memref_slice %arg9[%run_scoped3A_185, %dma_wait3A_225, %dma_wait3A_226] : memref<2x80x128xf32, #tpu.memory_space<vmem>> -> memref<1x80x128xf32, #tpu.memory_space<vmem>>
      %dma_wait3A_228 = tpu.memref_squeeze %dma_wait3A_227 : memref<1x80x128xf32, #tpu.memory_space<vmem>> -> memref<80x128xf32, #tpu.memory_space<vmem>>
      %dma_wait3A_229 = arith.constant 0 : i32
      %dma_wait3A_230 = tpu.memref_slice %arg11[%add3A_184, %dma_wait3A_229] : memref<10000x128xf32, #tpu.memory_space<vmem_shared>> -> memref<80x128xf32, #tpu.memory_space<vmem_shared>>
      %dma_wait3A_231 = arith.constant 0 : i32
      %dma_wait3A_232 = arith.constant 0 : i32
      %dma_wait3A_233 = tpu.memref_slice %arg9[%run_scoped3A_185, %dma_wait3A_231, %dma_wait3A_232] : memref<2x80x128xf32, #tpu.memory_space<vmem>> -> memref<1x80x128xf32, #tpu.memory_space<vmem>>
      %dma_wait3A_234 = tpu.memref_squeeze %dma_wait3A_233 : memref<1x80x128xf32, #tpu.memory_space<vmem>> -> memref<80x128xf32, #tpu.memory_space<vmem>>
      %dma_wait3A_235 = arith.constant 0 : i32
      %dma_wait3A_236 = tpu.memref_slice %arg11[%add3A_184, %dma_wait3A_235] : memref<10000x128xf32, #tpu.memory_space<vmem_shared>> -> memref<80x128xf32, #tpu.memory_space<vmem_shared>>
      tpu.wait_dma2 semaphore(%run_scoped3A_212 : memref<!tpu.dma_semaphore, #tpu.memory_space<semaphore_mem>>) src(%dma_wait3A_236 : memref<80x128xf32, #tpu.memory_space<vmem_shared>>) dst(%dma_wait3A_234 : memref<80x128xf32, #tpu.memory_space<vmem>>)
      tpu.yield
    }) : () -> ()
    %run_scoped3A_186 = arith.constant 0 : i32
    "tpu.region"() ({
      %run_scoped3A_212 = tpu.sem_alloc : memref<!tpu.dma_semaphore, #tpu.memory_space<semaphore_mem>>
      %dma_start3A_213 = arith.constant 0 : i32
      %dma_start3A_214 = arith.constant 0 : i32
      %dma_start3A_215 = tpu.memref_slice %arg9[%run_scoped3A_186, %dma_start3A_213, %dma_start3A_214] : memref<2x80x128xf32, #tpu.memory_space<vmem>> -> memref<1x80x128xf32, #tpu.memory_space<vmem>>
      %dma_start3A_216 = tpu.memref_squeeze %dma_start3A_215 : memref<1x80x128xf32, #tpu.memory_space<vmem>> -> memref<80x128xf32, #tpu.memory_space<vmem>>
      %dma_start3A_217 = arith.constant 0 : i32
      %dma_start3A_218 = tpu.memref_slice %arg5[%arg0, %add3A_184, %dma_start3A_217] : memref<2x10000x128xf32, #tpu.memory_space<hbm>> -> memref<1x80x128xf32, #tpu.memory_space<hbm>>
      %dma_start3A_219 = tpu.memref_squeeze %dma_start3A_218 : memref<1x80x128xf32, #tpu.memory_space<hbm>> -> memref<80x128xf32, #tpu.memory_space<hbm>>
      %dma_start3A_220 = arith.constant 0 : i32
      %dma_start3A_221 = tpu.memref_slice %arg5[%arg0, %add3A_184, %dma_start3A_220] : memref<2x10000x128xf32, #tpu.memory_space<hbm>> -> memref<1x80x128xf32, #tpu.memory_space<hbm>>
      %dma_start3A_222 = tpu.memref_squeeze %dma_start3A_221 : memref<1x80x128xf32, #tpu.memory_space<hbm>> -> memref<80x128xf32, #tpu.memory_space<hbm>>
      %dma_start3A_223 = arith.constant 0 : i32
      %dma_start3A_224 = arith.constant 0 : i32
      %dma_start3A_225 = tpu.memref_slice %arg9[%run_scoped3A_186, %dma_start3A_223, %dma_start3A_224] : memref<2x80x128xf32, #tpu.memory_space<vmem>> -> memref<1x80x128xf32, #tpu.memory_space<vmem>>
      %dma_start3A_226 = tpu.memref_squeeze %dma_start3A_225 : memref<1x80x128xf32, #tpu.memory_space<vmem>> -> memref<80x128xf32, #tpu.memory_space<vmem>>
      tpu.enqueue_dma source(%dma_start3A_226 : memref<80x128xf32, #tpu.memory_space<vmem>>) target(%dma_start3A_222 : memref<80x128xf32, #tpu.memory_space<hbm>>) target_semaphore(%run_scoped3A_212 : memref<!tpu.dma_semaphore, #tpu.memory_space<semaphore_mem>>)
      %dma_wait3A_227 = arith.constant 0 : i32
      %dma_wait3A_228 = arith.constant 0 : i32
      %dma_wait3A_229 = tpu.memref_slice %arg9[%run_scoped3A_186, %dma_wait3A_227, %dma_wait3A_228] : memref<2x80x128xf32, #tpu.memory_space<vmem>> -> memref<1x80x128xf32, #tpu.memory_space<vmem>>
      %dma_wait3A_230 = tpu.memref_squeeze %dma_wait3A_229 : memref<1x80x128xf32, #tpu.memory_space<vmem>> -> memref<80x128xf32, #tpu.memory_space<vmem>>
      %dma_wait3A_231 = arith.constant 0 : i32
      %dma_wait3A_232 = tpu.memref_slice %arg5[%arg0, %add3A_184, %dma_wait3A_231] : memref<2x10000x128xf32, #tpu.memory_space<hbm>> -> memref<1x80x128xf32, #tpu.memory_space<hbm>>
      %dma_wait3A_233 = tpu.memref_squeeze %dma_wait3A_232 : memref<1x80x128xf32, #tpu.memory_space<hbm>> -> memref<80x128xf32, #tpu.memory_space<hbm>>
      %dma_wait3A_234 = arith.constant 0 : i32
      %dma_wait3A_235 = tpu.memref_slice %arg5[%arg0, %add3A_184, %dma_wait3A_234] : memref<2x10000x128xf32, #tpu.memory_space<hbm>> -> memref<1x80x128xf32, #tpu.memory_space<hbm>>
      %dma_wait3A_236 = tpu.memref_squeeze %dma_wait3A_235 : memref<1x80x128xf32, #tpu.memory_space<hbm>> -> memref<80x128xf32, #tpu.memory_space<hbm>>
      %dma_wait3A_237 = arith.constant 0 : i32
      %dma_wait3A_238 = arith.constant 0 : i32
      %dma_wait3A_239 = tpu.memref_slice %arg9[%run_scoped3A_186, %dma_wait3A_237, %dma_wait3A_238] : memref<2x80x128xf32, #tpu.memory_space<vmem>> -> memref<1x80x128xf32, #tpu.memory_space<vmem>>
      %dma_wait3A_240 = tpu.memref_squeeze %dma_wait3A_239 : memref<1x80x128xf32, #tpu.memory_space<vmem>> -> memref<80x128xf32, #tpu.memory_space<vmem>>
      tpu.wait_dma2 semaphore(%run_scoped3A_212 : memref<!tpu.dma_semaphore, #tpu.memory_space<semaphore_mem>>) src(%dma_wait3A_240 : memref<80x128xf32, #tpu.memory_space<vmem>>) dst(%dma_wait3A_236 : memref<80x128xf32, #tpu.memory_space<hbm>>)
      tpu.yield
    }) : () -> ()
    %add3A_187 = arith.constant 240 : i32
    %add3A_188 = arith.addi %mul3A_7, %add3A_187 : i32
    %run_scoped3A_189 = arith.constant 0 : i32
    "tpu.region"() ({
      %run_scoped3A_212 = tpu.sem_alloc : memref<!tpu.dma_semaphore, #tpu.memory_space<semaphore_mem>>
      %dma_start3A_213 = arith.constant 0 : i32
      %dma_start3A_214 = arith.constant 0 : i32
      %dma_start3A_215 = tpu.memref_slice %arg9[%run_scoped3A_189, %dma_start3A_213, %dma_start3A_214] : memref<2x80x128xf32, #tpu.memory_space<vmem>> -> memref<1x80x128xf32, #tpu.memory_space<vmem>>
      %dma_start3A_216 = tpu.memref_squeeze %dma_start3A_215 : memref<1x80x128xf32, #tpu.memory_space<vmem>> -> memref<80x128xf32, #tpu.memory_space<vmem>>
      %dma_start3A_217 = arith.constant 0 : i32
      %dma_start3A_218 = tpu.memref_slice %arg11[%add3A_188, %dma_start3A_217] : memref<10000x128xf32, #tpu.memory_space<vmem_shared>> -> memref<80x128xf32, #tpu.memory_space<vmem_shared>>
      %dma_start3A_219 = arith.constant 0 : i32
      %dma_start3A_220 = arith.constant 0 : i32
      %dma_start3A_221 = tpu.memref_slice %arg9[%run_scoped3A_189, %dma_start3A_219, %dma_start3A_220] : memref<2x80x128xf32, #tpu.memory_space<vmem>> -> memref<1x80x128xf32, #tpu.memory_space<vmem>>
      %dma_start3A_222 = tpu.memref_squeeze %dma_start3A_221 : memref<1x80x128xf32, #tpu.memory_space<vmem>> -> memref<80x128xf32, #tpu.memory_space<vmem>>
      %dma_start3A_223 = arith.constant 0 : i32
      %dma_start3A_224 = tpu.memref_slice %arg11[%add3A_188, %dma_start3A_223] : memref<10000x128xf32, #tpu.memory_space<vmem_shared>> -> memref<80x128xf32, #tpu.memory_space<vmem_shared>>
      tpu.enqueue_dma source(%dma_start3A_224 : memref<80x128xf32, #tpu.memory_space<vmem_shared>>) target(%dma_start3A_222 : memref<80x128xf32, #tpu.memory_space<vmem>>) target_semaphore(%run_scoped3A_212 : memref<!tpu.dma_semaphore, #tpu.memory_space<semaphore_mem>>)
      %dma_wait3A_225 = arith.constant 0 : i32
      %dma_wait3A_226 = arith.constant 0 : i32
      %dma_wait3A_227 = tpu.memref_slice %arg9[%run_scoped3A_189, %dma_wait3A_225, %dma_wait3A_226] : memref<2x80x128xf32, #tpu.memory_space<vmem>> -> memref<1x80x128xf32, #tpu.memory_space<vmem>>
      %dma_wait3A_228 = tpu.memref_squeeze %dma_wait3A_227 : memref<1x80x128xf32, #tpu.memory_space<vmem>> -> memref<80x128xf32, #tpu.memory_space<vmem>>
      %dma_wait3A_229 = arith.constant 0 : i32
      %dma_wait3A_230 = tpu.memref_slice %arg11[%add3A_188, %dma_wait3A_229] : memref<10000x128xf32, #tpu.memory_space<vmem_shared>> -> memref<80x128xf32, #tpu.memory_space<vmem_shared>>
      %dma_wait3A_231 = arith.constant 0 : i32
      %dma_wait3A_232 = arith.constant 0 : i32
      %dma_wait3A_233 = tpu.memref_slice %arg9[%run_scoped3A_189, %dma_wait3A_231, %dma_wait3A_232] : memref<2x80x128xf32, #tpu.memory_space<vmem>> -> memref<1x80x128xf32, #tpu.memory_space<vmem>>
      %dma_wait3A_234 = tpu.memref_squeeze %dma_wait3A_233 : memref<1x80x128xf32, #tpu.memory_space<vmem>> -> memref<80x128xf32, #tpu.memory_space<vmem>>
      %dma_wait3A_235 = arith.constant 0 : i32
      %dma_wait3A_236 = tpu.memref_slice %arg11[%add3A_188, %dma_wait3A_235] : memref<10000x128xf32, #tpu.memory_space<vmem_shared>> -> memref<80x128xf32, #tpu.memory_space<vmem_shared>>
      tpu.wait_dma2 semaphore(%run_scoped3A_212 : memref<!tpu.dma_semaphore, #tpu.memory_space<semaphore_mem>>) src(%dma_wait3A_236 : memref<80x128xf32, #tpu.memory_space<vmem_shared>>) dst(%dma_wait3A_234 : memref<80x128xf32, #tpu.memory_space<vmem>>)
      tpu.yield
    }) : () -> ()
    %run_scoped3A_190 = arith.constant 0 : i32
    "tpu.region"() ({
      %run_scoped3A_212 = tpu.sem_alloc : memref<!tpu.dma_semaphore, #tpu.memory_space<semaphore_mem>>
      %dma_start3A_213 = arith.constant 0 : i32
      %dma_start3A_214 = arith.constant 0 : i32
      %dma_start3A_215 = tpu.memref_slice %arg9[%run_scoped3A_190, %dma_start3A_213, %dma_start3A_214] : memref<2x80x128xf32, #tpu.memory_space<vmem>> -> memref<1x80x128xf32, #tpu.memory_space<vmem>>
      %dma_start3A_216 = tpu.memref_squeeze %dma_start3A_215 : memref<1x80x128xf32, #tpu.memory_space<vmem>> -> memref<80x128xf32, #tpu.memory_space<vmem>>
      %dma_start3A_217 = arith.constant 0 : i32
      %dma_start3A_218 = tpu.memref_slice %arg5[%arg0, %add3A_188, %dma_start3A_217] : memref<2x10000x128xf32, #tpu.memory_space<hbm>> -> memref<1x80x128xf32, #tpu.memory_space<hbm>>
      %dma_start3A_219 = tpu.memref_squeeze %dma_start3A_218 : memref<1x80x128xf32, #tpu.memory_space<hbm>> -> memref<80x128xf32, #tpu.memory_space<hbm>>
      %dma_start3A_220 = arith.constant 0 : i32
      %dma_start3A_221 = tpu.memref_slice %arg5[%arg0, %add3A_188, %dma_start3A_220] : memref<2x10000x128xf32, #tpu.memory_space<hbm>> -> memref<1x80x128xf32, #tpu.memory_space<hbm>>
      %dma_start3A_222 = tpu.memref_squeeze %dma_start3A_221 : memref<1x80x128xf32, #tpu.memory_space<hbm>> -> memref<80x128xf32, #tpu.memory_space<hbm>>
      %dma_start3A_223 = arith.constant 0 : i32
      %dma_start3A_224 = arith.constant 0 : i32
      %dma_start3A_225 = tpu.memref_slice %arg9[%run_scoped3A_190, %dma_start3A_223, %dma_start3A_224] : memref<2x80x128xf32, #tpu.memory_space<vmem>> -> memref<1x80x128xf32, #tpu.memory_space<vmem>>
      %dma_start3A_226 = tpu.memref_squeeze %dma_start3A_225 : memref<1x80x128xf32, #tpu.memory_space<vmem>> -> memref<80x128xf32, #tpu.memory_space<vmem>>
      tpu.enqueue_dma source(%dma_start3A_226 : memref<80x128xf32, #tpu.memory_space<vmem>>) target(%dma_start3A_222 : memref<80x128xf32, #tpu.memory_space<hbm>>) target_semaphore(%run_scoped3A_212 : memref<!tpu.dma_semaphore, #tpu.memory_space<semaphore_mem>>)
      %dma_wait3A_227 = arith.constant 0 : i32
      %dma_wait3A_228 = arith.constant 0 : i32
      %dma_wait3A_229 = tpu.memref_slice %arg9[%run_scoped3A_190, %dma_wait3A_227, %dma_wait3A_228] : memref<2x80x128xf32, #tpu.memory_space<vmem>> -> memref<1x80x128xf32, #tpu.memory_space<vmem>>
      %dma_wait3A_230 = tpu.memref_squeeze %dma_wait3A_229 : memref<1x80x128xf32, #tpu.memory_space<vmem>> -> memref<80x128xf32, #tpu.memory_space<vmem>>
      %dma_wait3A_231 = arith.constant 0 : i32
      %dma_wait3A_232 = tpu.memref_slice %arg5[%arg0, %add3A_188, %dma_wait3A_231] : memref<2x10000x128xf32, #tpu.memory_space<hbm>> -> memref<1x80x128xf32, #tpu.memory_space<hbm>>
      %dma_wait3A_233 = tpu.memref_squeeze %dma_wait3A_232 : memref<1x80x128xf32, #tpu.memory_space<hbm>> -> memref<80x128xf32, #tpu.memory_space<hbm>>
      %dma_wait3A_234 = arith.constant 0 : i32
      %dma_wait3A_235 = tpu.memref_slice %arg5[%arg0, %add3A_188, %dma_wait3A_234] : memref<2x10000x128xf32, #tpu.memory_space<hbm>> -> memref<1x80x128xf32, #tpu.memory_space<hbm>>
      %dma_wait3A_236 = tpu.memref_squeeze %dma_wait3A_235 : memref<1x80x128xf32, #tpu.memory_space<hbm>> -> memref<80x128xf32, #tpu.memory_space<hbm>>
      %dma_wait3A_237 = arith.constant 0 : i32
      %dma_wait3A_238 = arith.constant 0 : i32
      %dma_wait3A_239 = tpu.memref_slice %arg9[%run_scoped3A_190, %dma_wait3A_237, %dma_wait3A_238] : memref<2x80x128xf32, #tpu.memory_space<vmem>> -> memref<1x80x128xf32, #tpu.memory_space<vmem>>
      %dma_wait3A_240 = tpu.memref_squeeze %dma_wait3A_239 : memref<1x80x128xf32, #tpu.memory_space<vmem>> -> memref<80x128xf32, #tpu.memory_space<vmem>>
      tpu.wait_dma2 semaphore(%run_scoped3A_212 : memref<!tpu.dma_semaphore, #tpu.memory_space<semaphore_mem>>) src(%dma_wait3A_240 : memref<80x128xf32, #tpu.memory_space<vmem>>) dst(%dma_wait3A_236 : memref<80x128xf32, #tpu.memory_space<hbm>>)
      tpu.yield
    }) : () -> ()
    %add3A_191 = arith.constant 320 : i32
    %add3A_192 = arith.addi %mul3A_7, %add3A_191 : i32
    %run_scoped3A_193 = arith.constant 0 : i32
    "tpu.region"() ({
      %run_scoped3A_212 = tpu.sem_alloc : memref<!tpu.dma_semaphore, #tpu.memory_space<semaphore_mem>>
      %dma_start3A_213 = arith.constant 0 : i32
      %dma_start3A_214 = arith.constant 0 : i32
      %dma_start3A_215 = tpu.memref_slice %arg9[%run_scoped3A_193, %dma_start3A_213, %dma_start3A_214] : memref<2x80x128xf32, #tpu.memory_space<vmem>> -> memref<1x80x128xf32, #tpu.memory_space<vmem>>
      %dma_start3A_216 = tpu.memref_squeeze %dma_start3A_215 : memref<1x80x128xf32, #tpu.memory_space<vmem>> -> memref<80x128xf32, #tpu.memory_space<vmem>>
      %dma_start3A_217 = arith.constant 0 : i32
      %dma_start3A_218 = tpu.memref_slice %arg11[%add3A_192, %dma_start3A_217] : memref<10000x128xf32, #tpu.memory_space<vmem_shared>> -> memref<80x128xf32, #tpu.memory_space<vmem_shared>>
      %dma_start3A_219 = arith.constant 0 : i32
      %dma_start3A_220 = arith.constant 0 : i32
      %dma_start3A_221 = tpu.memref_slice %arg9[%run_scoped3A_193, %dma_start3A_219, %dma_start3A_220] : memref<2x80x128xf32, #tpu.memory_space<vmem>> -> memref<1x80x128xf32, #tpu.memory_space<vmem>>
      %dma_start3A_222 = tpu.memref_squeeze %dma_start3A_221 : memref<1x80x128xf32, #tpu.memory_space<vmem>> -> memref<80x128xf32, #tpu.memory_space<vmem>>
      %dma_start3A_223 = arith.constant 0 : i32
      %dma_start3A_224 = tpu.memref_slice %arg11[%add3A_192, %dma_start3A_223] : memref<10000x128xf32, #tpu.memory_space<vmem_shared>> -> memref<80x128xf32, #tpu.memory_space<vmem_shared>>
      tpu.enqueue_dma source(%dma_start3A_224 : memref<80x128xf32, #tpu.memory_space<vmem_shared>>) target(%dma_start3A_222 : memref<80x128xf32, #tpu.memory_space<vmem>>) target_semaphore(%run_scoped3A_212 : memref<!tpu.dma_semaphore, #tpu.memory_space<semaphore_mem>>)
      %dma_wait3A_225 = arith.constant 0 : i32
      %dma_wait3A_226 = arith.constant 0 : i32
      %dma_wait3A_227 = tpu.memref_slice %arg9[%run_scoped3A_193, %dma_wait3A_225, %dma_wait3A_226] : memref<2x80x128xf32, #tpu.memory_space<vmem>> -> memref<1x80x128xf32, #tpu.memory_space<vmem>>
      %dma_wait3A_228 = tpu.memref_squeeze %dma_wait3A_227 : memref<1x80x128xf32, #tpu.memory_space<vmem>> -> memref<80x128xf32, #tpu.memory_space<vmem>>
      %dma_wait3A_229 = arith.constant 0 : i32
      %dma_wait3A_230 = tpu.memref_slice %arg11[%add3A_192, %dma_wait3A_229] : memref<10000x128xf32, #tpu.memory_space<vmem_shared>> -> memref<80x128xf32, #tpu.memory_space<vmem_shared>>
      %dma_wait3A_231 = arith.constant 0 : i32
      %dma_wait3A_232 = arith.constant 0 : i32
      %dma_wait3A_233 = tpu.memref_slice %arg9[%run_scoped3A_193, %dma_wait3A_231, %dma_wait3A_232] : memref<2x80x128xf32, #tpu.memory_space<vmem>> -> memref<1x80x128xf32, #tpu.memory_space<vmem>>
      %dma_wait3A_234 = tpu.memref_squeeze %dma_wait3A_233 : memref<1x80x128xf32, #tpu.memory_space<vmem>> -> memref<80x128xf32, #tpu.memory_space<vmem>>
      %dma_wait3A_235 = arith.constant 0 : i32
      %dma_wait3A_236 = tpu.memref_slice %arg11[%add3A_192, %dma_wait3A_235] : memref<10000x128xf32, #tpu.memory_space<vmem_shared>> -> memref<80x128xf32, #tpu.memory_space<vmem_shared>>
      tpu.wait_dma2 semaphore(%run_scoped3A_212 : memref<!tpu.dma_semaphore, #tpu.memory_space<semaphore_mem>>) src(%dma_wait3A_236 : memref<80x128xf32, #tpu.memory_space<vmem_shared>>) dst(%dma_wait3A_234 : memref<80x128xf32, #tpu.memory_space<vmem>>)
      tpu.yield
    }) : () -> ()
    %run_scoped3A_194 = arith.constant 0 : i32
    "tpu.region"() ({
      %run_scoped3A_212 = tpu.sem_alloc : memref<!tpu.dma_semaphore, #tpu.memory_space<semaphore_mem>>
      %dma_start3A_213 = arith.constant 0 : i32
      %dma_start3A_214 = arith.constant 0 : i32
      %dma_start3A_215 = tpu.memref_slice %arg9[%run_scoped3A_194, %dma_start3A_213, %dma_start3A_214] : memref<2x80x128xf32, #tpu.memory_space<vmem>> -> memref<1x80x128xf32, #tpu.memory_space<vmem>>
      %dma_start3A_216 = tpu.memref_squeeze %dma_start3A_215 : memref<1x80x128xf32, #tpu.memory_space<vmem>> -> memref<80x128xf32, #tpu.memory_space<vmem>>
      %dma_start3A_217 = arith.constant 0 : i32
      %dma_start3A_218 = tpu.memref_slice %arg5[%arg0, %add3A_192, %dma_start3A_217] : memref<2x10000x128xf32, #tpu.memory_space<hbm>> -> memref<1x80x128xf32, #tpu.memory_space<hbm>>
      %dma_start3A_219 = tpu.memref_squeeze %dma_start3A_218 : memref<1x80x128xf32, #tpu.memory_space<hbm>> -> memref<80x128xf32, #tpu.memory_space<hbm>>
      %dma_start3A_220 = arith.constant 0 : i32
      %dma_start3A_221 = tpu.memref_slice %arg5[%arg0, %add3A_192, %dma_start3A_220] : memref<2x10000x128xf32, #tpu.memory_space<hbm>> -> memref<1x80x128xf32, #tpu.memory_space<hbm>>
      %dma_start3A_222 = tpu.memref_squeeze %dma_start3A_221 : memref<1x80x128xf32, #tpu.memory_space<hbm>> -> memref<80x128xf32, #tpu.memory_space<hbm>>
      %dma_start3A_223 = arith.constant 0 : i32
      %dma_start3A_224 = arith.constant 0 : i32
      %dma_start3A_225 = tpu.memref_slice %arg9[%run_scoped3A_194, %dma_start3A_223, %dma_start3A_224] : memref<2x80x128xf32, #tpu.memory_space<vmem>> -> memref<1x80x128xf32, #tpu.memory_space<vmem>>
      %dma_start3A_226 = tpu.memref_squeeze %dma_start3A_225 : memref<1x80x128xf32, #tpu.memory_space<vmem>> -> memref<80x128xf32, #tpu.memory_space<vmem>>
      tpu.enqueue_dma source(%dma_start3A_226 : memref<80x128xf32, #tpu.memory_space<vmem>>) target(%dma_start3A_222 : memref<80x128xf32, #tpu.memory_space<hbm>>) target_semaphore(%run_scoped3A_212 : memref<!tpu.dma_semaphore, #tpu.memory_space<semaphore_mem>>)
      %dma_wait3A_227 = arith.constant 0 : i32
      %dma_wait3A_228 = arith.constant 0 : i32
      %dma_wait3A_229 = tpu.memref_slice %arg9[%run_scoped3A_194, %dma_wait3A_227, %dma_wait3A_228] : memref<2x80x128xf32, #tpu.memory_space<vmem>> -> memref<1x80x128xf32, #tpu.memory_space<vmem>>
      %dma_wait3A_230 = tpu.memref_squeeze %dma_wait3A_229 : memref<1x80x128xf32, #tpu.memory_space<vmem>> -> memref<80x128xf32, #tpu.memory_space<vmem>>
      %dma_wait3A_231 = arith.constant 0 : i32
      %dma_wait3A_232 = tpu.memref_slice %arg5[%arg0, %add3A_192, %dma_wait3A_231] : memref<2x10000x128xf32, #tpu.memory_space<hbm>> -> memref<1x80x128xf32, #tpu.memory_space<hbm>>
      %dma_wait3A_233 = tpu.memref_squeeze %dma_wait3A_232 : memref<1x80x128xf32, #tpu.memory_space<hbm>> -> memref<80x128xf32, #tpu.memory_space<hbm>>
      %dma_wait3A_234 = arith.constant 0 : i32
      %dma_wait3A_235 = tpu.memref_slice %arg5[%arg0, %add3A_192, %dma_wait3A_234] : memref<2x10000x128xf32, #tpu.memory_space<hbm>> -> memref<1x80x128xf32, #tpu.memory_space<hbm>>
      %dma_wait3A_236 = tpu.memref_squeeze %dma_wait3A_235 : memref<1x80x128xf32, #tpu.memory_space<hbm>> -> memref<80x128xf32, #tpu.memory_space<hbm>>
      %dma_wait3A_237 = arith.constant 0 : i32
      %dma_wait3A_238 = arith.constant 0 : i32
      %dma_wait3A_239 = tpu.memref_slice %arg9[%run_scoped3A_194, %dma_wait3A_237, %dma_wait3A_238] : memref<2x80x128xf32, #tpu.memory_space<vmem>> -> memref<1x80x128xf32, #tpu.memory_space<vmem>>
      %dma_wait3A_240 = tpu.memref_squeeze %dma_wait3A_239 : memref<1x80x128xf32, #tpu.memory_space<vmem>> -> memref<80x128xf32, #tpu.memory_space<vmem>>
      tpu.wait_dma2 semaphore(%run_scoped3A_212 : memref<!tpu.dma_semaphore, #tpu.memory_space<semaphore_mem>>) src(%dma_wait3A_240 : memref<80x128xf32, #tpu.memory_space<vmem>>) dst(%dma_wait3A_236 : memref<80x128xf32, #tpu.memory_space<hbm>>)
      tpu.yield
    }) : () -> ()
    %add3A_195 = arith.constant 400 : i32
    %add3A_196 = arith.addi %mul3A_7, %add3A_195 : i32
    %run_scoped3A_197 = arith.constant 0 : i32
    "tpu.region"() ({
      %run_scoped3A_212 = tpu.sem_alloc : memref<!tpu.dma_semaphore, #tpu.memory_space<semaphore_mem>>
      %dma_start3A_213 = arith.constant 0 : i32
      %dma_start3A_214 = arith.constant 0 : i32
      %dma_start3A_215 = tpu.memref_slice %arg9[%run_scoped3A_197, %dma_start3A_213, %dma_start3A_214] : memref<2x80x128xf32, #tpu.memory_space<vmem>> -> memref<1x80x128xf32, #tpu.memory_space<vmem>>
      %dma_start3A_216 = tpu.memref_squeeze %dma_start3A_215 : memref<1x80x128xf32, #tpu.memory_space<vmem>> -> memref<80x128xf32, #tpu.memory_space<vmem>>
      %dma_start3A_217 = arith.constant 0 : i32
      %dma_start3A_218 = tpu.memref_slice %arg11[%add3A_196, %dma_start3A_217] : memref<10000x128xf32, #tpu.memory_space<vmem_shared>> -> memref<80x128xf32, #tpu.memory_space<vmem_shared>>
      %dma_start3A_219 = arith.constant 0 : i32
      %dma_start3A_220 = arith.constant 0 : i32
      %dma_start3A_221 = tpu.memref_slice %arg9[%run_scoped3A_197, %dma_start3A_219, %dma_start3A_220] : memref<2x80x128xf32, #tpu.memory_space<vmem>> -> memref<1x80x128xf32, #tpu.memory_space<vmem>>
      %dma_start3A_222 = tpu.memref_squeeze %dma_start3A_221 : memref<1x80x128xf32, #tpu.memory_space<vmem>> -> memref<80x128xf32, #tpu.memory_space<vmem>>
      %dma_start3A_223 = arith.constant 0 : i32
      %dma_start3A_224 = tpu.memref_slice %arg11[%add3A_196, %dma_start3A_223] : memref<10000x128xf32, #tpu.memory_space<vmem_shared>> -> memref<80x128xf32, #tpu.memory_space<vmem_shared>>
      tpu.enqueue_dma source(%dma_start3A_224 : memref<80x128xf32, #tpu.memory_space<vmem_shared>>) target(%dma_start3A_222 : memref<80x128xf32, #tpu.memory_space<vmem>>) target_semaphore(%run_scoped3A_212 : memref<!tpu.dma_semaphore, #tpu.memory_space<semaphore_mem>>)
      %dma_wait3A_225 = arith.constant 0 : i32
      %dma_wait3A_226 = arith.constant 0 : i32
      %dma_wait3A_227 = tpu.memref_slice %arg9[%run_scoped3A_197, %dma_wait3A_225, %dma_wait3A_226] : memref<2x80x128xf32, #tpu.memory_space<vmem>> -> memref<1x80x128xf32, #tpu.memory_space<vmem>>
      %dma_wait3A_228 = tpu.memref_squeeze %dma_wait3A_227 : memref<1x80x128xf32, #tpu.memory_space<vmem>> -> memref<80x128xf32, #tpu.memory_space<vmem>>
      %dma_wait3A_229 = arith.constant 0 : i32
      %dma_wait3A_230 = tpu.memref_slice %arg11[%add3A_196, %dma_wait3A_229] : memref<10000x128xf32, #tpu.memory_space<vmem_shared>> -> memref<80x128xf32, #tpu.memory_space<vmem_shared>>
      %dma_wait3A_231 = arith.constant 0 : i32
      %dma_wait3A_232 = arith.constant 0 : i32
      %dma_wait3A_233 = tpu.memref_slice %arg9[%run_scoped3A_197, %dma_wait3A_231, %dma_wait3A_232] : memref<2x80x128xf32, #tpu.memory_space<vmem>> -> memref<1x80x128xf32, #tpu.memory_space<vmem>>
      %dma_wait3A_234 = tpu.memref_squeeze %dma_wait3A_233 : memref<1x80x128xf32, #tpu.memory_space<vmem>> -> memref<80x128xf32, #tpu.memory_space<vmem>>
      %dma_wait3A_235 = arith.constant 0 : i32
      %dma_wait3A_236 = tpu.memref_slice %arg11[%add3A_196, %dma_wait3A_235] : memref<10000x128xf32, #tpu.memory_space<vmem_shared>> -> memref<80x128xf32, #tpu.memory_space<vmem_shared>>
      tpu.wait_dma2 semaphore(%run_scoped3A_212 : memref<!tpu.dma_semaphore, #tpu.memory_space<semaphore_mem>>) src(%dma_wait3A_236 : memref<80x128xf32, #tpu.memory_space<vmem_shared>>) dst(%dma_wait3A_234 : memref<80x128xf32, #tpu.memory_space<vmem>>)
      tpu.yield
    }) : () -> ()
    %run_scoped3A_198 = arith.constant 0 : i32
    "tpu.region"() ({
      %run_scoped3A_212 = tpu.sem_alloc : memref<!tpu.dma_semaphore, #tpu.memory_space<semaphore_mem>>
      %dma_start3A_213 = arith.constant 0 : i32
      %dma_start3A_214 = arith.constant 0 : i32
      %dma_start3A_215 = tpu.memref_slice %arg9[%run_scoped3A_198, %dma_start3A_213, %dma_start3A_214] : memref<2x80x128xf32, #tpu.memory_space<vmem>> -> memref<1x80x128xf32, #tpu.memory_space<vmem>>
      %dma_start3A_216 = tpu.memref_squeeze %dma_start3A_215 : memref<1x80x128xf32, #tpu.memory_space<vmem>> -> memref<80x128xf32, #tpu.memory_space<vmem>>
      %dma_start3A_217 = arith.constant 0 : i32
      %dma_start3A_218 = tpu.memref_slice %arg5[%arg0, %add3A_196, %dma_start3A_217] : memref<2x10000x128xf32, #tpu.memory_space<hbm>> -> memref<1x80x128xf32, #tpu.memory_space<hbm>>
      %dma_start3A_219 = tpu.memref_squeeze %dma_start3A_218 : memref<1x80x128xf32, #tpu.memory_space<hbm>> -> memref<80x128xf32, #tpu.memory_space<hbm>>
      %dma_start3A_220 = arith.constant 0 : i32
      %dma_start3A_221 = tpu.memref_slice %arg5[%arg0, %add3A_196, %dma_start3A_220] : memref<2x10000x128xf32, #tpu.memory_space<hbm>> -> memref<1x80x128xf32, #tpu.memory_space<hbm>>
      %dma_start3A_222 = tpu.memref_squeeze %dma_start3A_221 : memref<1x80x128xf32, #tpu.memory_space<hbm>> -> memref<80x128xf32, #tpu.memory_space<hbm>>
      %dma_start3A_223 = arith.constant 0 : i32
      %dma_start3A_224 = arith.constant 0 : i32
      %dma_start3A_225 = tpu.memref_slice %arg9[%run_scoped3A_198, %dma_start3A_223, %dma_start3A_224] : memref<2x80x128xf32, #tpu.memory_space<vmem>> -> memref<1x80x128xf32, #tpu.memory_space<vmem>>
      %dma_start3A_226 = tpu.memref_squeeze %dma_start3A_225 : memref<1x80x128xf32, #tpu.memory_space<vmem>> -> memref<80x128xf32, #tpu.memory_space<vmem>>
      tpu.enqueue_dma source(%dma_start3A_226 : memref<80x128xf32, #tpu.memory_space<vmem>>) target(%dma_start3A_222 : memref<80x128xf32, #tpu.memory_space<hbm>>) target_semaphore(%run_scoped3A_212 : memref<!tpu.dma_semaphore, #tpu.memory_space<semaphore_mem>>)
      %dma_wait3A_227 = arith.constant 0 : i32
      %dma_wait3A_228 = arith.constant 0 : i32
      %dma_wait3A_229 = tpu.memref_slice %arg9[%run_scoped3A_198, %dma_wait3A_227, %dma_wait3A_228] : memref<2x80x128xf32, #tpu.memory_space<vmem>> -> memref<1x80x128xf32, #tpu.memory_space<vmem>>
      %dma_wait3A_230 = tpu.memref_squeeze %dma_wait3A_229 : memref<1x80x128xf32, #tpu.memory_space<vmem>> -> memref<80x128xf32, #tpu.memory_space<vmem>>
      %dma_wait3A_231 = arith.constant 0 : i32
      %dma_wait3A_232 = tpu.memref_slice %arg5[%arg0, %add3A_196, %dma_wait3A_231] : memref<2x10000x128xf32, #tpu.memory_space<hbm>> -> memref<1x80x128xf32, #tpu.memory_space<hbm>>
      %dma_wait3A_233 = tpu.memref_squeeze %dma_wait3A_232 : memref<1x80x128xf32, #tpu.memory_space<hbm>> -> memref<80x128xf32, #tpu.memory_space<hbm>>
      %dma_wait3A_234 = arith.constant 0 : i32
      %dma_wait3A_235 = tpu.memref_slice %arg5[%arg0, %add3A_196, %dma_wait3A_234] : memref<2x10000x128xf32, #tpu.memory_space<hbm>> -> memref<1x80x128xf32, #tpu.memory_space<hbm>>
      %dma_wait3A_236 = tpu.memref_squeeze %dma_wait3A_235 : memref<1x80x128xf32, #tpu.memory_space<hbm>> -> memref<80x128xf32, #tpu.memory_space<hbm>>
      %dma_wait3A_237 = arith.constant 0 : i32
      %dma_wait3A_238 = arith.constant 0 : i32
      %dma_wait3A_239 = tpu.memref_slice %arg9[%run_scoped3A_198, %dma_wait3A_237, %dma_wait3A_238] : memref<2x80x128xf32, #tpu.memory_space<vmem>> -> memref<1x80x128xf32, #tpu.memory_space<vmem>>
      %dma_wait3A_240 = tpu.memref_squeeze %dma_wait3A_239 : memref<1x80x128xf32, #tpu.memory_space<vmem>> -> memref<80x128xf32, #tpu.memory_space<vmem>>
      tpu.wait_dma2 semaphore(%run_scoped3A_212 : memref<!tpu.dma_semaphore, #tpu.memory_space<semaphore_mem>>) src(%dma_wait3A_240 : memref<80x128xf32, #tpu.memory_space<vmem>>) dst(%dma_wait3A_236 : memref<80x128xf32, #tpu.memory_space<hbm>>)
      tpu.yield
    }) : () -> ()
    %add3A_199 = arith.constant 480 : i32
    %add3A_200 = arith.addi %mul3A_7, %add3A_199 : i32
    %run_scoped3A_201 = arith.constant 0 : i32
    "tpu.region"() ({
      %run_scoped3A_212 = tpu.sem_alloc : memref<!tpu.dma_semaphore, #tpu.memory_space<semaphore_mem>>
      %dma_start3A_213 = arith.constant 0 : i32
      %dma_start3A_214 = arith.constant 0 : i32
      %dma_start3A_215 = tpu.memref_slice %arg9[%run_scoped3A_201, %dma_start3A_213, %dma_start3A_214] : memref<2x80x128xf32, #tpu.memory_space<vmem>> -> memref<1x80x128xf32, #tpu.memory_space<vmem>>
      %dma_start3A_216 = tpu.memref_squeeze %dma_start3A_215 : memref<1x80x128xf32, #tpu.memory_space<vmem>> -> memref<80x128xf32, #tpu.memory_space<vmem>>
      %dma_start3A_217 = arith.constant 0 : i32
      %dma_start3A_218 = tpu.memref_slice %arg11[%add3A_200, %dma_start3A_217] : memref<10000x128xf32, #tpu.memory_space<vmem_shared>> -> memref<80x128xf32, #tpu.memory_space<vmem_shared>>
      %dma_start3A_219 = arith.constant 0 : i32
      %dma_start3A_220 = arith.constant 0 : i32
      %dma_start3A_221 = tpu.memref_slice %arg9[%run_scoped3A_201, %dma_start3A_219, %dma_start3A_220] : memref<2x80x128xf32, #tpu.memory_space<vmem>> -> memref<1x80x128xf32, #tpu.memory_space<vmem>>
      %dma_start3A_222 = tpu.memref_squeeze %dma_start3A_221 : memref<1x80x128xf32, #tpu.memory_space<vmem>> -> memref<80x128xf32, #tpu.memory_space<vmem>>
      %dma_start3A_223 = arith.constant 0 : i32
      %dma_start3A_224 = tpu.memref_slice %arg11[%add3A_200, %dma_start3A_223] : memref<10000x128xf32, #tpu.memory_space<vmem_shared>> -> memref<80x128xf32, #tpu.memory_space<vmem_shared>>
      tpu.enqueue_dma source(%dma_start3A_224 : memref<80x128xf32, #tpu.memory_space<vmem_shared>>) target(%dma_start3A_222 : memref<80x128xf32, #tpu.memory_space<vmem>>) target_semaphore(%run_scoped3A_212 : memref<!tpu.dma_semaphore, #tpu.memory_space<semaphore_mem>>)
      %dma_wait3A_225 = arith.constant 0 : i32
      %dma_wait3A_226 = arith.constant 0 : i32
      %dma_wait3A_227 = tpu.memref_slice %arg9[%run_scoped3A_201, %dma_wait3A_225, %dma_wait3A_226] : memref<2x80x128xf32, #tpu.memory_space<vmem>> -> memref<1x80x128xf32, #tpu.memory_space<vmem>>
      %dma_wait3A_228 = tpu.memref_squeeze %dma_wait3A_227 : memref<1x80x128xf32, #tpu.memory_space<vmem>> -> memref<80x128xf32, #tpu.memory_space<vmem>>
      %dma_wait3A_229 = arith.constant 0 : i32
      %dma_wait3A_230 = tpu.memref_slice %arg11[%add3A_200, %dma_wait3A_229] : memref<10000x128xf32, #tpu.memory_space<vmem_shared>> -> memref<80x128xf32, #tpu.memory_space<vmem_shared>>
      %dma_wait3A_231 = arith.constant 0 : i32
      %dma_wait3A_232 = arith.constant 0 : i32
      %dma_wait3A_233 = tpu.memref_slice %arg9[%run_scoped3A_201, %dma_wait3A_231, %dma_wait3A_232] : memref<2x80x128xf32, #tpu.memory_space<vmem>> -> memref<1x80x128xf32, #tpu.memory_space<vmem>>
      %dma_wait3A_234 = tpu.memref_squeeze %dma_wait3A_233 : memref<1x80x128xf32, #tpu.memory_space<vmem>> -> memref<80x128xf32, #tpu.memory_space<vmem>>
      %dma_wait3A_235 = arith.constant 0 : i32
      %dma_wait3A_236 = tpu.memref_slice %arg11[%add3A_200, %dma_wait3A_235] : memref<10000x128xf32, #tpu.memory_space<vmem_shared>> -> memref<80x128xf32, #tpu.memory_space<vmem_shared>>
      tpu.wait_dma2 semaphore(%run_scoped3A_212 : memref<!tpu.dma_semaphore, #tpu.memory_space<semaphore_mem>>) src(%dma_wait3A_236 : memref<80x128xf32, #tpu.memory_space<vmem_shared>>) dst(%dma_wait3A_234 : memref<80x128xf32, #tpu.memory_space<vmem>>)
      tpu.yield
    }) : () -> ()
    %run_scoped3A_202 = arith.constant 0 : i32
    "tpu.region"() ({
      %run_scoped3A_212 = tpu.sem_alloc : memref<!tpu.dma_semaphore, #tpu.memory_space<semaphore_mem>>
      %dma_start3A_213 = arith.constant 0 : i32
      %dma_start3A_214 = arith.constant 0 : i32
      %dma_start3A_215 = tpu.memref_slice %arg9[%run_scoped3A_202, %dma_start3A_213, %dma_start3A_214] : memref<2x80x128xf32, #tpu.memory_space<vmem>> -> memref<1x80x128xf32, #tpu.memory_space<vmem>>
      %dma_start3A_216 = tpu.memref_squeeze %dma_start3A_215 : memref<1x80x128xf32, #tpu.memory_space<vmem>> -> memref<80x128xf32, #tpu.memory_space<vmem>>
      %dma_start3A_217 = arith.constant 0 : i32
      %dma_start3A_218 = tpu.memref_slice %arg5[%arg0, %add3A_200, %dma_start3A_217] : memref<2x10000x128xf32, #tpu.memory_space<hbm>> -> memref<1x80x128xf32, #tpu.memory_space<hbm>>
      %dma_start3A_219 = tpu.memref_squeeze %dma_start3A_218 : memref<1x80x128xf32, #tpu.memory_space<hbm>> -> memref<80x128xf32, #tpu.memory_space<hbm>>
      %dma_start3A_220 = arith.constant 0 : i32
      %dma_start3A_221 = tpu.memref_slice %arg5[%arg0, %add3A_200, %dma_start3A_220] : memref<2x10000x128xf32, #tpu.memory_space<hbm>> -> memref<1x80x128xf32, #tpu.memory_space<hbm>>
      %dma_start3A_222 = tpu.memref_squeeze %dma_start3A_221 : memref<1x80x128xf32, #tpu.memory_space<hbm>> -> memref<80x128xf32, #tpu.memory_space<hbm>>
      %dma_start3A_223 = arith.constant 0 : i32
      %dma_start3A_224 = arith.constant 0 : i32
      %dma_start3A_225 = tpu.memref_slice %arg9[%run_scoped3A_202, %dma_start3A_223, %dma_start3A_224] : memref<2x80x128xf32, #tpu.memory_space<vmem>> -> memref<1x80x128xf32, #tpu.memory_space<vmem>>
      %dma_start3A_226 = tpu.memref_squeeze %dma_start3A_225 : memref<1x80x128xf32, #tpu.memory_space<vmem>> -> memref<80x128xf32, #tpu.memory_space<vmem>>
      tpu.enqueue_dma source(%dma_start3A_226 : memref<80x128xf32, #tpu.memory_space<vmem>>) target(%dma_start3A_222 : memref<80x128xf32, #tpu.memory_space<hbm>>) target_semaphore(%run_scoped3A_212 : memref<!tpu.dma_semaphore, #tpu.memory_space<semaphore_mem>>)
      %dma_wait3A_227 = arith.constant 0 : i32
      %dma_wait3A_228 = arith.constant 0 : i32
      %dma_wait3A_229 = tpu.memref_slice %arg9[%run_scoped3A_202, %dma_wait3A_227, %dma_wait3A_228] : memref<2x80x128xf32, #tpu.memory_space<vmem>> -> memref<1x80x128xf32, #tpu.memory_space<vmem>>
      %dma_wait3A_230 = tpu.memref_squeeze %dma_wait3A_229 : memref<1x80x128xf32, #tpu.memory_space<vmem>> -> memref<80x128xf32, #tpu.memory_space<vmem>>
      %dma_wait3A_231 = arith.constant 0 : i32
      %dma_wait3A_232 = tpu.memref_slice %arg5[%arg0, %add3A_200, %dma_wait3A_231] : memref<2x10000x128xf32, #tpu.memory_space<hbm>> -> memref<1x80x128xf32, #tpu.memory_space<hbm>>
      %dma_wait3A_233 = tpu.memref_squeeze %dma_wait3A_232 : memref<1x80x128xf32, #tpu.memory_space<hbm>> -> memref<80x128xf32, #tpu.memory_space<hbm>>
      %dma_wait3A_234 = arith.constant 0 : i32
      %dma_wait3A_235 = tpu.memref_slice %arg5[%arg0, %add3A_200, %dma_wait3A_234] : memref<2x10000x128xf32, #tpu.memory_space<hbm>> -> memref<1x80x128xf32, #tpu.memory_space<hbm>>
      %dma_wait3A_236 = tpu.memref_squeeze %dma_wait3A_235 : memref<1x80x128xf32, #tpu.memory_space<hbm>> -> memref<80x128xf32, #tpu.memory_space<hbm>>
      %dma_wait3A_237 = arith.constant 0 : i32
      %dma_wait3A_238 = arith.constant 0 : i32
      %dma_wait3A_239 = tpu.memref_slice %arg9[%run_scoped3A_202, %dma_wait3A_237, %dma_wait3A_238] : memref<2x80x128xf32, #tpu.memory_space<vmem>> -> memref<1x80x128xf32, #tpu.memory_space<vmem>>
      %dma_wait3A_240 = tpu.memref_squeeze %dma_wait3A_239 : memref<1x80x128xf32, #tpu.memory_space<vmem>> -> memref<80x128xf32, #tpu.memory_space<vmem>>
      tpu.wait_dma2 semaphore(%run_scoped3A_212 : memref<!tpu.dma_semaphore, #tpu.memory_space<semaphore_mem>>) src(%dma_wait3A_240 : memref<80x128xf32, #tpu.memory_space<vmem>>) dst(%dma_wait3A_236 : memref<80x128xf32, #tpu.memory_space<hbm>>)
      tpu.yield
    }) : () -> ()
    %add3A_203 = arith.constant 560 : i32
    %add3A_204 = arith.addi %mul3A_7, %add3A_203 : i32
    %run_scoped3A_205 = arith.constant 0 : i32
    "tpu.region"() ({
      %run_scoped3A_212 = tpu.sem_alloc : memref<!tpu.dma_semaphore, #tpu.memory_space<semaphore_mem>>
      %dma_start3A_213 = arith.constant 0 : i32
      %dma_start3A_214 = arith.constant 0 : i32
      %dma_start3A_215 = tpu.memref_slice %arg9[%run_scoped3A_205, %dma_start3A_213, %dma_start3A_214] : memref<2x80x128xf32, #tpu.memory_space<vmem>> -> memref<1x64x128xf32, #tpu.memory_space<vmem>>
      %dma_start3A_216 = tpu.memref_squeeze %dma_start3A_215 : memref<1x64x128xf32, #tpu.memory_space<vmem>> -> memref<64x128xf32, #tpu.memory_space<vmem>>
      %dma_start3A_217 = arith.constant 0 : i32
      %dma_start3A_218 = tpu.memref_slice %arg11[%add3A_204, %dma_start3A_217] : memref<10000x128xf32, #tpu.memory_space<vmem_shared>> -> memref<64x128xf32, #tpu.memory_space<vmem_shared>>
      %dma_start3A_219 = arith.constant 0 : i32
      %dma_start3A_220 = arith.constant 0 : i32
      %dma_start3A_221 = tpu.memref_slice %arg9[%run_scoped3A_205, %dma_start3A_219, %dma_start3A_220] : memref<2x80x128xf32, #tpu.memory_space<vmem>> -> memref<1x64x128xf32, #tpu.memory_space<vmem>>
      %dma_start3A_222 = tpu.memref_squeeze %dma_start3A_221 : memref<1x64x128xf32, #tpu.memory_space<vmem>> -> memref<64x128xf32, #tpu.memory_space<vmem>>
      %dma_start3A_223 = arith.constant 0 : i32
      %dma_start3A_224 = tpu.memref_slice %arg11[%add3A_204, %dma_start3A_223] : memref<10000x128xf32, #tpu.memory_space<vmem_shared>> -> memref<64x128xf32, #tpu.memory_space<vmem_shared>>
      tpu.enqueue_dma source(%dma_start3A_224 : memref<64x128xf32, #tpu.memory_space<vmem_shared>>) target(%dma_start3A_222 : memref<64x128xf32, #tpu.memory_space<vmem>>) target_semaphore(%run_scoped3A_212 : memref<!tpu.dma_semaphore, #tpu.memory_space<semaphore_mem>>)
      %dma_wait3A_225 = arith.constant 0 : i32
      %dma_wait3A_226 = arith.constant 0 : i32
      %dma_wait3A_227 = tpu.memref_slice %arg9[%run_scoped3A_205, %dma_wait3A_225, %dma_wait3A_226] : memref<2x80x128xf32, #tpu.memory_space<vmem>> -> memref<1x64x128xf32, #tpu.memory_space<vmem>>
      %dma_wait3A_228 = tpu.memref_squeeze %dma_wait3A_227 : memref<1x64x128xf32, #tpu.memory_space<vmem>> -> memref<64x128xf32, #tpu.memory_space<vmem>>
      %dma_wait3A_229 = arith.constant 0 : i32
      %dma_wait3A_230 = tpu.memref_slice %arg11[%add3A_204, %dma_wait3A_229] : memref<10000x128xf32, #tpu.memory_space<vmem_shared>> -> memref<64x128xf32, #tpu.memory_space<vmem_shared>>
      %dma_wait3A_231 = arith.constant 0 : i32
      %dma_wait3A_232 = arith.constant 0 : i32
      %dma_wait3A_233 = tpu.memref_slice %arg9[%run_scoped3A_205, %dma_wait3A_231, %dma_wait3A_232] : memref<2x80x128xf32, #tpu.memory_space<vmem>> -> memref<1x64x128xf32, #tpu.memory_space<vmem>>
      %dma_wait3A_234 = tpu.memref_squeeze %dma_wait3A_233 : memref<1x64x128xf32, #tpu.memory_space<vmem>> -> memref<64x128xf32, #tpu.memory_space<vmem>>
      %dma_wait3A_235 = arith.constant 0 : i32
      %dma_wait3A_236 = tpu.memref_slice %arg11[%add3A_204, %dma_wait3A_235] : memref<10000x128xf32, #tpu.memory_space<vmem_shared>> -> memref<64x128xf32, #tpu.memory_space<vmem_shared>>
      tpu.wait_dma2 semaphore(%run_scoped3A_212 : memref<!tpu.dma_semaphore, #tpu.memory_space<semaphore_mem>>) src(%dma_wait3A_236 : memref<64x128xf32, #tpu.memory_space<vmem_shared>>) dst(%dma_wait3A_234 : memref<64x128xf32, #tpu.memory_space<vmem>>)
      tpu.yield
    }) : () -> ()
    %run_scoped3A_206 = arith.constant 0 : i32
    "tpu.region"() ({
      %run_scoped3A_212 = tpu.sem_alloc : memref<!tpu.dma_semaphore, #tpu.memory_space<semaphore_mem>>
      %dma_start3A_213 = arith.constant 0 : i32
      %dma_start3A_214 = arith.constant 0 : i32
      %dma_start3A_215 = tpu.memref_slice %arg9[%run_scoped3A_206, %dma_start3A_213, %dma_start3A_214] : memref<2x80x128xf32, #tpu.memory_space<vmem>> -> memref<1x64x128xf32, #tpu.memory_space<vmem>>
      %dma_start3A_216 = tpu.memref_squeeze %dma_start3A_215 : memref<1x64x128xf32, #tpu.memory_space<vmem>> -> memref<64x128xf32, #tpu.memory_space<vmem>>
      %dma_start3A_217 = arith.constant 0 : i32
      %dma_start3A_218 = tpu.memref_slice %arg5[%arg0, %add3A_204, %dma_start3A_217] : memref<2x10000x128xf32, #tpu.memory_space<hbm>> -> memref<1x64x128xf32, #tpu.memory_space<hbm>>
      %dma_start3A_219 = tpu.memref_squeeze %dma_start3A_218 : memref<1x64x128xf32, #tpu.memory_space<hbm>> -> memref<64x128xf32, #tpu.memory_space<hbm>>
      %dma_start3A_220 = arith.constant 0 : i32
      %dma_start3A_221 = tpu.memref_slice %arg5[%arg0, %add3A_204, %dma_start3A_220] : memref<2x10000x128xf32, #tpu.memory_space<hbm>> -> memref<1x64x128xf32, #tpu.memory_space<hbm>>
      %dma_start3A_222 = tpu.memref_squeeze %dma_start3A_221 : memref<1x64x128xf32, #tpu.memory_space<hbm>> -> memref<64x128xf32, #tpu.memory_space<hbm>>
      %dma_start3A_223 = arith.constant 0 : i32
      %dma_start3A_224 = arith.constant 0 : i32
      %dma_start3A_225 = tpu.memref_slice %arg9[%run_scoped3A_206, %dma_start3A_223, %dma_start3A_224] : memref<2x80x128xf32, #tpu.memory_space<vmem>> -> memref<1x64x128xf32, #tpu.memory_space<vmem>>
      %dma_start3A_226 = tpu.memref_squeeze %dma_start3A_225 : memref<1x64x128xf32, #tpu.memory_space<vmem>> -> memref<64x128xf32, #tpu.memory_space<vmem>>
      tpu.enqueue_dma source(%dma_start3A_226 : memref<64x128xf32, #tpu.memory_space<vmem>>) target(%dma_start3A_222 : memref<64x128xf32, #tpu.memory_space<hbm>>) target_semaphore(%run_scoped3A_212 : memref<!tpu.dma_semaphore, #tpu.memory_space<semaphore_mem>>)
      %dma_wait3A_227 = arith.constant 0 : i32
      %dma_wait3A_228 = arith.constant 0 : i32
      %dma_wait3A_229 = tpu.memref_slice %arg9[%run_scoped3A_206, %dma_wait3A_227, %dma_wait3A_228] : memref<2x80x128xf32, #tpu.memory_space<vmem>> -> memref<1x64x128xf32, #tpu.memory_space<vmem>>
      %dma_wait3A_230 = tpu.memref_squeeze %dma_wait3A_229 : memref<1x64x128xf32, #tpu.memory_space<vmem>> -> memref<64x128xf32, #tpu.memory_space<vmem>>
      %dma_wait3A_231 = arith.constant 0 : i32
      %dma_wait3A_232 = tpu.memref_slice %arg5[%arg0, %add3A_204, %dma_wait3A_231] : memref<2x10000x128xf32, #tpu.memory_space<hbm>> -> memref<1x64x128xf32, #tpu.memory_space<hbm>>
      %dma_wait3A_233 = tpu.memref_squeeze %dma_wait3A_232 : memref<1x64x128xf32, #tpu.memory_space<hbm>> -> memref<64x128xf32, #tpu.memory_space<hbm>>
      %dma_wait3A_234 = arith.constant 0 : i32
      %dma_wait3A_235 = tpu.memref_slice %arg5[%arg0, %add3A_204, %dma_wait3A_234] : memref<2x10000x128xf32, #tpu.memory_space<hbm>> -> memref<1x64x128xf32, #tpu.memory_space<hbm>>
      %dma_wait3A_236 = tpu.memref_squeeze %dma_wait3A_235 : memref<1x64x128xf32, #tpu.memory_space<hbm>> -> memref<64x128xf32, #tpu.memory_space<hbm>>
      %dma_wait3A_237 = arith.constant 0 : i32
      %dma_wait3A_238 = arith.constant 0 : i32
      %dma_wait3A_239 = tpu.memref_slice %arg9[%run_scoped3A_206, %dma_wait3A_237, %dma_wait3A_238] : memref<2x80x128xf32, #tpu.memory_space<vmem>> -> memref<1x64x128xf32, #tpu.memory_space<vmem>>
      %dma_wait3A_240 = tpu.memref_squeeze %dma_wait3A_239 : memref<1x64x128xf32, #tpu.memory_space<vmem>> -> memref<64x128xf32, #tpu.memory_space<vmem>>
      tpu.wait_dma2 semaphore(%run_scoped3A_212 : memref<!tpu.dma_semaphore, #tpu.memory_space<semaphore_mem>>) src(%dma_wait3A_240 : memref<64x128xf32, #tpu.memory_space<vmem>>) dst(%dma_wait3A_236 : memref<64x128xf32, #tpu.memory_space<hbm>>)
      tpu.yield
    }) : () -> ()
    %eq3A_207 = arith.constant 15 : i32
    %eq3A_208 = arith.cmpi eq, %arg1, %eq3A_207 : i32
    %convert_element_type3A_209 = arith.extui %eq3A_208 : i1 to i32
    %cond3A_210 = arith.constant 0 : i32
    %cond3A_211 = arith.cmpi ne, %convert_element_type3A_209, %cond3A_210 : i32
    scf.if %cond3A_211 {
      %run_scoped3A_212 = arith.constant 0 : i32
      "tpu.region"() ({
        %run_scoped3A_214 = tpu.sem_alloc : memref<!tpu.dma_semaphore, #tpu.memory_space<semaphore_mem>>
        %dma_start3A_215 = arith.constant 0 : i32
        %dma_start3A_216 = arith.constant 0 : i32
        %dma_start3A_217 = tpu.memref_slice %arg9[%run_scoped3A_212, %dma_start3A_215, %dma_start3A_216] : memref<2x80x128xf32, #tpu.memory_space<vmem>> -> memref<1x16x128xf32, #tpu.memory_space<vmem>>
        %dma_start3A_218 = tpu.memref_squeeze %dma_start3A_217 : memref<1x16x128xf32, #tpu.memory_space<vmem>> -> memref<16x128xf32, #tpu.memory_space<vmem>>
        %dma_start3A_219 = arith.constant 9984 : i32
        %dma_start3A_220 = arith.constant 0 : i32
        %dma_start3A_221 = tpu.memref_slice %arg11[%dma_start3A_219, %dma_start3A_220] : memref<10000x128xf32, #tpu.memory_space<vmem_shared>> -> memref<16x128xf32, #tpu.memory_space<vmem_shared>>
        %dma_start3A_222 = arith.constant 0 : i32
        %dma_start3A_223 = arith.constant 0 : i32
        %dma_start3A_224 = tpu.memref_slice %arg9[%run_scoped3A_212, %dma_start3A_222, %dma_start3A_223] : memref<2x80x128xf32, #tpu.memory_space<vmem>> -> memref<1x16x128xf32, #tpu.memory_space<vmem>>
        %dma_start3A_225 = tpu.memref_squeeze %dma_start3A_224 : memref<1x16x128xf32, #tpu.memory_space<vmem>> -> memref<16x128xf32, #tpu.memory_space<vmem>>
        %dma_start3A_226 = arith.constant 9984 : i32
        %dma_start3A_227 = arith.constant 0 : i32
        %dma_start3A_228 = tpu.memref_slice %arg11[%dma_start3A_226, %dma_start3A_227] : memref<10000x128xf32, #tpu.memory_space<vmem_shared>> -> memref<16x128xf32, #tpu.memory_space<vmem_shared>>
        tpu.enqueue_dma source(%dma_start3A_228 : memref<16x128xf32, #tpu.memory_space<vmem_shared>>) target(%dma_start3A_225 : memref<16x128xf32, #tpu.memory_space<vmem>>) target_semaphore(%run_scoped3A_214 : memref<!tpu.dma_semaphore, #tpu.memory_space<semaphore_mem>>)
        %dma_wait3A_229 = arith.constant 0 : i32
        %dma_wait3A_230 = arith.constant 0 : i32
        %dma_wait3A_231 = tpu.memref_slice %arg9[%run_scoped3A_212, %dma_wait3A_229, %dma_wait3A_230] : memref<2x80x128xf32, #tpu.memory_space<vmem>> -> memref<1x16x128xf32, #tpu.memory_space<vmem>>
        %dma_wait3A_232 = tpu.memref_squeeze %dma_wait3A_231 : memref<1x16x128xf32, #tpu.memory_space<vmem>> -> memref<16x128xf32, #tpu.memory_space<vmem>>
        %dma_wait3A_233 = arith.constant 9984 : i32
        %dma_wait3A_234 = arith.constant 0 : i32
        %dma_wait3A_235 = tpu.memref_slice %arg11[%dma_wait3A_233, %dma_wait3A_234] : memref<10000x128xf32, #tpu.memory_space<vmem_shared>> -> memref<16x128xf32, #tpu.memory_space<vmem_shared>>
        %dma_wait3A_236 = arith.constant 0 : i32
        %dma_wait3A_237 = arith.constant 0 : i32
        %dma_wait3A_238 = tpu.memref_slice %arg9[%run_scoped3A_212, %dma_wait3A_236, %dma_wait3A_237] : memref<2x80x128xf32, #tpu.memory_space<vmem>> -> memref<1x16x128xf32, #tpu.memory_space<vmem>>
        %dma_wait3A_239 = tpu.memref_squeeze %dma_wait3A_238 : memref<1x16x128xf32, #tpu.memory_space<vmem>> -> memref<16x128xf32, #tpu.memory_space<vmem>>
        %dma_wait3A_240 = arith.constant 9984 : i32
        %dma_wait3A_241 = arith.constant 0 : i32
        %dma_wait3A_242 = tpu.memref_slice %arg11[%dma_wait3A_240, %dma_wait3A_241] : memref<10000x128xf32, #tpu.memory_space<vmem_shared>> -> memref<16x128xf32, #tpu.memory_space<vmem_shared>>
        tpu.wait_dma2 semaphore(%run_scoped3A_214 : memref<!tpu.dma_semaphore, #tpu.memory_space<semaphore_mem>>) src(%dma_wait3A_242 : memref<16x128xf32, #tpu.memory_space<vmem_shared>>) dst(%dma_wait3A_239 : memref<16x128xf32, #tpu.memory_space<vmem>>)
        tpu.yield
      }) : () -> ()
      %run_scoped3A_213 = arith.constant 0 : i32
      "tpu.region"() ({
        %run_scoped3A_214 = tpu.sem_alloc : memref<!tpu.dma_semaphore, #tpu.memory_space<semaphore_mem>>
        %dma_start3A_215 = arith.constant 0 : i32
        %dma_start3A_216 = arith.constant 0 : i32
        %dma_start3A_217 = tpu.memref_slice %arg9[%run_scoped3A_213, %dma_start3A_215, %dma_start3A_216] : memref<2x80x128xf32, #tpu.memory_space<vmem>> -> memref<1x16x128xf32, #tpu.memory_space<vmem>>
        %dma_start3A_218 = tpu.memref_squeeze %dma_start3A_217 : memref<1x16x128xf32, #tpu.memory_space<vmem>> -> memref<16x128xf32, #tpu.memory_space<vmem>>
        %dma_start3A_219 = arith.constant 9984 : i32
        %dma_start3A_220 = arith.constant 0 : i32
        %dma_start3A_221 = tpu.memref_slice %arg5[%arg0, %dma_start3A_219, %dma_start3A_220] : memref<2x10000x128xf32, #tpu.memory_space<hbm>> -> memref<1x16x128xf32, #tpu.memory_space<hbm>>
        %dma_start3A_222 = tpu.memref_squeeze %dma_start3A_221 : memref<1x16x128xf32, #tpu.memory_space<hbm>> -> memref<16x128xf32, #tpu.memory_space<hbm>>
        %dma_start3A_223 = arith.constant 9984 : i32
        %dma_start3A_224 = arith.constant 0 : i32
        %dma_start3A_225 = tpu.memref_slice %arg5[%arg0, %dma_start3A_223, %dma_start3A_224] : memref<2x10000x128xf32, #tpu.memory_space<hbm>> -> memref<1x16x128xf32, #tpu.memory_space<hbm>>
        %dma_start3A_226 = tpu.memref_squeeze %dma_start3A_225 : memref<1x16x128xf32, #tpu.memory_space<hbm>> -> memref<16x128xf32, #tpu.memory_space<hbm>>
        %dma_start3A_227 = arith.constant 0 : i32
        %dma_start3A_228 = arith.constant 0 : i32
        %dma_start3A_229 = tpu.memref_slice %arg9[%run_scoped3A_213, %dma_start3A_227, %dma_start3A_228] : memref<2x80x128xf32, #tpu.memory_space<vmem>> -> memref<1x16x128xf32, #tpu.memory_space<vmem>>
        %dma_start3A_230 = tpu.memref_squeeze %dma_start3A_229 : memref<1x16x128xf32, #tpu.memory_space<vmem>> -> memref<16x128xf32, #tpu.memory_space<vmem>>
        tpu.enqueue_dma source(%dma_start3A_230 : memref<16x128xf32, #tpu.memory_space<vmem>>) target(%dma_start3A_226 : memref<16x128xf32, #tpu.memory_space<hbm>>) target_semaphore(%run_scoped3A_214 : memref<!tpu.dma_semaphore, #tpu.memory_space<semaphore_mem>>)
        %dma_wait3A_231 = arith.constant 0 : i32
        %dma_wait3A_232 = arith.constant 0 : i32
        %dma_wait3A_233 = tpu.memref_slice %arg9[%run_scoped3A_213, %dma_wait3A_231, %dma_wait3A_232] : memref<2x80x128xf32, #tpu.memory_space<vmem>> -> memref<1x16x128xf32, #tpu.memory_space<vmem>>
        %dma_wait3A_234 = tpu.memref_squeeze %dma_wait3A_233 : memref<1x16x128xf32, #tpu.memory_space<vmem>> -> memref<16x128xf32, #tpu.memory_space<vmem>>
        %dma_wait3A_235 = arith.constant 9984 : i32
        %dma_wait3A_236 = arith.constant 0 : i32
        %dma_wait3A_237 = tpu.memref_slice %arg5[%arg0, %dma_wait3A_235, %dma_wait3A_236] : memref<2x10000x128xf32, #tpu.memory_space<hbm>> -> memref<1x16x128xf32, #tpu.memory_space<hbm>>
        %dma_wait3A_238 = tpu.memref_squeeze %dma_wait3A_237 : memref<1x16x128xf32, #tpu.memory_space<hbm>> -> memref<16x128xf32, #tpu.memory_space<hbm>>
        %dma_wait3A_239 = arith.constant 9984 : i32
        %dma_wait3A_240 = arith.constant 0 : i32
        %dma_wait3A_241 = tpu.memref_slice %arg5[%arg0, %dma_wait3A_239, %dma_wait3A_240] : memref<2x10000x128xf32, #tpu.memory_space<hbm>> -> memref<1x16x128xf32, #tpu.memory_space<hbm>>
        %dma_wait3A_242 = tpu.memref_squeeze %dma_wait3A_241 : memref<1x16x128xf32, #tpu.memory_space<hbm>> -> memref<16x128xf32, #tpu.memory_space<hbm>>
        %dma_wait3A_243 = arith.constant 0 : i32
        %dma_wait3A_244 = arith.constant 0 : i32
        %dma_wait3A_245 = tpu.memref_slice %arg9[%run_scoped3A_213, %dma_wait3A_243, %dma_wait3A_244] : memref<2x80x128xf32, #tpu.memory_space<vmem>> -> memref<1x16x128xf32, #tpu.memory_space<vmem>>
        %dma_wait3A_246 = tpu.memref_squeeze %dma_wait3A_245 : memref<1x16x128xf32, #tpu.memory_space<vmem>> -> memref<16x128xf32, #tpu.memory_space<vmem>>
        tpu.wait_dma2 semaphore(%run_scoped3A_214 : memref<!tpu.dma_semaphore, #tpu.memory_space<semaphore_mem>>) src(%dma_wait3A_246 : memref<16x128xf32, #tpu.memory_space<vmem>>) dst(%dma_wait3A_242 : memref<16x128xf32, #tpu.memory_space<hbm>>)
        tpu.yield
      }) : () -> ()
    } else {
    }
    return
  }
}

module attributes {stable_mosaic.version = 14 : i64} {
  func.func @_mm_body(%arg0: i32, %arg1: memref<2000x128xf32, #tpu.memory_space<vmem>>, %arg2: memref<2x128x128xf32, #tpu.memory_space<vmem>>, %arg3: memref<2000x128xf32, #tpu.memory_space<vmem>>) attributes {dimension_semantics = [#tpu.dimension_semantics<arbitrary>], iteration_bounds = array<i64: 5>, scalar_prefetch = 0 : i64, scratch_operands = 0 : i64, tpu.core_type = #tpu.core_type<tc>, window_params = [{transform_indices = @transform_0, window_bounds = array<i64: 2000, 128>}, {pipeline_mode = #tpu.pipeline_mode<synchronous>, transform_indices = @transform_1, window_bounds = array<i64: 2, 128, 128>}, {transform_indices = @transform_2, window_bounds = array<i64: 2000, 128>}]} {
    %get3A = arith.constant 0 : index
    %get3A_0 = arith.constant 0 : index
    %get3A_1 = arith.constant 0 : index
    %get3A_2 = vector.load %arg2[%get3A, %get3A_0, %get3A_1] : memref<2x128x128xf32, #tpu.memory_space<vmem>>, vector<1x128x128xf32>
    %get3A_3 = vector.shape_cast %get3A_2 : vector<1x128x128xf32> to vector<128x128xf32>
    %get3A_4 = arith.constant 1 : index
    %get3A_5 = arith.constant 0 : index
    %get3A_6 = arith.constant 0 : index
    %get3A_7 = vector.load %arg2[%get3A_4, %get3A_5, %get3A_6] : memref<2x128x128xf32, #tpu.memory_space<vmem>>, vector<1x128x128xf32>
    %get3A_8 = vector.shape_cast %get3A_7 : vector<1x128x128xf32> to vector<128x128xf32>
    %add3A = arith.addf %get3A_3, %get3A_8 : vector<128x128xf32>
    %get3A_9 = arith.constant 0 : index
    %get3A_10 = arith.constant 0 : index
    %get3A_11 = vector.load %arg1[%get3A_9, %get3A_10] : memref<2000x128xf32, #tpu.memory_space<vmem>>, vector<2000x128xf32>
    %dot_general3A = arith.constant dense<0.000000e+00> : vector<2000x128xf32>
    %dot_general3A_12 = tpu.matmul %get3A_11, %add3A, %dot_general3A {dimension_numbers = #tpu.dot_dimension_numbers<[1], [0], [0], [1], [0, 0, 1, 1], [], []>, transpose_lhs_hint = false} : vector<2000x128xf32>, vector<128x128xf32>, vector<2000x128xf32> -> vector<2000x128xf32>
    %swap3A = arith.constant 0 : index
    %swap3A_13 = arith.constant 0 : index
    %swap3A_14 = vector.load %arg3[%swap3A, %swap3A_13] : memref<2000x128xf32, #tpu.memory_space<vmem>>, vector<2000x128xf32>
    tpu.vector_store %arg3[%swap3A, %swap3A_13], %dot_general3A_12 {strides = array<i32>} : memref<2000x128xf32, #tpu.memory_space<vmem>>, vector<2000x128xf32>,
    return
  }
  func.func @transform_0(%arg0: i32) -> (i32, i32) {
    %c0_i32 = arith.constant 0 : i32
    %c0_i32_0 = arith.constant 0 : i32
    return %arg0, %c0_i32 : i32, i32
  }
  func.func @transform_1(%arg0: i32) -> (i32, i32, i32) {
    %c0_i32 = arith.constant 0 : i32
    %c0_i32_0 = arith.constant 0 : i32
    %c0_i32_1 = arith.constant 0 : i32
    %c0_i32_2 = arith.constant 0 : i32
    return %c0_i32, %c0_i32_0, %c0_i32_1 : i32, i32, i32
  }
  func.func @transform_2(%arg0: i32) -> (i32, i32) {
    %c0_i32 = arith.constant 0 : i32
    %c0_i32_0 = arith.constant 0 : i32
    return %arg0, %c0_i32 : i32, i32
  }
}

module attributes {stable_mosaic.version = 14 : i64} {
  func.func @_combine_body(%arg0: i32, %arg1: memref<2x2000x128xf32, #tpu.memory_space<vmem>>, %arg2: memref<1x128xf32, #tpu.memory_space<vmem>>, %arg3: memref<2000x128xf32, #tpu.memory_space<vmem>>) attributes {dimension_semantics = [#tpu.dimension_semantics<arbitrary>], iteration_bounds = array<i64: 5>, scalar_prefetch = 0 : i64, scratch_operands = 0 : i64, tpu.core_type = #tpu.core_type<tc>, window_params = [{transform_indices = @transform_0, window_bounds = array<i64: 2, 2000, 128>}, {pipeline_mode = #tpu.pipeline_mode<synchronous>, transform_indices = @transform_1, window_bounds = array<i64: 1, 128>}, {transform_indices = @transform_2, window_bounds = array<i64: 2000, 128>}]} {
    %get3A = arith.constant 0 : index
    %get3A_0 = arith.constant 0 : index
    %get3A_1 = arith.constant 0 : index
    %get3A_2 = vector.load %arg1[%get3A, %get3A_0, %get3A_1] : memref<2x2000x128xf32, #tpu.memory_space<vmem>>, vector<1x2000x128xf32>
    %get3A_3 = vector.shape_cast %get3A_2 : vector<1x2000x128xf32> to vector<2000x128xf32>
    %get3A_4 = arith.constant 1 : index
    %get3A_5 = arith.constant 0 : index
    %get3A_6 = arith.constant 0 : index
    %get3A_7 = vector.load %arg1[%get3A_4, %get3A_5, %get3A_6] : memref<2x2000x128xf32, #tpu.memory_space<vmem>>, vector<1x2000x128xf32>
    %get3A_8 = vector.shape_cast %get3A_7 : vector<1x2000x128xf32> to vector<2000x128xf32>
    %add3A = arith.addf %get3A_3, %get3A_8 : vector<2000x128xf32>
    %get3A_9 = arith.constant 0 : index
    %get3A_10 = arith.constant 0 : index
    %get3A_11 = vector.load %arg2[%get3A_9, %get3A_10] : memref<1x128xf32, #tpu.memory_space<vmem>>, vector<1x128xf32>
    %add3A_12 = vector.broadcast %get3A_11 : vector<1x128xf32> to vector<2000x128xf32>
    %add3A_13 = arith.addf %add3A, %add3A_12 : vector<2000x128xf32>
    %swap3A = arith.constant 0 : index
    %swap3A_14 = arith.constant 0 : index
    %swap3A_15 = vector.load %arg3[%swap3A, %swap3A_14] : memref<2000x128xf32, #tpu.memory_space<vmem>>, vector<2000x128xf32>
    tpu.vector_store %arg3[%swap3A, %swap3A_14], %add3A_13 {strides = array<i32>} : memref<2000x128xf32, #tpu.memory_space<vmem>>, vector<2000x128xf32>,
    return
  }
  func.func @transform_0(%arg0: i32) -> (i32, i32, i32) {
    %c0_i32 = arith.constant 0 : i32
    %c0_i32_0 = arith.constant 0 : i32
    %c0_i32_1 = arith.constant 0 : i32
    return %c0_i32, %arg0, %c0_i32_0 : i32, i32, i32
  }
  func.func @transform_1(%arg0: i32) -> (i32, i32) {
    %c0_i32 = arith.constant 0 : i32
    %c0_i32_0 = arith.constant 0 : i32
    %c0_i32_1 = arith.constant 0 : i32
    return %c0_i32, %c0_i32_0 : i32, i32
  }
  func.func @transform_2(%arg0: i32) -> (i32, i32) {
    %c0_i32 = arith.constant 0 : i32
    %c0_i32_0 = arith.constant 0 : i32
    return %arg0, %c0_i32 : i32, i32
  }
}

</mosaic_0001>

<sc_bundles>
// kernel: kernel.5.cloned.1.call-start
scs
__scs_entry_jumppad:
0x0: {  	(pc) =	sbr.rel $0x88, $3  }
0x1: {  	(tag) =	ssettag $0x0;
	lr =	simm.s32 $0x1  }
0x2: {  	[smem:$0x3F9C] =	sst lr;
	_ =	strace $0xD0000000  }
0x3: {  	_ = 	snop  }
0x4: {  	_ = 	snop  }
0x5: {  	_ = 	snop  }
0x6: {  	_ = 	snop  }
0x7: {  	_ = 	snop  }
__scs_overlays_trampoline_lowered:
0x8: {  	[smem:$0x3FAB] =	sst s0  }
0x9: {  	[smem:$0x3FAC] =	sst s1  }
0xa: {  	[smem:$0x3FAD] =	sst s2  }
0xb: {  	[smem:$0x3FAE] =	sst s3  }
0xc: {  	[smem:$0x3FAF] =	sst s4  }
0xd: {  	[smem:$0x3FB0] =	sst s5  }
0xe: {  	[smem:$0x3FB1] =	sst s6  }
0xf: {  	[smem:$0x3FB2] =	sst s7  }
0x10: {  	[smem:$0x3FB3] =	sst s8  }
0x11: {  	[smem:$0x3FB4] =	sst s9;
	s0 =	simm.s32 @!p0 $0x0  }
0x12: {  	s1 =	sld [smem:$0x3F9A];
	s0 =	simm.s32 @p0 $0x1  }
0x13: {  	[smem:$0x3FB5] =	sst s0;
	s0 =	simm.s32 @!p1 $0x0  }
0x14: {  	s2 =	sld [smem:$0x3F99];
	s0 =	simm.s32 @p1 $0x1  }
0x15: {  	[smem:$0x3FB6] =	sst s0;
	s0 =	simm.s32 @!p2 $0x0  }
0x16: {  	s3 =	sld [smem:$0x3FDB];
	s0 =	simm.s32 @p2 $0x1  }
0x17: {  	s4 =	simm.s32 $0x1BF5;
	[smem:$0x3FB8] =	sst s0  }
0x18: {  	s0 =	sld [smem:$0x3F9B];
	_ =	swait.ge [sflag:s4], $0x0  }
0x19: {  	s7 =	sld [smem:$0x3F9C]  }
0x1a: {  	s8 =	sadd.s32 $0xFFFFE003, lr  }
0x1b: {  	s9 =	sadd.s32 $0xFFFFFEF7, lr;
	s5 =	simm.s32 $0xFFFFFFFF;
	p2 =	slt.u32 s8, $0xFFFFF086  }
0x1c: {  	p1 =	slt.u32 s9, $0xF7A;
	s5 =	simm.s32 @!p2 $0x0  }
0x1d: {  	s5 =	simm.s32 @p1 $0x1;
	p0 =	seq.s32 s7, s2  }
0x1e: {  	s7 =	smul.u32 @!p0 $0xF7A, s2;
	p2 =	seq.s32 @!p0 s5, $0x0  }
0x1f: {  	s9 =	smul.u32 $0xF7A, s1;
	s8 =	simm.s32 @!p0 $0x1BF5;
	p2 =	por !p2, p0  }
0x20: {  	[sflag:s8] =	ssyncset.s32 @!p0 $0xFFFFF086;
	s6 =	sadd.s32 @!p0 s3, s7;
	s7 =	simm.s32 @!p0 $0x108  }
0x21: {  	s3 =	sadd.s32 s3, s9;
	s6 =	sadd.s32 @!p0 $0x88, s6;
	s7 =	simm.s32 @p2 $0x1082  }
0x22: {  	[simem:s7], [sflag:s8] =	dma.local @!p0 [hbm:s6], $0xF7A  }
0x23: {  	s9 =	sor.u32 $0xD0000000, s2;
	s6 =	simm.s32 $0x108;
	_ =	swait.ge @!p0 [sflag:s8], $0x0  }
0x24: {  	s3 =	sadd.s32 $0x88, s3;
	s6 =	simm.s32 @!p1 $0x1082;
	[sflag:s4] =	ssyncset.s32 $0xFFFFF086  }
0x25: {  	[simem:s6], [sflag:s4] =	dma.local [hbm:s3], $0xF7A  }
0x26: {  	[smem:$0x3F9C] =	sst s1;
	(tag) =	ssettag s2;
	_ =	strace s9  }
0x27: {  	s1 =	sld [smem:$0x3FAC]  }
0x28: {  	s2 =	sld [smem:$0x3FAD]  }
0x29: {  	s4 =	sld [smem:$0x3FAF]  }
0x2a: {  	p0 =	seq.s32 s5, $0x0;
	s5 =	sld [smem:$0x3FB0]  }
0x2b: {  	s6 =	sld [smem:$0x3FB1]  }
0x2c: {  	s7 =	sld [smem:$0x3FB2]  }
0x2d: {  	s3 =	simm.s32 $0x108;
	s8 =	sld [smem:$0x3FB3]  }
0x2e: {  	s3 =	simm.s32 @!p0 $0x1082;
	s9 =	sld [smem:$0x3FB4]  }
0x2f: {  	lr =	sadd.s32 s0, s3;
	s0 =	sld [smem:$0x3FAB]  }
0x30: {  	s3 =	sld [smem:$0x3FAE]  }
0x31: {  	[smem:$0x3FB7] =	sst s10  }
0x32: {  	s10 =	sld [smem:$0x3FB5];
	_ =	sdelay $0x3  }
0x33: {  	p0 =	seq.s32 s10, $0x1;
	s10 =	sld [smem:$0x3FB7];
	_ =	sdelay $0x3  }
0x34: {  	[smem:$0x3FB7] =	sst s10  }
0x35: {  	s10 =	sld [smem:$0x3FB6];
	_ =	sdelay $0x3  }
0x36: {  	p1 =	seq.s32 s10, $0x1;
	s10 =	sld [smem:$0x3FB7];
	_ =	sdelay $0x3  }
0x37: {  	[smem:$0x3FB7] =	sst s10  }
0x38: {  	s10 =	sld [smem:$0x3FB8]  }
0x39: {  	_ = 	snop;
	(pc) =	sbr.ind lr, $3  }
0x3a: {  	_ = 	snop  }
0x3b: {  	_ = 	snop  }
0x3c: {  	p2 =	seq.s32 s10, $0x1;
	s10 =	sld [smem:$0x3FB7]  }
0x3d: {  	_ =	shalt  }
0x3e: {  	_ =	shalt  }
0x3f: {  	_ =	shalt  }
0x40: {  	_ =	shalt  }
0x41: {  	_ =	shalt  }
0x42: {  	_ =	shalt  }
0x43: {  	_ =	shalt  }
0x44: {  	_ =	shalt  }
0x45: {  	_ =	shalt  }
0x46: {  	_ =	shalt  }
0x47: {  	_ =	shalt  }
0x48: {  	_ =	shalt  }
0x49: {  	_ =	shalt  }
0x4a: {  	_ =	shalt  }
0x4b: {  	_ =	shalt  }
0x4c: {  	_ =	shalt  }
0x4d: {  	_ =	shalt  }
0x4e: {  	_ =	shalt  }
0x4f: {  	_ =	shalt  }
0x50: {  	_ =	shalt  }
0x51: {  	_ =	shalt  }
0x52: {  	_ =	shalt  }
0x53: {  	_ =	shalt  }
0x54: {  	_ =	shalt  }
0x55: {  	_ =	shalt  }
0x56: {  	_ =	shalt  }
0x57: {  	_ =	shalt  }
0x58: {  	_ =	shalt  }
0x59: {  	_ =	shalt  }
0x5a: {  	_ =	shalt  }
0x5b: {  	_ =	shalt  }
0x5c: {  	_ =	shalt  }
0x5d: {  	_ =	shalt  }
0x5e: {  	_ =	shalt  }
0x5f: {  	_ =	shalt  }
0x60: {  	_ =	shalt  }
0x61: {  	_ =	shalt  }
0x62: {  	_ =	shalt  }
0x63: {  	_ =	shalt  }
0x64: {  	_ =	shalt  }
0x65: {  	_ =	shalt  }
0x66: {  	_ =	shalt  }
0x67: {  	_ =	shalt  }
0x68: {  	_ =	shalt  }
0x69: {  	_ =	shalt  }
0x6a: {  	_ =	shalt  }
0x6b: {  	_ =	shalt  }
0x6c: {  	_ =	shalt  }
0x6d: {  	_ =	shalt  }
0x6e: {  	_ =	shalt  }
0x6f: {  	_ =	shalt  }
0x70: {  	_ =	shalt  }
0x71: {  	_ =	shalt  }
0x72: {  	_ =	shalt  }
0x73: {  	_ =	shalt  }
0x74: {  	_ =	shalt  }
0x75: {  	_ =	shalt  }
0x76: {  	_ =	shalt  }
0x77: {  	_ =	shalt  }
0x78: {  	_ =	shalt  }
0x79: {  	_ =	shalt  }
0x7a: {  	_ =	shalt  }
0x7b: {  	_ =	shalt  }
0x7c: {  	_ =	shalt  }
0x7d: {  	_ =	shalt  }
0x7e: {  	_ =	shalt  }
0x7f: {  	_ =	shalt  }
0x80: {  	_ =	shalt  }
0x81: {  	_ =	shalt  }
0x82: {  	_ =	shalt  }
0x83: {  	_ =	shalt  }
0x84: {  	_ =	shalt  }
0x85: {  	_ =	shalt  }
0x86: {  	_ =	shalt  }
0x87: {  	_ =	shalt  }
.Lfunc_end0:
.L_simem_size_0:
called_computation_lowered:
.L_overlay_start_0:
0x88: {  	s2 =	sld [smem:$0x3FD9]  }
0x89: {  	s3 =	sld [smem:$0x3FFE];
	_ =	sdelay $0x1  }
0x8a: {  	s1 =	srdreg.scid  }
0x8b: {  	s0 =	sand.u32 $0x1, s1  }
0x8c: {  	s17 =	sshll.u32 s0, $0xA;
	s2 =	sadd.s32 s3, s2  }
0x8d: {  	s2 =	sadd.s32 s2, s17  }
0x8e: {  	[smem:$0x3FC3] =	sst s2  }
0x8f: {  	_ = 	snop  }
0x90: {  	s2 =	sld [smem:$0x3FC7]  }
0x91: {  	s18 =	sld [smem:$0x3FD0];
	(tm) =	ssettm $0x1  }
0x92: {  	s4 =	sld [smem:$0x3FFB];
	_ =	sdelay $0x3  }
0x93: {  	_ =	strace s4  }
0x94: {  	s4 =	sld [smem:$0x3FFC];
	_ =	sdelay $0x3  }
0x95: {  	_ =	strace s4  }
0x96: {  	s4 =	sld [smem:$0x3FFD];
	_ =	sdelay $0x3  }
0x97: {  	_ =	strace s4  }
0x98: {  	_ =	strace $0x8FFFFFFF  }
0x99: {  	s19 =	sld [smem:$0x3FDB];
	_ =	sdelay $0x1  }
0x9a: {  	s5 =	simm.s32 $_scs_section_size  }
0x9b: {  	s6 =	simm.s32 $_size__tile_overlayer_lowered;
	s7 =	simm.s32 $_tile_overlayer_lowered  }
0x9c: {  	s22 =	simm.s32 $0x1BFF;
	s21 =	sshll.u32 s7, $0x1;
	s4 =	sadd.s32 s5, s19  }
0x9d: {  	s8 =	simm.s32 $0x0;
	s20 =	sshll.u32 s6, $0x1;
	s6 =	sadd.s32 s21, s4  }
0x9e: {  	[timem:s8], [sflag:s22] =	dma.local [hbm:s6], s20  }
0x9f: {  	_ =	swait.ge [sflag:s22], s20  }
0xa0: {  	s5 =	ssub.s32 $0x0, s20;
	[sflag:s22] =	ssyncset.done $0x0  }
0xa1: {  	[sflag:s22] =	ssyncadd.s32 s5;
	_ =	sdelay $0x1  }
0xa2: {  	s23 =	simm.s32 $0x1B8B  }
0xa3: {  	_ =	swait.ge [sflag:s23], $0x1  }
0xa4: {  	[sflag:s23] =	ssyncset.done $0x0  }
0xa5: {  	s25 =	simm.s32 $0x1B8E;
	s24 =	sld [smem:$0x3FFE];
	[sflag:s23] =	ssyncadd.s32 $0xFFFFFFFF  }
0xa6: {  	s26 =	simm.s32 $execute0_lowered;
	[smem:$0x3FD2] =	sst s25  }
0xa7: {  	s6 =	sshll.u32 s26, $0x1;
	_ =	strace $0x80000046;
	[dreg:$0x1] =	wrdreg $0xFFFFFFFF  }
0xa8: {  	s28 =	simm.s32 $_size_execute0_lowered;
	s4 =	sadd.s32 s4, s6;
	[dreg:$0x0] =	wrdreg $0x0  }
0xa9: {  	s6 =	sshll.u32 s28, $0x1;
	[dreg:$0x2] =	wrdreg s4  }
0xaa: {  	[dreg:$0x3] =	wrdreg s6  }
0xab: {  	[dreg:$0x4] =	wrdreg $0xC0  }
0xac: {  	_ =	task [dreg:s8], $0x5FFFF  }
0xad: {  	[dreg:$0x1] =	wrdreg $0xFFFFFFFF  }
0xae: {  	[dreg:$0x0] =	wrdreg $0x60  }
0xaf: {  	[dreg:$0x2] =	wrdreg s18  }
0xb0: {  	[dreg:$0x3] =	wrdreg s24  }
0xb1: {  	[dreg:$0x4] =	wrdreg s2  }
0xb2: {  	[dreg:$0x5] =	wrdreg $0xAE000  }
0xb3: {  	[dreg:$0x6] =	wrdreg $0x9  }
0xb4: {  	_ =	task.clear_ibuf [dreg:s8], $0x7FFFF;
	_ =	strace $0x90000046  }
0xb5: {  	s29 =	simm.s32 $0x9;
	_ =	strace $0x80000048  }
0xb6: {  	_ =	swait.ge [sflag:s29], $0x1  }
0xb7: {  	[sflag:s29] =	ssyncadd.s32 $0xFFFFFFFF  }
0xb8: {  	_ =	strace $0x90000048  }
0xb9: {  	_ =	sfence  }
0xba: {  	s30 =	sld [smem:$0x0];
	_ =	sdelay $0x2  }
0xbb: {  	s31 =	sshll.u32 s1, $0xD;
	s1 =	sshrl.u32 s1, $0x2  }
0xbc: {  	s3 =	sand.u32 $0x4000, s31;
	s1 =	sadd.s32 s1, s30  }
0xbd: {  	s0 =	sor.u32 s3, s0;
	s1 =	sshll.u32 s1, $0x11  }
0xbe: {  	s0 =	sor.u32 s1, s0  }
0xbf: {  	s0 =	sadd.s32 $0x8F2B, s0  }
0xc0: {  	[sflag:s0] =	ssyncadd.remote.s32 $0x1  }
0xc1: {  	_ =	sfence.sel $0xFFFF  }
0xc2: {  	[dreg:$0x0] =	wrdreg $0xFFFFFFFF;
	(pc) =	sbr.abs _section_cstart, $3  }
0xc3: {  	[dreg:$0x1] =	wrdreg $0xFFFFFFFF  }
0xc4: {  	_ =	task.clear_ibuf [dreg:s8], $0x2FFFF;
	_ =	strace $0x9FFFFFFF  }
0xc5: {  	(tm) =	ssettm $0x7FFFFFFF  }
tec
execute0_lowered:
.L_overlay_start_1:
0x0: {  	(tag) =	ssettag $0x1  }
0x1: {  	s1 =	rddreg [dreg:$0x0]  }
0x2: {  	s3 =	rddreg [dreg:$0x1]  }
0x3: {  	s2 =	rddreg [dreg:$0x2]  }
0x4: {  	s4 =	rddreg [dreg:$0x3]  }
0x5: {  	s0 =	srdreg.scid;
	s5 =	simm.s32 $0x0;
	s19 =	stileid.u32  }
0x6: {  	s6 =	sand.u32 $0x1, s0;
	[smem:$0x7FF] =	sst s5;
	s7 =	smul.u32 $0x13800, s19  }
0x7: {  	s8 =	sadd.s32 $0x14800, s3;
	s23 =	smul.u32 $0x4E000, s19;
	s0 =	ssub.s32 $0x2, s6  }
0x8: {  	s10 =	smul.u32 $0x138800, s6;
	s9 =	sshrl.u32 s0, $0x1;
	s11 =	sadd.s32 $0x5000, s7  }
0x9: {  	s12 =	sadd.s32 $0x7800, s7;
	s13 =	sadd.s32 $0xA000, s7;
	s16 =	sadd.s32 $0xC800, s7  }
0xa: {  	s17 =	sadd.s32 $0xF000, s7;
	s0 =	ssub.s32 s0, s9;
	s9 =	sadd.s32 $0x2800, s7  }
0xb: {  	s14 =	sadd.s32 s7, s10;
	s7 =	sadd.s32 $0x11800, s7;
	s15 =	sadd.s32 s10, s11  }
0xc: {  	s18 =	sadd.s32 s10, s12;
	s29 =	sadd.s32 s10, s13;
	s30 =	sadd.s32 s10, s16  }
0xd: {  	s31 =	sadd.s32 s10, s17;
	s14 =	sshrl.u32 s14, $0x3;
	s24 =	sadd.s32 s10, s9  }
0xe: {  	s25 =	sshrl.u32 s15, $0x3;
	s26 =	sshrl.u32 s18, $0x3;
	s14 =	sadd.s32 s8, s14  }
0xf: {  	s15 =	sshrl.u32 s30, $0x3;
	[dreg:$0x5] =	wrdreg s14;
	s14 =	sshrl.u32 s24, $0x3  }
0x10: {  	s20 =	sshrl.u32 s31, $0x3;
	s22 =	sadd.s32 s10, s7;
	s14 =	sadd.s32 s8, s14  }
0x11: {  	s28 =	sadd.s32 s8, s26;
	[dreg:$0x6] =	wrdreg s14;
	s14 =	sadd.s32 s8, s25  }
0x12: {  	s21 =	sadd.s32 s8, s20;
	[dreg:$0x7] =	wrdreg s14;
	s14 =	sshrl.u32 s29, $0x3  }
0x13: {  	[dreg:$0x8] =	wrdreg s28;
	s24 =	sshll.u32 s6, $0x4;
	s14 =	sadd.s32 s8, s14  }
0x14: {  	[dreg:$0x9] =	wrdreg s14;
	s14 =	sadd.s32 s8, s15;
	s15 =	sor.u32 s19, s24  }
0x15: {  	[dreg:$0xa] =	wrdreg s14;
	s14 =	sshrl.u32 s22, $0x3;
	s26 =	smul.u32 $0x500, s15  }
0x16: {  	s10 =	sshrl.u32 s10, $0x3;
	[dreg:$0xb] =	wrdreg s21;
	s14 =	sadd.s32 s8, s14  }
0x17: {  	s8 =	sadd.s32 s8, s10;
	[dreg:$0xc] =	wrdreg s14;
	s6 =	sadd.s32 s2, s26  }
0x18: {  	s28 =	sadd.s32 $0x27000, s8;
	_ =	strace $0x80000047;
	[dreg:$0x16] =	wrdreg s6  }
0x19: {  	s0 =	smax.u32 s0, $0x1;
	s25 =	sshrl.u32 s23, $0x2;
	[dreg:$0x17] =	wrdreg s28  }
0x1a: {  	s18 =	sadd.s32 s25, s4;
	[dreg:$0x18] =	wrdreg s0  }
0x1b: {  	s20 =	sadd.s32 s9, s4;
	[dreg:$0xd] =	wrdreg s18  }
0x1c: {  	v0 =	vimm.s32 $0xEFCDAB89;
	v1 =	vimm.s32 $0x67452301;
	s21 =	sadd.s32 s11, s4;
	[dreg:$0xe] =	wrdreg s20  }
0x1d: {  	v2 =	vimm.s32 $0xDCFE98BA;
	v3 =	vimm.s32 $0x54761032;
	v4 =	vimm.s32 $0xBA98FEDC;
	s22 =	sadd.s32 s12, s4;
	[dreg:$0xf] =	wrdreg s21  }
0x1e: {  	v5 =	vimm.s32 $0x32107654;
	v6 =	vimm.s32 $0xFEDCBA98;
	p0 =	sne.s32 s19, $0xF;
	s23 =	sadd.s32 s13, s4;
	[dreg:$0x10] =	wrdreg s22  }
0x1f: {  	v7 =	vimm.s32 $0x76543210;
	v0 =	vunpack.c.l.s4.s8 v0;
	v1 =	vunpack.c.l.s4.s8 v1;
	s16 =	sadd.s32 s16, s4;
	s17 =	sadd.s32 s17, s4;
	[dreg:$0x11] =	wrdreg s23  }
0x20: {  	v2 =	vunpack.c.l.s4.s8 v2;
	v3 =	vunpack.c.l.s4.s8 v3;
	v4 =	vunpack.c.l.s4.s8 v4;
	s14 =	sadd.s32 $0xE00, s3;
	s3 =	smul.u32 $0x50, s15;
	[dreg:$0x12] =	wrdreg s16  }
0x21: {  	v5 =	vunpack.c.l.s4.s8 v5;
	v6 =	vunpack.c.l.s4.s8 v6;
	v7 =	vunpack.c.l.s4.s8 v7;
	s9 =	simm.s32 $0x3;
	s24 =	sadd.s32 s7, s4;
	[dreg:$0x13] =	wrdreg s17  }
0x22: {  	v0 =	vunpack.c.0.s8.s32 v0;
	v1 =	vunpack.c.0.s8.s32 v1;
	v2 =	vunpack.c.0.s8.s32 v2;
	s19 =	sadd.s32 $0x138000, s4;
	[dreg:$0x14] =	wrdreg s24;
	s3 =	sshrl.u32 s3, $0x3  }
.Ltmp0:
0x23: {  	v3 =	vunpack.c.0.s8.s32 v3;
	v4 =	vunpack.c.0.s8.s32 v4;
	v5 =	vunpack.c.0.s8.s32 v5;
	[dreg:$0x19] =	wrdreg s19;
	s3 =	sadd.s32 s14, s3;
	(pc) =	sbr.rel .LBB2_1-.Ltmp0, $4  }
0x24: {  	v6 =	vunpack.c.0.s8.s32 v6;
	v1 =	vcombine.low v1, v0;
	s12 =	simm.s32 $0x0;
	s29 =	sadd.s32 $0x9C40, s3;
	[dreg:$0x15] =	wrdreg s3  }
0x25: {  	v2 =	vcombine.low v3, v2;
	v3 =	vcombine.low v5, v4;
	v4 =	vunpack.c.0.s8.s32 v7;
	s10 =	simm.s32 $0x2;
	s30 =	sadd.s32 $0x140, s3;
	[dreg:$0x1a] =	wrdreg s29  }
0x26: {  	v0 =	vimm.f32 $0.0e+00;
	v5 =	vand.u32 $0xF, v6;
	v1 =	vand.u32 $0xF, v1;
	s8 =	simm.s32 $0x50;
	s31 =	sadd.s32 $0x9D80, s3;
	[dreg:$0x1b] =	wrdreg s30  }
0x27: {  	v2 =	vand.u32 $0xF, v2;
	v3 =	vand.u32 $0xF, v3;
	v4 =	vcombine.low v5, v4;
	s6 =	simm.s32 $0x5;
	s3 =	simm.s32 $0x5400;
	[dreg:$0x1c] =	wrdreg s31  }
.LBB2_13:
0x28: {  	s0 =	simm.s32 $0x4  }
0x29: {  	_ =	swait.ge [sflag:s0], $0x2800  }
0x2a: {  	[sflag:s0] =	ssyncset.done $0x0  }
0x2b: {  	[sflag:s0] =	ssyncadd.s32 $0xFFFFD800  }
0x2c: {  	_ =	swait.ge [sflag:s0], $0x2800  }
0x2d: {  	[sflag:s0] =	ssyncset.done $0x0  }
0x2e: {  	[sflag:s0] =	ssyncadd.s32 $0xFFFFD800  }
0x2f: {  	[bflag:$0x0] =	sbarrier.arrive $0xFFFF  }
0x30: {  	s18 =	rddreg [dreg:$0xd]  }
0x31: {  	[tilespmem:s3], [sflag:$0x5] =	stream.linear.gather [spmem:s18], $0x2800, $0x38;
	[tilespmem:$0x1E680] =	vst v63  }
0x32: {  	_ =	swait.ge [sflag:s6], $0x2800  }
0x33: {  	[sflag:s6] =	ssyncset.done $0x0  }
0x34: {  	s22 =	rddreg [dreg:$0x5];
	[sflag:s6] =	ssyncadd.s32 $0xFFFFD800  }
0x35: {  	[hbm4b:s22+s5] =	stream.linear.scatter [tilespmem:s3], [sflag:$0x5], $0x2800, $0x38;
	[tilespmem:$0x1E680] =	vst v63  }
0x36: {  	_ =	swait.ge [sflag:s6], $0x2800  }
0x37: {  	[sflag:s6] =	ssyncset.done $0x0  }
0x38: {  	s20 =	rddreg [dreg:$0xe];
	[sflag:s6] =	ssyncadd.s32 $0xFFFFD800  }
0x39: {  	[tilespmem:s3], [sflag:$0x5] =	stream.linear.gather [spmem:s20], $0x2800, $0x38;
	[tilespmem:$0x1E680] =	vst v63  }
0x3a: {  	_ =	swait.ge [sflag:s6], $0x2800  }
0x3b: {  	[sflag:s6] =	ssyncset.done $0x0  }
0x3c: {  	s23 =	rddreg [dreg:$0x6];
	[sflag:s6] =	ssyncadd.s32 $0xFFFFD800  }
0x3d: {  	[hbm4b:s23+s5] =	stream.linear.scatter [tilespmem:s3], [sflag:$0x5], $0x2800, $0x38;
	[tilespmem:$0x1E680] =	vst v63  }
0x3e: {  	_ =	swait.ge [sflag:s6], $0x2800  }
0x3f: {  	[sflag:s6] =	ssyncset.done $0x0  }
0x40: {  	s21 =	rddreg [dreg:$0xf];
	[sflag:s6] =	ssyncadd.s32 $0xFFFFD800  }
0x41: {  	[tilespmem:s3], [sflag:$0x5] =	stream.linear.gather [spmem:s21], $0x2800, $0x38;
	[tilespmem:$0x1E680] =	vst v63  }
0x42: {  	_ =	swait.ge [sflag:s6], $0x2800  }
0x43: {  	[sflag:s6] =	ssyncset.done $0x0  }
0x44: {  	s24 =	rddreg [dreg:$0x7];
	[sflag:s6] =	ssyncadd.s32 $0xFFFFD800  }
0x45: {  	[hbm4b:s24+s5] =	stream.linear.scatter [tilespmem:s3], [sflag:$0x5], $0x2800, $0x38;
	[tilespmem:$0x1E680] =	vst v63  }
0x46: {  	_ =	swait.ge [sflag:s6], $0x2800  }
0x47: {  	[sflag:s6] =	ssyncset.done $0x0  }
0x48: {  	s22 =	rddreg [dreg:$0x10];
	[sflag:s6] =	ssyncadd.s32 $0xFFFFD800  }
0x49: {  	[tilespmem:s3], [sflag:$0x5] =	stream.linear.gather [spmem:s22], $0x2800, $0x38;
	[tilespmem:$0x1E680] =	vst v63  }
0x4a: {  	_ =	swait.ge [sflag:s6], $0x2800  }
0x4b: {  	[sflag:s6] =	ssyncset.done $0x0  }
0x4c: {  	s25 =	rddreg [dreg:$0x8];
	[sflag:s6] =	ssyncadd.s32 $0xFFFFD800  }
0x4d: {  	[hbm4b:s25+s5] =	stream.linear.scatter [tilespmem:s3], [sflag:$0x5], $0x2800, $0x38;
	[tilespmem:$0x1E680] =	vst v63  }
0x4e: {  	_ =	swait.ge [sflag:s6], $0x2800  }
0x4f: {  	[sflag:s6] =	ssyncset.done $0x0  }
0x50: {  	s23 =	rddreg [dreg:$0x11];
	[sflag:s6] =	ssyncadd.s32 $0xFFFFD800  }
0x51: {  	[tilespmem:s3], [sflag:$0x5] =	stream.linear.gather [spmem:s23], $0x2800, $0x38;
	[tilespmem:$0x1E680] =	vst v63  }
0x52: {  	_ =	swait.ge [sflag:s6], $0x2800  }
0x53: {  	[sflag:s6] =	ssyncset.done $0x0  }
0x54: {  	s26 =	rddreg [dreg:$0x9];
	[sflag:s6] =	ssyncadd.s32 $0xFFFFD800  }
0x55: {  	[hbm4b:s26+s5] =	stream.linear.scatter [tilespmem:s3], [sflag:$0x5], $0x2800, $0x38;
	[tilespmem:$0x1E680] =	vst v63  }
0x56: {  	_ =	swait.ge [sflag:s6], $0x2800  }
0x57: {  	[sflag:s6] =	ssyncset.done $0x0  }
0x58: {  	s16 =	rddreg [dreg:$0x12];
	[sflag:s6] =	ssyncadd.s32 $0xFFFFD800  }
0x59: {  	[tilespmem:s3], [sflag:$0x5] =	stream.linear.gather [spmem:s16], $0x2800, $0x38;
	[tilespmem:$0x1E680] =	vst v63  }
0x5a: {  	_ =	swait.ge [sflag:s6], $0x2800  }
0x5b: {  	[sflag:s6] =	ssyncset.done $0x0  }
0x5c: {  	s28 =	rddreg [dreg:$0xa];
	[sflag:s6] =	ssyncadd.s32 $0xFFFFD800  }
0x5d: {  	[hbm4b:s28+s5] =	stream.linear.scatter [tilespmem:s3], [sflag:$0x5], $0x2800, $0x38;
	[tilespmem:$0x1E680] =	vst v63  }
0x5e: {  	_ =	swait.ge [sflag:s6], $0x2800  }
0x5f: {  	[sflag:s6] =	ssyncset.done $0x0  }
0x60: {  	s17 =	rddreg [dreg:$0x13];
	[sflag:s6] =	ssyncadd.s32 $0xFFFFD800  }
0x61: {  	[tilespmem:s3], [sflag:$0x5] =	stream.linear.gather [spmem:s17], $0x2800, $0x38;
	[tilespmem:$0x1E680] =	vst v63  }
0x62: {  	_ =	swait.ge [sflag:s6], $0x2800  }
0x63: {  	[sflag:s6] =	ssyncset.done $0x0  }
0x64: {  	s29 =	rddreg [dreg:$0xb];
	[sflag:s6] =	ssyncadd.s32 $0xFFFFD800  }
0x65: {  	[hbm4b:s29+s5] =	stream.linear.scatter [tilespmem:s3], [sflag:$0x5], $0x2800, $0x38;
	[tilespmem:$0x1E680] =	vst v63  }
0x66: {  	_ =	swait.ge [sflag:s6], $0x2800  }
0x67: {  	[sflag:s6] =	ssyncset.done $0x0  }
0x68: {  	s24 =	rddreg [dreg:$0x14];
	[sflag:s6] =	ssyncadd.s32 $0xFFFFD800  }
0x69: {  	[tilespmem:s3], [sflag:$0x5] =	stream.linear.gather [spmem:s24], $0x2000, $0x38;
	[tilespmem:$0x1E680] =	vst v63  }
0x6a: {  	_ =	swait.ge [sflag:s6], $0x2000  }
0x6b: {  	[sflag:s6] =	ssyncset.done $0x0  }
0x6c: {  	s30 =	rddreg [dreg:$0xc];
	[sflag:s6] =	ssyncadd.s32 $0xFFFFE000  }
0x6d: {  	[hbm4b:s30+s5] =	stream.linear.scatter [tilespmem:s3], [sflag:$0x5], $0x2000, $0x38;
	[tilespmem:$0x1E680] =	vst v63  }
0x6e: {  	_ =	swait.ge [sflag:s6], $0x2000  }
0x6f: {  	s7 =	simm.s32 @!p0 $0x5;
	[sflag:s6] =	ssyncset.done $0x0  }
0x70: {  	s0 =	simm.s32 @!p0 $0x5400;
	s19 =	rddreg [dreg:$0x19];
	[sflag:s6] =	ssyncadd.s32 $0xFFFFE000  }
0x71: {  	[tilespmem:s0], [sflag:$0x5] =	stream.linear.gather @!p0 [spmem:s19], $0x800, $0x38;
	[tilespmem:$0x1E680] =	vst v63  }
0x72: {  	_ =	swait.ge @!p0 [sflag:s7], $0x800  }
0x73: {  	[sflag:s7] =	ssyncset.done @!p0 $0x0  }
0x74: {  	s11 =	simm.s32 @!p0 $0x0;
	s13 =	rddreg [dreg:$0x17];
	[sflag:s7] =	ssyncadd.s32 @!p0 $0xFFFFF800  }
0x75: {  	[hbm4b:s13+s11] =	stream.linear.scatter @!p0 [tilespmem:s0], [sflag:$0x5], $0x800, $0x38;
	[tilespmem:$0x1E680] =	vst v63  }
0x76: {  	_ =	swait.ge @!p0 [sflag:s7], $0x800  }
0x77: {  	s12 =	sadd.s32 $0x1, s12;
	s31 =	rddreg [dreg:$0x18]  }
0x78: {  	p1 =	sne.s32 s12, s31  }
.Ltmp1:
0x79: {  	_ = 	snop;
	(pc) =	sbr.rel @!p1 .LBB2_14-.Ltmp1, $3  }
0x7a: {  	_ =	sdelay $0x1  }
0x7b: {  	[sflag:s7] =	ssyncset.done @!p0 $0x0  }
0x7c: {  	[sflag:s7] =	ssyncadd.s32 @!p0 $0xFFFFF800  }
.LBB2_1:
0x7d: {  	s0 =	simm.s32 $0x0;
	s13 =	simm.s32 $0x200  }
.LBB2_2:
0x7e: {  	p1 =	sne.s32 s13, $0x9E00;
	[tilespmem:s0+$0x5470] =	vst v0  }
0x7f: {  	[tilespmem:s0+$0x5400] =	vst v0  }
0x80: {  	[tilespmem:s0+$0x5410] =	vst v0  }
.Ltmp2:
0x81: {  	[tilespmem:s0+$0x5420] =	vst v0;
	(pc) =	sbr.rel @p1 .LBB2_2-.Ltmp2, $4  }
0x82: {  	[tilespmem:s0+$0x5430] =	vst v0  }
0x83: {  	[tilespmem:s0+$0x5440] =	vst v0  }
0x84: {  	[tilespmem:s0+$0x5450] =	vst v0  }
0x85: {  	[tilespmem:s0+$0x5460] =	vst v0;
	s0 =	sshra.s32 s13, $0x2;
	s13 =	sadd.s32 $0x200, s13  }
0x86: {  	[tilespmem:s0+$0x5470] =	vst v0  }
0x87: {  	[tilespmem:s0+$0x5400] =	vst v0  }
0x88: {  	[tilespmem:s0+$0x5410] =	vst v0  }
0x89: {  	[tilespmem:s0+$0x5420] =	vst v0  }
0x8a: {  	[tilespmem:s0+$0x5430] =	vst v0  }
0x8b: {  	[tilespmem:s0+$0x5440] =	vst v0  }
0x8c: {  	[tilespmem:s0+$0x5450] =	vst v0  }
0x8d: {  	[tilespmem:s0+$0x5460] =	vst v0  }
0x8e: {  	[spmem:s18] =	stream.linear.scatter [tilespmem:s3], [sflag:$0x5], $0x2800, $0x38;
	[tilespmem:$0x1E680] =	vst v63  }
0x8f: {  	_ =	swait.ge [sflag:s6], $0x2800  }
0x90: {  	[sflag:s6] =	ssyncset.done $0x0  }
0x91: {  	[sflag:s6] =	ssyncadd.s32 $0xFFFFD800  }
0x92: {  	[spmem:s20] =	stream.linear.scatter [tilespmem:s3], [sflag:$0x5], $0x2800, $0x38;
	[tilespmem:$0x1E680] =	vst v63  }
0x93: {  	_ =	swait.ge [sflag:s6], $0x2800  }
0x94: {  	[sflag:s6] =	ssyncset.done $0x0  }
0x95: {  	[sflag:s6] =	ssyncadd.s32 $0xFFFFD800  }
0x96: {  	[spmem:s21] =	stream.linear.scatter [tilespmem:s3], [sflag:$0x5], $0x2800, $0x38;
	[tilespmem:$0x1E680] =	vst v63  }
0x97: {  	_ =	swait.ge [sflag:s6], $0x2800  }
0x98: {  	[sflag:s6] =	ssyncset.done $0x0  }
0x99: {  	[sflag:s6] =	ssyncadd.s32 $0xFFFFD800  }
0x9a: {  	[spmem:s22] =	stream.linear.scatter [tilespmem:s3], [sflag:$0x5], $0x2800, $0x38;
	[tilespmem:$0x1E680] =	vst v63  }
0x9b: {  	_ =	swait.ge [sflag:s6], $0x2800  }
0x9c: {  	[sflag:s6] =	ssyncset.done $0x0  }
0x9d: {  	[sflag:s6] =	ssyncadd.s32 $0xFFFFD800  }
0x9e: {  	[spmem:s23] =	stream.linear.scatter [tilespmem:s3], [sflag:$0x5], $0x2800, $0x38;
	[tilespmem:$0x1E680] =	vst v63  }
0x9f: {  	_ =	swait.ge [sflag:s6], $0x2800  }
0xa0: {  	[sflag:s6] =	ssyncset.done $0x0  }
0xa1: {  	[sflag:s6] =	ssyncadd.s32 $0xFFFFD800  }
0xa2: {  	[spmem:s16] =	stream.linear.scatter [tilespmem:s3], [sflag:$0x5], $0x2800, $0x38;
	[tilespmem:$0x1E680] =	vst v63  }
0xa3: {  	_ =	swait.ge [sflag:s6], $0x2800  }
0xa4: {  	[sflag:s6] =	ssyncset.done $0x0  }
0xa5: {  	[sflag:s6] =	ssyncadd.s32 $0xFFFFD800  }
0xa6: {  	[spmem:s17] =	stream.linear.scatter [tilespmem:s3], [sflag:$0x5], $0x2800, $0x38;
	[tilespmem:$0x1E680] =	vst v63  }
0xa7: {  	_ =	swait.ge [sflag:s6], $0x2800  }
0xa8: {  	[sflag:s6] =	ssyncset.done $0x0  }
0xa9: {  	[sflag:s6] =	ssyncadd.s32 $0xFFFFD800  }
0xaa: {  	[spmem:s24] =	stream.linear.scatter [tilespmem:s3], [sflag:$0x5], $0x2000, $0x38;
	[tilespmem:$0x1E680] =	vst v63  }
0xab: {  	_ =	swait.ge [sflag:s6], $0x2000  }
0xac: {  	[sflag:s6] =	ssyncset.done $0x0  }
0xad: {  	s0 =	simm.s32 @!p0 $0x5400;
	[sflag:s6] =	ssyncadd.s32 $0xFFFFE000  }
0xae: {  	[spmem:s19] =	stream.linear.scatter @!p0 [tilespmem:s0], [sflag:$0x5], $0x800, $0x38;
	[tilespmem:$0x1E680] =	vst v63  }
0xaf: {  	s0 =	simm.s32 @!p0 $0x5  }
0xb0: {  	_ =	swait.ge @!p0 [sflag:s0], $0x800  }
0xb1: {  	[sflag:s0] =	ssyncset.done @!p0 $0x0  }
0xb2: {  	[sflag:s0] =	ssyncadd.s32 @!p0 $0xFFFFF800  }
0xb3: {  	[bflag:$0x0] =	sbarrier.arrive $0xFFFF  }
0xb4: {  	s13 =	simm.s32 $0x0;
	s22 =	rddreg [dreg:$0x15]  }
0xb5: {  	[tilespmem:s13], [sflag:$0x1] =	stream.linear.gather [hbm4b:s22+s13], $0x50, $0x38;
	[tilespmem:$0x1E680] =	vst v63  }
0xb6: {  	s7 =	simm.s32 $0x200;
	s23 =	rddreg [dreg:$0x1a]  }
0xb7: {  	[tilespmem:s7], [sflag:$0x1] =	stream.linear.gather [hbm4b:s23+s13], $0x50, $0x38;
	[tilespmem:$0x1E680] =	vst v63  }
0xb8: {  	s25 =	simm.s32 $0x400;
	s26 =	simm.s32 $0x1;
	s24 =	rddreg [dreg:$0x16]  }
0xb9: {  	[tilespmem:s25], [sflag:$0x2] =	stream.linear.gather [hbm4b:s24+s13], $0x2800, $0x38;
	[tilespmem:$0x1E680] =	vst v63  }
0xba: {  	_ =	swait.ge [sflag:s26], $0x50  }
0xbb: {  	[sflag:s26] =	ssyncset.done $0x0  }
0xbc: {  	[sflag:s26] =	ssyncadd.s32 $0xFFFFFFB0  }
0xbd: {  	_ =	swait.ge [sflag:s26], $0x50  }
0xbe: {  	[sflag:s26] =	ssyncset.done $0x0  }
0xbf: {  	[sflag:s26] =	ssyncadd.s32 $0xFFFFFFB0  }
0xc0: {  	[tilespmem:s3], [sflag:$0x3] =	stream.indirect.gather [hbm4b:s1+s8], $0x80, s13, s8, $0xb8;
	[tilespmem:$0x1E680] =	vst v63  }
0xc1: {  	s29 =	simm.s32 $0x80;
	s31 =	simm.s32 $0x280;
	s28 =	rddreg [dreg:$0x1b]  }
0xc2: {  	[tilespmem:s29], [sflag:$0x1] =	stream.linear.gather [hbm4b:s28+s13], $0x50, $0x38;
	[tilespmem:$0x1E680] =	vst v63  }
0xc3: {  	p1 =	por $0x0, $0x0;
	s25 =	simm.s32 $0x0;
	s30 =	rddreg [dreg:$0x1c]  }
0xc4: {  	[tilespmem:s31], [sflag:$0x1] =	stream.linear.gather [hbm4b:s30+s13], $0x50, $0x38;
	[tilespmem:$0x1E680] =	vst v63  }
.LBB2_4:
0xc5: {  	s16 =	smov.u32 s25  }
0xc6: {  	_ =	swait.ge [sflag:s9], $0x2800;
	s25 =	sadd.s32 $0x1, s25;
	s18 =	simm.s32 $0x1  }
0xc7: {  	[sflag:s9] =	ssyncset.done $0x0;
	p2 =	seq.s32 s16, $0x7C;
	s30 =	sand.u32 $0x1, s16  }
0xc8: {  	s24 =	smul.u32 $0xAB, s16;
	s18 =	simm.s32 @!p1 $0x0;
	[sflag:s9] =	ssyncadd.s32 $0xFFFFD800  }
0xc9: {  	s0 =	smul.u32 @!p2 $0xAB, s25;
	s17 =	simm.s32 @!p2 $0x1;
	s19 =	sxor.u32 @!p2 $0x1, s30  }
0xca: {  	s21 =	simm.s32 @!p2 $0x50;
	p3 =	seq.s32 @!p2 s16, $0x0;
	_ =	swait.ge [sflag:s10], $0x2800  }
0xcb: {  	s11 =	smul.u32 $0xA000, s18;
	s18 =	sadd.s32 $0x2, s16;
	[sflag:s10] =	ssyncset.done $0x0  }
0xcc: {  	s19 =	smul.u32 @!p2 $0x2800, s19;
	s0 =	sshrl.u32 @!p2 s0, $0x9;
	[sflag:s10] =	ssyncadd.s32 $0xFFFFD800  }
0xcd: {  	s20 =	sadd.s32 $0x156, s24;
	s0 =	sand.u32 @!p2 $0x7F, s0;
	_ =	swait.ge @!p2 [sflag:s17], $0x50  }
0xce: {  	p4 =	por p3, p2;
	s0 =	smul.u32 @!p2 $0x3, s0;
	[sflag:s17] =	ssyncset.done @!p2 $0x0  }
0xcf: {  	p3 =	sgt.u32 @!p2 s16, $0x7A;
	s7 =	sshrl.u32 s20, $0x9;
	[sflag:s17] =	ssyncadd.s32 @!p2 $0xFFFFFFB0  }
0xd0: {  	s20 =	simm.s32 @!p4 $0x4;
	s0 =	ssub.s32 @!p2 s25, s0;
	_ =	swait.ge @!p2 [sflag:s17], $0x50  }
0xd1: {  	p3 =	por p3, p2;
	s0 =	sand.u32 @!p2 $0xFF, s0;
	[sflag:s17] =	ssyncset.done @!p2 $0x0  }
0xd2: {  	s0 =	sshll.u32 @!p2 s0, $0x7;
	[sflag:s17] =	ssyncadd.s32 @!p2 $0xFFFFFFB0;
	s17 =	sadd.s32 @!p2 $0x5400, s19  }
0xd3: {  	[tilespmem:s17], [sflag:$0x3] =	stream.indirect.gather @!p2 [hbm4b:s1+s21], $0x80, s0, s21, $0xb8;
	[tilespmem:$0x1E680] =	vst v63  }
0xd4: {  	s0 =	sand.u32 $0x7F, s7;
	s21 =	sshll.u32 @!p2 s25, $0x5;
	_ =	swait.ge @!p4 [sflag:s20], $0x2800  }
0xd5: {  	s0 =	smul.u32 $0x3, s0;
	s21 =	sor.u32 @!p2 s15, s21;
	[sflag:s20] =	ssyncset.done @!p4 $0x0  }
0xd6: {  	[sflag:s20] =	ssyncadd.s32 @!p4 $0xFFFFD800;
	s20 =	smul.u32 @!p2 $0x500, s21;
	s21 =	sshll.u32 @!p3 s18, $0x5  }
0xd7: {  	s0 =	ssub.s32 s18, s0;
	s18 =	sadd.s32 @!p2 $0x400, s19;
	s19 =	sor.u32 @!p3 s15, s21  }
0xd8: {  	s21 =	simm.s32 @!p2 $0x0;
	s20 =	sadd.s32 @!p2 s2, s20;
	s19 =	smul.u32 @!p3 $0x50, s19  }
0xd9: {  	[tilespmem:s18], [sflag:$0x2] =	stream.linear.gather @!p2 [hbm4b:s20+s21], $0x2800, $0x38;
	[tilespmem:$0x1E680] =	vst v63  }
0xda: {  	s28 =	sshrl.u32 s11, $0x2;
	s0 =	sand.u32 $0xFF, s0;
	s17 =	sshrl.u32 @!p3 s19, $0x3  }
0xdb: {  	s18 =	sshll.u32 @!p3 s0, $0x7;
	s19 =	simm.s32 @!p3 $0x0;
	s17 =	sadd.s32 @!p3 s14, s17  }
0xdc: {  	[tilespmem:s18], [sflag:$0x1] =	stream.linear.gather @!p3 [hbm4b:s17+s19], $0x50, $0x38;
	[tilespmem:$0x1E680] =	vst v63  }
0xdd: {  	s22 =	sor.u32 $0x480, s28;
	s18 =	sadd.s32 @!p3 $0x200, s18;
	s17 =	sadd.s32 @!p3 $0x9C40, s17  }
0xde: {  	[tilespmem:s18], [sflag:$0x1] =	stream.linear.gather @!p3 [hbm4b:s17+s19], $0x50, $0x38;
	[tilespmem:$0x1E680] =	vst v63  }
0xdf: {  	v5 =	vld [tilespmem:s22+$0x70]  }
0xe0: {  	v6 =	vld [tilespmem:s22+$0x40]  }
0xe1: {  	v7 =	vld [tilespmem:s22+$0x20]  }
0xe2: {  	v10 =	vld [tilespmem:s22+$0x0]  }
0xe3: {  	v8 =	vld [tilespmem:s22+$0xFFFFFFB0]  }
0xe4: {  	v9 =	vld [tilespmem:s22+$0xFFFFFFC0];
	v5 =	vmul.f32 $1.442695020e+00, v5  }
0xe5: {  	v11 =	vld [tilespmem:s22+$0xFFFFFFD0];
	v6 =	vmul.f32 $1.442695020e+00, v6  }
0xe6: {  	(erf) = vpow2.f32 v5;
	v5 =	vmul.f32 $1.442695020e+00, v7;
	v7 =	vld [tilespmem:s22+$0x10]  }
0xe7: {  	v12 =	vld [tilespmem:s22+$0xFFFFFF90];
	v10 =	vmul.f32 $1.442695020e+00, v10  }
0xe8: {  	(erf) = vpow2.f32 v6;
	v6 =	vmul.f32 $1.442695020e+00, v8;
	v8 =	vld [tilespmem:s22+$0xFFFFFFE0]  }
0xe9: {  	(erf) = vpow2.f32 v5;
	v5 =	vmul.f32 $1.442695020e+00, v9;
	v9 =	vld [tilespmem:s22+$0x30]  }
0xea: {  	v11 =	vmul.f32 $1.442695020e+00, v11;
	(erf) = vpow2.f32 v6;
	v6 =	vld [tilespmem:s22+$0xFFFFFF80]  }
0xeb: {  	(erf) = vpow2.f32 v5;
	v5 =	vld [tilespmem:s22+$0xFFFFFFA0];
	v7 =	vmul.f32 $1.442695020e+00, v7  }
0xec: {  	(erf) = vpow2.f32 v10;
	v10 =	vmul.f32 $1.442695020e+00, v12;
	v12 =	vld [tilespmem:s22+$0x60]  }
0xed: {  	(erf) = vpow2.f32 v11;
	v8 =	vmul.f32 $1.442695020e+00, v8;
	v11 =	vld [tilespmem:s22+$0xFFFFFFF0]  }
0xee: {  	s23 =	sadd.s32 $0x100, s22;
	(erf) = vpow2.f32 v7;
	v7 =	vmul.f32 $1.442695020e+00, v9  }
0xef: {  	v9 =	vld [tilespmem:s23+$0x70];
	(erf) = vpow2.f32 v10;
	v6 =	vmul.f32 $1.442695020e+00, v6  }
0xf0: {  	v10 =	vld [tilespmem:s22+$0x50];
	v13 =	vpop (erf);
	(erf) = vpow2.f32 v8;
	v5 =	vmul.f32 $1.442695020e+00, v5  }
0xf1: {  	v8 =	vpop (erf);
	(erf) = vpow2.f32 v7;
	v7 =	vmul.f32 $1.442695020e+00, v12  }
0xf2: {  	v12 =	vpop (erf);
	(erf) = vpow2.f32 v6;
	v6 =	vmul.f32 $1.442695020e+00, v11  }
0xf3: {  	v14 =	vpop (erf);
	(erf) = vpow2.f32 v5  }
0xf4: {  	v5 =	vld [tilespmem:s23+$0x40];
	v9 =	vmul.f32 $1.442695020e+00, v9;
	v15 =	vpop (erf);
	(erf) = vpow2.f32 v7  }
0xf5: {  	v16 =	vld [tilespmem:s23+$0x0];
	v10 =	vmul.f32 $1.442695020e+00, v10;
	(erf) = vpow2.f32 v6  }
0xf6: {  	v7 =	vld [tilespmem:s23+$0x20];
	v6 =	vpop (erf);
	(erf) = vpow2.f32 v9  }
0xf7: {  	v17 =	vpop (erf);
	(erf) = vpow2.f32 v10;
	v10 =	vld [tilespmem:s23+$0xFFFFFFB0]  }
0xf8: {  	v20 =	vld [tilespmem:s23+$0xFFFFFFC0];
	v18 =	vpop (erf)  }
0xf9: {  	v22 =	vld [tilespmem:s23+$0xFFFFFF90];
	v5 =	vmul.f32 $1.442695020e+00, v5;
	v19 =	vpop (erf)  }
0xfa: {  	v9 =	vld [tilespmem:s23+$0xFFFFFFD0];
	v21 =	vpop (erf)  }
0xfb: {  	v11 =	vld [tilespmem:s23+$0x30];
	v7 =	vmul.f32 $1.442695020e+00, v7;
	v23 =	vpop (erf);
	(erf) = vpow2.f32 v5  }
0xfc: {  	[tilespmem:s22+$0x70] =	vst v13;
	v5 =	vmul.f32 $1.442695020e+00, v16;
	v16 =	vld [tilespmem:s23+$0x10];
	v24 =	vpop (erf);
	v10 =	vmul.f32 $1.442695020e+00, v10  }
0xfd: {  	v26 =	vld [tilespmem:s23+$0xFFFFFFE0];
	[tilespmem:s22+$0x40] =	vst v8;
	v25 =	vpop (erf);
	(erf) = vpow2.f32 v7;
	v7 =	vmul.f32 $1.442695020e+00, v20  }
0xfe: {  	s17 =	sadd.s32 $0x100, s23;
	v29 =	vld [tilespmem:s23+$0xFFFFFF80];
	v22 =	vmul.f32 $1.442695020e+00, v22;
	[tilespmem:s22+$0x20] =	vst v12;
	v27 =	vpop (erf);
	(erf) = vpow2.f32 v10  }
0xff: {  	v9 =	vmul.f32 $1.442695020e+00, v9;
	v12 =	vadd.f32 v23, v12;
	[tilespmem:s22+$0x30] =	vst v23;
	v23 =	vld [tilespmem:s17+$0x40];
	v20 =	vpop (erf);
	(erf) = vpow2.f32 v7  }
0x100: {  	v30 =	vld [tilespmem:s23+$0xFFFFFFA0];
	[tilespmem:s22+$0xFFFFFFC0] =	vst v15;
	v11 =	vmul.f32 $1.442695020e+00, v11;
	v15 =	vadd.f32 v17, v15;
	v10 =	vpop (erf);
	(erf) = vpow2.f32 v5  }
0x101: {  	[tilespmem:s22+$0x0] =	vst v6;
	v28 =	vadd.f32 v18, v6;
	v6 =	vmul.f32 $1.442695020e+00, v16;
	v7 =	vpop (erf);
	(erf) = vpow2.f32 v9;
	v9 =	vld [tilespmem:s23+$0xFFFFFFF0]  }
0x102: {  	[tilespmem:s22+$0xFFFFFFB0] =	vst v14;
	v13 =	vadd.f32 v13, v27;
	v16 =	vld [tilespmem:s23+$0x60];
	v5 =	vadd.f32 v7, v8;
	v8 =	vmul.f32 $1.442695020e+00, v26  }
0x103: {  	v51 =	vld [tilespmem:s17+$0xFFFFFF80];
	[tilespmem:s22+$0xFFFFFFD0] =	vst v17;
	v12 =	vadd.f32 v12, v28;
	(erf) = vpow2.f32 v6;
	v6 =	vmul.f32 $1.442695020e+00, v29  }
0x104: {  	[tilespmem:s22+$0x50] =	vst v7;
	v7 =	vmul.f32 $1.442695020e+00, v23;
	(erf) = vpow2.f32 v22;
	v5 =	vadd.f32 v13, v5;
	v13 =	vld [tilespmem:s17+$0x70]  }
0x105: {  	[tilespmem:s22+$0x10] =	vst v18;
	v18 =	vld [tilespmem:s23+$0x50];
	v17 =	vadd.f32 v20, v21;
	v22 =	vmul.f32 $1.442695020e+00, v30;
	(erf) = vpow2.f32 v8  }
0x106: {  	v33 =	vld [tilespmem:s17+$0x10];
	[tilespmem:s22+$0xFFFFFF90] =	vst v19;
	(erf) = vpow2.f32 v11;
	v5 =	vadd.f32 v5, v12;
	v8 =	vpop (erf);
	v9 =	vmul.f32 $1.442695020e+00, v9  }
0x107: {  	[tilespmem:s22+$0xFFFFFFE0] =	vst v21;
	v26 =	vld [tilespmem:s17+$0x30];
	v16 =	vmul.f32 $1.442695020e+00, v16;
	(erf) = vpow2.f32 v6;
	v11 =	vpop (erf)  }
0x108: {  	[tilespmem:s22+$0xFFFFFF80] =	vst v24;
	v23 =	vld [tilespmem:s17+$0xFFFFFFB0];
	v15 =	vadd.f32 v17, v15;
	(erf) = vpow2.f32 v22;
	v6 =	vperm.xlane v5, v1;
	v49 =	vpop (erf)  }
0x109: {  	[tilespmem:s22+$0x60] =	vst v27;
	v17 =	vadd.f32 v19, v24;
	v22 =	vld [tilespmem:s17+$0x20];
	(erf) = vpow2.f32 v16;
	v27 =	vpop (erf);
	v13 =	vmul.f32 $1.442695020e+00, v13  }
0x10a: {  	[tilespmem:s22+$0xFFFFFFA0] =	vst v25;
	v24 =	vld [tilespmem:s17+$0xFFFFFFC0];
	(erf) = vpow2.f32 v9;
	v6 =	vadd.f32 v5, v6;
	v5 =	vmul.f32 $1.442695020e+00, v18;
	v9 =	vpop (erf)  }
0x10b: {  	v52 =	vmul.f32 $1.442695020e+00, v33;
	[tilespmem:s22+$0xFFFFFFF0] =	vst v20;
	v12 =	vld [tilespmem:s17+$0xFFFFFF90];
	v20 =	vpop (erf);
	(erf) = vpow2.f32 v13  }
0x10c: {  	[tilespmem:s23+$0x70] =	vst v10;
	v26 =	vmul.f32 $1.442695020e+00, v26;
	v16 =	vld [tilespmem:s17+$0x0];
	v13 =	vadd.f32 v14, v25;
	v14 =	vpop (erf);
	(erf) = vpow2.f32 v5  }
0x10d: {  	[tilespmem:s23+$0x40] =	vst v8;
	v23 =	vmul.f32 $1.442695020e+00, v23;
	v18 =	vld [tilespmem:s17+$0xFFFFFFD0];
	v21 =	vperm.xlane v6, v2;
	v19 =	vpop (erf)  }
0x10e: {  	s26 =	sshll.u32 s30, $0x7;
	[tilespmem:s23+$0x20] =	vst v11;
	v22 =	vmul.f32 $1.442695020e+00, v22;
	(erf) = vpow2.f32 v7;
	v7 =	vpop (erf)  }
0x10f: {  	[tilespmem:s23+$0xFFFFFFB0] =	vst v49;
	v5 =	vmov s26;
	v25 =	vadd.f32 v20, v27;
	v13 =	vadd.f32 v13, v17;
	v50 =	vpop (erf)  }
0x110: {  	[tilespmem:s23+$0xFFFFFFC0] =	vst v27;
	v6 =	vadd.f32 v6, v21;
	v21 =	vld [tilespmem:s17+$0xFFFFFFE0];
	(erf) = vpow2.f32 v22;
	v22 =	vmul.f32 $1.442695020e+00, v24;
	v31 =	vpop (erf)  }
0x111: {  	[tilespmem:s23+$0x0] =	vst v9;
	v16 =	vmul.f32 $1.442695020e+00, v16;
	v27 =	vadd.f32 v14, v9;
	v9 =	vmul.f32 $1.442695020e+00, v12;
	v12 =	vpop (erf)  }
0x112: {  	[tilespmem:s23+$0xFFFFFFD0] =	vst v20;
	v17 =	vld [tilespmem:s17+$0xFFFFFFA0];
	v18 =	vmul.f32 $1.442695020e+00, v18;
	v13 =	vadd.f32 v15, v13;
	v15 =	vmul.f32 $1.442695020e+00, v51;
	v20 =	vpop (erf)  }
0x113: {  	[tilespmem:s23+$0x10] =	vst v14;
	v32 =	vperm.xlane v6, v3;
	v11 =	vadd.f32 v50, v11;
	(erf) = vpow2.f32 v23;
	v14 =	vpop (erf)  }
0x114: {  	[tilespmem:s23+$0xFFFFFF90] =	vst v19;
	v24 =	vld [tilespmem:s17+$0xFFFFFFF0];
	v55 =	vperm.xlane v13, v1;
	v23 =	vadd.f32 v49, v12;
	(erf) = vpow2.f32 v22;
	v22 =	vpop (erf)  }
0x115: {  	v53 =	vld [tilespmem:s17+$0x60];
	[tilespmem:s23+$0xFFFFFFE0] =	vst v7;
	v21 =	vmul.f32 $1.442695020e+00, v21;
	v10 =	vadd.f32 v10, v20;
	(erf) = vpow2.f32 v16;
	v54 =	vpop (erf)  }
0x116: {  	[tilespmem:s23+$0x30] =	vst v50;
	v13 =	vadd.f32 v13, v55;
	(erf) = vpow2.f32 v18;
	v8 =	vadd.f32 v54, v8  }
0x117: {  	s0 =	sadd.s32 $0x100, s17;
	[tilespmem:s23+$0xFFFFFF80] =	vst v31;
	v11 =	vadd.f32 v11, v27;
	v16 =	vmul.f32 $1.442695020e+00, v17;
	(erf) = vpow2.f32 v52  }
0x118: {  	[tilespmem:s23+$0xFFFFFFA0] =	vst v12;
	(erf) = vpow2.f32 v9;
	v9 =	vperm.xlane v13, v2;
	v8 =	vadd.f32 v10, v8;
	v10 =	vld [tilespmem:s0+$0x70]  }
0x119: {  	v6 =	vadd.f32 v6, v32;
	[tilespmem:s23+$0x60] =	vst v20;
	v12 =	vmul.f32 $1.442695020e+00, v24;
	(erf) = vpow2.f32 v21  }
0x11a: {  	v17 =	vld [tilespmem:s17+$0x50];
	[tilespmem:s23+$0xFFFFFFF0] =	vst v14;
	v18 =	vmul.f32 $1.442695020e+00, v53;
	(erf) = vpow2.f32 v26;
	v9 =	vadd.f32 v13, v9  }
0x11b: {  	[tilespmem:s17+$0x70] =	vst v22;
	v24 =	vpop (erf);
	v13 =	vld [tilespmem:s0+$0x40];
	v8 =	vadd.f32 v8, v11;
	v11 =	vperm.xlane v6, v4;
	(erf) = vpow2.f32 v15  }
0x11c: {  	v7 =	vadd.f32 v14, v7;
	[tilespmem:s23+$0x50] =	vst v54;
	v14 =	vpop (erf);
	(erf) = vpow2.f32 v16;
	v16 =	vperm.xlane v9, v3  }
0x11d: {  	v19 =	vadd.f32 v19, v31;
	v20 =	vld [tilespmem:s0+$0x30];
	[tilespmem:s17+$0x40] =	vst v24;
	v21 =	vpop (erf);
	v15 =	vperm.xlane v8, v1;
	v10 =	vmul.f32 $1.442695020e+00, v10  }
0x11e: {  	[tilespmem:s17+$0x20] =	vst v14;
	v26 =	vpop (erf);
	v6 =	vadd.f32 v6, v11;
	v11 =	vld [tilespmem:s0+$0x20];
	(erf) = vpow2.f32 v18;
	v18 =	vadd.f32 v7, v25  }
0x11f: {  	[tilespmem:s17+$0xFFFFFFB0] =	vst v21;
	v7 =	vld [tilespmem:s0+$0x0];
	(erf) = vpow2.f32 v12;
	v12 =	vpop (erf);
	v8 =	vadd.f32 v8, v15;
	v15 =	vmul.f32 $1.442695020e+00, v17  }
0x120: {  	[tilespmem:s17+$0xFFFFFFC0] =	vst v26;
	v9 =	vadd.f32 v9, v16;
	v16 =	vld [tilespmem:s0+$0xFFFFFFD0];
	v17 =	vpop (erf);
	(erf) = vrcp.f32 v6;
	v13 =	vmul.f32 $1.442695020e+00, v13  }
0x121: {  	v27 =	vld [tilespmem:s0+$0xFFFFFF90];
	v23 =	vadd.f32 v23, v19;
	[tilespmem:s17+$0x0] =	vst v12;
	(erf) = vpow2.f32 v10;
	v25 =	vperm.xlane v8, v2;
	v10 =	vpop (erf)  }
0x122: {  	[tilespmem:s17+$0xFFFFFFD0] =	vst v17;
	v26 =	vadd.f32 v17, v26;
	v17 =	vld [tilespmem:s0+$0xFFFFFFB0];
	v6 =	vpop (erf);
	(erf) = vpow2.f32 v15;
	v15 =	vperm.xlane v9, v4  }
0x123: {  	v56 =	vld [tilespmem:s0+$0xFFFFFFC0];
	v18 =	vadd.f32 v18, v23;
	v57 =	vmul.f32 $1.442695020e+00, v11;
	[tilespmem:s17+$0x10] =	vst v10;
	(erf) = vpow2.f32 v13;
	v58 =	vpop (erf)  }
0x124: {  	v13 =	vadd.f32 v8, v25;
	[tilespmem:s17+$0xFFFFFF90] =	vst v6;
	v25 =	vmul.f32 $1.442695020e+00, v7;
	v7 =	vpop (erf);
	v9 =	vadd.f32 v9, v15  }
0x125: {  	s29 =	smul.u32 $0x2800, s30;
	v11 =	vmul.f32 $1.442695020e+00, v20;
	v12 =	vadd.f32 v10, v12;
	v59 =	vmul.f32 $1.442695020e+00, v16;
	v8 =	vld [tilespmem:s0+$0xFFFFFFE0];
	[tilespmem:s17+$0xFFFFFFE0] =	vst v58;
	v10 =	vpop (erf)  }
0x126: {  	s31 =	simm.s32 $0x40;
	s24 =	sshrl.u32 s24, $0x9;
	v20 =	vld [tilespmem:s0+$0xFFFFFF80];
	v16 =	vmul.f32 $1.442695020e+00, v27;
	[tilespmem:s17+$0x30] =	vst v7;
	v60 =	vadd.f32 v7, v14;
	v7 =	vpop (erf);
	(erf) = vrcp.f32 v9  }
0x127: {  	s11 =	simm.s32 $0x10;
	s30 =	sor.u32 $0x400, s29;
	s18 =	sand.u32 $0x7F, s24;
	v27 =	vld [tilespmem:s0+$0x10];
	v14 =	vmul.f32 $1.442695020e+00, v17;
	[tilespmem:s17+$0xFFFFFF80] =	vst v10;
	(erf) = vpow2.f32 v57;
	v17 =	vpop (erf)  }
0x128: {  	s29 =	simm.s32 $0x30;
	s7 =	sand.u32 $0xF00, s13;
	s18 =	smul.u32 $0x3, s18;
	v28 =	vmul.f32 $1.442695020e+00, v56;
	v63 =	vperm.xlane v18, v1;
	v9 =	vld [tilespmem:s0+$0xFFFFFFA0];
	[tilespmem:s17+$0xFFFFFFA0] =	vst v7;
	v7 =	vadd.f32 v21, v7;
	v21 =	vpop (erf)  }
0x129: {  	s20 =	sand.u32 $0x70, s11;
	s21 =	sand.u32 $0x60, s13;
	s19 =	sadd.s32 $0xA400, s7;
	v15 =	vperm.xlane v13, v3;
	v61 =	vadd.f32 v22, v17;
	[tilespmem:s17+$0x60] =	vst v17;
	v22 =	vld [tilespmem:s0+$0xFFFFFFF0];
	(erf) = vpow2.f32 v14;
	v23 =	vpop (erf)  }
0x12a: {  	s24 =	sor.u32 $0x500, s28;
	s18 =	ssub.s32 s16, s18;
	s22 =	sor.u32 s20, s19;
	v18 =	vadd.f32 v18, v63;
	v19 =	vmul.f32 $1.442695020e+00, v8;
	[tilespmem:s17+$0xFFFFFFF0] =	vst v21;
	(erf) = vpow2.f32 v28;
	v8 =	vpop (erf)  }
0x12b: {  	s16 =	sadd.s32 $0x5500, s28;
	s28 =	sand.u32 $0xFF, s18;
	s18 =	simm.s32 $0x20;
	v17 =	vmul.f32 $1.442695020e+00, v20;
	v20 =	vadd.f32 v60, v12;
	v62 =	vadd.f32 v21, v58;
	[tilespmem:v5+s22+$0x0 ss:$0x1] =	vst.idx.msk $0xffff, v23;
	v23 =	vld [tilespmem:s0+$0x60];
	v12 =	vpop (erf)  }
0x12c: {  	s20 =	sor.u32 s21, s19;
	s21 =	simm.s32 $0x6;
	v27 =	vmul.f32 $1.442695020e+00, v27;
	s22 =	sand.u32 $0xF00, s31;
	[tilespmem:s0+$0x70] =	vst v8;
	(erf) = vpow2.f32 v25;
	v24 =	vadd.f32 v12, v24  }
0x12d: {  	s23 =	sand.u32 $0x60, s18;
	v21 =	vmul.f32 $1.442695020e+00, v9;
	s19 =	sadd.s32 $0xA400, s22;
	s22 =	sand.u32 $0x70, s29;
	v9 =	vpop (erf);
	[tilespmem:s17+$0x50] =	vst v12;
	(erf) = vpow2.f32 v59;
	v12 =	vadd.f32 v62, v26  }
0x12e: {  	v14 =	vld [tilespmem:s0+$0x50];
	s17 =	sor.u32 s23, s19;
	s19 =	sor.u32 s22, s19;
	s22 =	sadd.s32 $0x100, s0;
	[tilespmem:s0+$0x40] =	vst v9;
	v22 =	vmul.f32 $1.442695020e+00, v22;
	(erf) = vpow2.f32 v27;
	v24 =	vadd.f32 v61, v24  }
.LBB2_5:
0x12f: {  	v25 =	vld [tilespmem:s22+$0x70];
	s21 =	sadd.s32 $0x2, s21;
	(erf) = vpow2.f32 v16;
	v16 =	vperm.xlane v18, v2;
	v13 =	vadd.f32 v13, v15;
	s18 =	sadd.s32 $0x20, s18;
	s31 =	sadd.s32 $0x40, s31;
	v15 =	vpop (erf)  }
0x130: {  	v26 =	vld [tilespmem:s22+$0xFFFFFF90];
	p2 =	slt.u32 s21, $0x4E;
	v23 =	vmul.f32 $1.442695020e+00, v23;
	(erf) = vpow2.f32 v19;
	v19 =	vpop (erf);
	s23 =	sand.u32 $0xF00, s31;
	v20 =	vadd.f32 v24, v20;
	s29 =	sadd.s32 $0x10, s18;
	[tilespmem:v5+s20+$0x0 ss:$0x1] =	vst.idx.msk $0xffff, v15  }
0x131: {  	s7 =	sand.u32 $0x60, s18;
	v15 =	vld [tilespmem:s22+$0x30];
	[tilespmem:s0+$0x20] =	vst v19;
	(erf) = vpow2.f32 v11;
	s11 =	sadd.s32 $0xA400, s23;
	s20 =	sand.u32 $0x70, s29;
	v11 =	vadd.f32 v18, v16;
	v16 =	vperm.xlane v13, v4  }
0x132: {  	v24 =	vadd.f32 v6, v10;
	v18 =	vld [tilespmem:s22+$0x40];
	(erf) = vpow2.f32 v17;
	v17 =	vpop (erf);
	v28 =	vperm.xlane v20, v1;
	s23 =	sor.u32 s20, s11;
	s20 =	smov.u32 s17;
	s17 =	sor.u32 s7, s11  }
0x133: {  	v10 =	vld [tilespmem:s22+$0x20];
	[tilespmem:s0+$0xFFFFFFB0] =	vst v17;
	(erf) = vpow2.f32 v21;
	v21 =	vpop (erf);
	v27 =	vperm.xlane v11, v3;
	v13 =	vadd.f32 v13, v16  }
0x134: {  	v16 =	vld [tilespmem:s22+$0x50];
	v25 =	vmul.f32 $1.442695020e+00, v25;
	[tilespmem:s0+$0xFFFFFFC0] =	vst v21;
	(erf) = vpow2.f32 v23;
	v20 =	vadd.f32 v20, v28  }
0x135: {  	v14 =	vmul.f32 $1.442695020e+00, v14;
	v23 =	vld [tilespmem:s22+$0x0];
	(erf) = vpow2.f32 v22;
	v6 =	vpop (erf);
	v22 =	vadd.f32 v11, v27  }
0x136: {  	v27 =	vld [tilespmem:s22+$0xFFFFFFD0];
	[tilespmem:s0+$0x0] =	vst v6;
	v11 =	vpop (erf);
	v28 =	vperm.xlane v20, v2;
	(erf) = vrcp.f32 v13  }
0x137: {  	v29 =	vld [tilespmem:s22+$0xFFFFFFA0];
	v13 =	vmul.f32 $1.442695020e+00, v18;
	(erf) = vpow2.f32 v25;
	[tilespmem:s0+$0xFFFFFFD0] =	vst v11;
	v18 =	vadd.f32 v11, v21;
	v11 =	vpop (erf)  }
0x138: {  	v34 =	vperm.xlane v22, v4;
	v21 =	vld [tilespmem:s22+$0xFFFFFFB0];
	[tilespmem:s0+$0x10] =	vst v11;
	v25 =	vadd.f32 v11, v6;
	v6 =	vpop (erf);
	(erf) = vpow2.f32 v14  }
0x139: {  	v31 =	vmul.f32 $1.442695020e+00, v10;
	v30 =	vld [tilespmem:s22+$0xFFFFFFC0];
	(erf) = vpow2.f32 v13;
	[tilespmem:s0+$0xFFFFFF90] =	vst v6;
	v32 =	vpop (erf);
	v13 =	vadd.f32 v20, v28  }
0x13a: {  	v11 =	vmul.f32 $1.442695020e+00, v15;
	v35 =	vadd.f32 v22, v34;
	v20 =	vld [tilespmem:s22+$0xFFFFFFE0];
	v28 =	vmul.f32 $1.442695020e+00, v23;
	[tilespmem:s0+$0xFFFFFFE0] =	vst v32;
	v23 =	vpop (erf)  }
0x13b: {  	v14 =	vmov v16;
	v33 =	vld [tilespmem:s22+$0xFFFFFF80];
	v27 =	vmul.f32 $1.442695020e+00, v27;
	[tilespmem:s0+$0x30] =	vst v23;
	v10 =	vpop (erf);
	v15 =	vperm.xlane v13, v3  }
0x13c: {  	v16 =	vmul.f32 $1.442695020e+00, v26;
	v34 =	vadd.f32 v23, v19;
	v26 =	vld [tilespmem:s22+$0x10];
	[tilespmem:s0+$0xFFFFFF80] =	vst v10;
	v19 =	vpop (erf);
	(erf) = vrcp.f32 v35  }
0x13d: {  	v23 =	vadd.f32 v7, v24;
	v21 =	vmul.f32 $1.442695020e+00, v21;
	(erf) = vpow2.f32 v31;
	[tilespmem:s0+$0xFFFFFFA0] =	vst v19;
	v22 =	vpop (erf)  }
0x13e: {  	v7 =	vadd.f32 v17, v19;
	v24 =	vmul.f32 $1.442695020e+00, v30;
	[tilespmem:s0+$0x60] =	vst v22;
	v30 =	vadd.f32 v8, v22;
	v22 =	vpop (erf)  }
0x13f: {  	v35 =	vadd.f32 v12, v23;
	v19 =	vmul.f32 $1.442695020e+00, v20;
	v31 =	vld [tilespmem:s22+$0xFFFFFFF0];
	(erf) = vpow2.f32 v21;
	[tilespmem:s0+$0xFFFFFFF0] =	vst v22;
	v12 =	vpop (erf)  }
.Ltmp3:
0x140: {  	v22 =	vadd.f32 v22, v32;
	v17 =	vmul.f32 $1.442695020e+00, v33;
	(erf) = vpow2.f32 v24;
	v8 =	vpop (erf);
	[tilespmem:v5+s19+$0x0 ss:$0x1] =	vst.idx.msk $0xffff, v12;
	s19 =	smov.u32 s23;
	(pc) =	sbr.rel @p2 .LBB2_5-.Ltmp3, $4  }
0x141: {  	v20 =	vadd.f32 v34, v25;
	v25 =	vperm.xlane v35, v1;
	v24 =	vmul.f32 $1.442695020e+00, v26;
	v23 =	vld [tilespmem:s22+$0x60];
	[tilespmem:s22+$0x70] =	vst v8;
	v12 =	vpop (erf)  }
0x142: {  	v21 =	vmul.f32 $1.442695020e+00, v29;
	(erf) = vpow2.f32 v28;
	[tilespmem:s0+$0x50] =	vst v12;
	v26 =	vadd.f32 v12, v9;
	v9 =	vpop (erf);
	s0 =	smov.u32 s22  }
0x143: {  	v12 =	vadd.f32 v22, v18;
	v18 =	vadd.f32 v35, v25;
	[tilespmem:s22+$0x40] =	vst v9;
	(erf) = vpow2.f32 v27  }
0x144: {  	s22 =	sadd.s32 $0x100, s22;
	v22 =	vmul.f32 $1.442695020e+00, v31;
	(erf) = vpow2.f32 v24;
	v24 =	vadd.f32 v30, v26  }
0x145: {  	(erf) = vpow2.f32 v16;
	v13 =	vadd.f32 v13, v15  }
0x146: {  	(erf) = vpow2.f32 v19;
	v16 =	vmul.f32 $1.442695020e+00, v23  }
0x147: {  	v15 =	vpop (erf);
	(erf) = vpow2.f32 v11;
	v19 =	vperm.xlane v13, v4  }
0x148: {  	v51 =	vpop (erf);
	(erf) = vpow2.f32 v17  }
0x149: {  	v17 =	vpop (erf);
	(erf) = vpow2.f32 v21;
	v13 =	vadd.f32 v13, v19  }
0x14a: {  	v14 =	vmul.f32 $1.442695020e+00, v14;
	v21 =	vpop (erf);
	(erf) = vpow2.f32 v16  }
0x14b: {  	(erf) = vpow2.f32 v22;
	v16 =	vpop (erf)  }
0x14c: {  	v19 =	vpop (erf);
	(erf) = vrcp.f32 v13  }
0x14d: {  	v13 =	vpop (erf);
	(erf) = vpow2.f32 v14  }
0x14e: {  	v14 =	vpop (erf)  }
0x14f: {  	v22 =	vpop (erf)  }
0x150: {  	v6 =	vadd.f32 v6, v10;
	v23 =	vpop (erf)  }
0x151: {  	v25 =	vpop (erf)  }
0x152: {  	v6 =	vadd.f32 v7, v6;
	v26 =	vpop (erf)  }
0x153: {  	v52 =	vpop (erf)  }
0x154: {  	v20 =	vadd.f32 v24, v20;
	v6 =	vadd.f32 v12, v6;
	v28 =	vpop (erf)  }
0x155: {  	v24 =	vadd.f32 v19, v21;
	v27 =	vadd.f32 v13, v16;
	v7 =	vpop (erf)  }
0x156: {  	v29 =	vadd.f32 v23, v51;
	v32 =	vadd.f32 v14, v25;
	v31 =	vpop (erf)  }
0x157: {  	v8 =	vadd.f32 v8, v52;
	v9 =	vadd.f32 v31, v9  }
0x158: {  	v30 =	vadd.f32 v17, v26;
	v12 =	vadd.f32 v28, v22  }
0x159: {  	v27 =	vadd.f32 v29, v27;
	v8 =	vadd.f32 v8, v9  }
0x15a: {  	v53 =	vadd.f32 v12, v24;
	v12 =	vadd.f32 v30, v32  }
0x15b: {  	v24 =	vperm.xlane v20, v1;
	v8 =	vadd.f32 v8, v27  }
0x15c: {  	v9 =	vadd.f32 v53, v12;
	v27 =	vperm.xlane v6, v1  }
0x15d: {  	v12 =	vadd.f32 v20, v24;
	v20 =	vperm.xlane v8, v1  }
0x15e: {  	v24 =	vperm.xlane v18, v2;
	v6 =	vadd.f32 v6, v27;
	v27 =	vperm.xlane v9, v1  }
0x15f: {  	v8 =	vadd.f32 v8, v20;
	v20 =	vperm.xlane v12, v2  }
0x160: {  	v18 =	vadd.f32 v18, v24;
	v24 =	vperm.xlane v6, v2;
	v9 =	vadd.f32 v9, v27  }
0x161: {  	v12 =	vadd.f32 v12, v20;
	v20 =	vperm.xlane v8, v2  }
0x162: {  	v27 =	vperm.xlane v18, v3;
	v6 =	vadd.f32 v6, v24;
	v24 =	vperm.xlane v9, v2  }
0x163: {  	[tilespmem:v5+s20+$0x0 ss:$0x1] =	vst.idx.msk $0xffff, v15;
	v8 =	vadd.f32 v8, v20;
	v15 =	vperm.xlane v12, v3  }
0x164: {  	v18 =	vadd.f32 v18, v27;
	v9 =	vadd.f32 v9, v24;
	v20 =	vperm.xlane v6, v3  }
0x165: {  	[tilespmem:s0+$0x20] =	vst v51;
	v54 =	vadd.f32 v12, v15;
	v12 =	vperm.xlane v8, v3  }
0x166: {  	[tilespmem:s0+$0xFFFFFFB0] =	vst v17;
	v15 =	vperm.xlane v18, v4;
	v6 =	vadd.f32 v6, v20;
	v17 =	vperm.xlane v9, v3  }
0x167: {  	[tilespmem:s0+$0xFFFFFFC0] =	vst v21;
	v8 =	vadd.f32 v8, v12;
	v12 =	vperm.xlane v54, v4  }
0x168: {  	[tilespmem:s0+$0x0] =	vst v16;
	v15 =	vadd.f32 v18, v15;
	v16 =	vperm.xlane v6, v4;
	v9 =	vadd.f32 v9, v17  }
0x169: {  	[tilespmem:s0+$0xFFFFFFD0] =	vst v19;
	v11 =	vadd.f32 v54, v12;
	v12 =	vperm.xlane v8, v4  }
0x16a: {  	[tilespmem:s0+$0x10] =	vst v13;
	(erf) = vrcp.f32 v15;
	v6 =	vadd.f32 v6, v16;
	v13 =	vperm.xlane v9, v4  }
0x16b: {  	[tilespmem:s0+$0xFFFFFF90] =	vst v14;
	(erf) = vrcp.f32 v11;
	v8 =	vadd.f32 v8, v12  }
0x16c: {  	[tilespmem:s0+$0xFFFFFFE0] =	vst v22;
	(erf) = vrcp.f32 v6;
	v6 =	vadd.f32 v9, v13  }
0x16d: {  	[tilespmem:s0+$0x30] =	vst v23;
	(erf) = vrcp.f32 v8  }
0x16e: {  	[tilespmem:s0+$0xFFFFFF80] =	vst v25;
	(erf) = vrcp.f32 v6  }
0x16f: {  	[tilespmem:s0+$0xFFFFFFA0] =	vst v26  }
0x170: {  	s7 =	sadd.s32 $0x40, s31;
	s11 =	sadd.s32 $0x20, s18;
	[tilespmem:s0+$0x60] =	vst v52  }
0x171: {  	s31 =	simm.s32 $0x30;
	s20 =	sand.u32 $0xF00, s7;
	s22 =	sadd.s32 $0x10, s11;
	[tilespmem:s0+$0xFFFFFFF0] =	vst v28  }
0x172: {  	s21 =	sand.u32 $0x60, s11;
	s23 =	sadd.s32 $0x20, s11;
	s7 =	sadd.s32 $0x40, s7;
	[tilespmem:v5+s19+$0x0 ss:$0x1] =	vst.idx.msk $0xffff, v7  }
0x173: {  	s18 =	sadd.s32 $0xA400, s20;
	s20 =	sand.u32 $0x70, s22;
	s7 =	sand.u32 $0xF00, s7;
	[tilespmem:s0+$0x50] =	vst v31;
	v6 =	vpop (erf)  }
0x174: {  	s11 =	sadd.s32 $0x10, s23;
	s21 =	sor.u32 s21, s18;
	s18 =	sor.u32 s20, s18;
	[tilespmem:v5+s17+$0x0 ss:$0x1] =	vst.idx.msk $0xffff, v6;
	v6 =	vpop (erf)  }
0x175: {  	s7 =	sadd.s32 $0xA400, s7;
	s11 =	sand.u32 $0x70, s11;
	s17 =	simm.s32 $0x0;
	[tilespmem:v5+s18+$0x0 ss:$0x1] =	vst.idx.msk $0xffff, v6;
	v6 =	vpop (erf)  }
0x176: {  	s11 =	sor.u32 s11, s7;
	s0 =	sand.u32 $0x60, s23;
	s29 =	sand.u32 $0xF00, s17;
	[tilespmem:v5+s21+$0x0 ss:$0x1] =	vst.idx.msk $0xffff, v6;
	v6 =	vpop (erf)  }
0x177: {  	s0 =	sor.u32 s0, s7;
	s20 =	sadd.s32 $0xA400, s29;
	s21 =	sand.u32 $0x70, s31;
	[tilespmem:v5+s11+$0x0 ss:$0x1] =	vst.idx.msk $0xffff, v6;
	v6 =	vpop (erf)  }
0x178: {  	s22 =	sor.u32 s21, s20;
	[tilespmem:v5+s0+$0x0 ss:$0x1] =	vst.idx.msk $0xffff, v6  }
0x179: {  	s0 =	sadd.s32 s26, s22;
	v5 =	vld [tilespmem:s16+$0x80]  }
0x17a: {  	v19 =	vld [tilespmem:s0+$0x0]  }
0x17b: {  	s29 =	sand.u32 $0x40, s17  }
0x17c: {  	s11 =	sor.u32 s29, s20;
	v6 =	vld [tilespmem:s24+$0x80]  }
0x17d: {  	s11 =	sadd.s32 s26, s11  }
0x17e: {  	s23 =	simm.s32 $0x10;
	v18 =	vld [tilespmem:s11+$0x0]  }
0x17f: {  	s0 =	sand.u32 $0x50, s23;
	v7 =	vld [tilespmem:s16+$0xFFFFFF80];
	v5 =	vmul.f32 v5, v19  }
0x180: {  	v8 =	vld [tilespmem:s24+$0xFFFFFF00];
	s0 =	sor.u32 s0, s20  }
0x181: {  	v56 =	vld [tilespmem:s24+$0xFFFFFF80];
	s0 =	sadd.s32 s26, s0;
	v5 =	vmul.f32 v5, v6  }
0x182: {  	v17 =	vld [tilespmem:s0+$0x0]  }
0x183: {  	s31 =	simm.s32 $0x20;
	v6 =	vld [tilespmem:s16+$0xFFFFFF00];
	[tilespmem:s24+$0x80] =	vst v5  }
0x184: {  	s17 =	sand.u32 $0x60, s31;
	v5 =	vld [tilespmem:s16+$0x90]  }
0x185: {  	s7 =	sor.u32 s17, s20;
	v55 =	vld [tilespmem:s16+$0x0]  }
0x186: {  	s7 =	sadd.s32 s26, s7;
	v10 =	vld [tilespmem:s24+$0x90]  }
0x187: {  	v16 =	vld [tilespmem:s7+$0x0];
	v7 =	vmul.f32 v7, v17  }
0x188: {  	v6 =	vmul.f32 v6, v18  }
0x189: {  	v12 =	vld [tilespmem:s24+$0x0];
	v7 =	vmul.f32 v7, v56;
	v5 =	vmul.f32 v5, v19  }
0x18a: {  	v6 =	vmul.f32 v6, v8  }
0x18b: {  	v13 =	vld [tilespmem:s24+$0xFFFFFF10];
	[tilespmem:s24+$0xFFFFFF80] =	vst v7;
	v5 =	vmul.f32 v5, v10  }
0x18c: {  	v7 =	vld [tilespmem:s16+$0xFFFFFF90];
	[tilespmem:s24+$0xFFFFFF00] =	vst v6;
	v6 =	vmul.f32 v55, v16  }
0x18d: {  	v58 =	vld [tilespmem:s16+$0xFFFFFF10];
	[tilespmem:s24+$0x90] =	vst v5  }
0x18e: {  	v5 =	vmul.f32 v6, v12;
	v6 =	vld [tilespmem:s16+$0xA0]  }
0x18f: {  	v8 =	vld [tilespmem:s24+$0xFFFFFF90]  }
0x190: {  	[tilespmem:s24+$0x0] =	vst v5;
	v5 =	vld [tilespmem:s24+$0xA0]  }
0x191: {  	v59 =	vld [tilespmem:s16+$0x10]  }
0x192: {  	v10 =	vmul.f32 v58, v18  }
0x193: {  	v14 =	vld [tilespmem:s24+$0x10];
	v6 =	vmul.f32 v6, v19  }
0x194: {  	v7 =	vmul.f32 v7, v17;
	v10 =	vmul.f32 v10, v13  }
0x195: {  	v57 =	vld [tilespmem:s24+$0xFFFFFF20];
	v5 =	vmul.f32 v6, v5  }
0x196: {  	v12 =	vld [tilespmem:s24+$0xFFFFFFA0];
	[tilespmem:s24+$0xFFFFFF10] =	vst v10;
	v6 =	vmul.f32 v7, v8;
	v7 =	vmul.f32 v59, v16  }
0x197: {  	v10 =	vld [tilespmem:s16+$0xFFFFFF20];
	[tilespmem:s24+$0xA0] =	vst v5  }
0x198: {  	[tilespmem:s24+$0xFFFFFF90] =	vst v6;
	v5 =	vmul.f32 v7, v14;
	v6 =	vld [tilespmem:s16+$0xB0]  }
0x199: {  	v7 =	vld [tilespmem:s16+$0xFFFFFFA0]  }
0x19a: {  	[tilespmem:s24+$0x10] =	vst v5;
	v5 =	vld [tilespmem:s24+$0xB0]  }
0x19b: {  	v60 =	vld [tilespmem:s16+$0x20]  }
0x19c: {  	v10 =	vmul.f32 v10, v18  }
0x19d: {  	v15 =	vld [tilespmem:s24+$0x20];
	v6 =	vmul.f32 v6, v19  }
0x19e: {  	v9 =	vmul.f32 v10, v57;
	v7 =	vmul.f32 v7, v17  }
0x19f: {  	v20 =	vld [tilespmem:s24+$0xFFFFFF30];
	v5 =	vmul.f32 v6, v5  }
0x1a0: {  	v21 =	vld [tilespmem:s24+$0xFFFFFFB0];
	[tilespmem:s24+$0xFFFFFF20] =	vst v9;
	v6 =	vmul.f32 v7, v12;
	v7 =	vmul.f32 v60, v16  }
0x1a1: {  	v9 =	vld [tilespmem:s16+$0xFFFFFF30];
	[tilespmem:s24+$0xB0] =	vst v5  }
0x1a2: {  	[tilespmem:s24+$0xFFFFFFA0] =	vst v6;
	v5 =	vmul.f32 v7, v15;
	v6 =	vld [tilespmem:s16+$0xC0]  }
0x1a3: {  	v7 =	vld [tilespmem:s16+$0xFFFFFFB0]  }
0x1a4: {  	[tilespmem:s24+$0x20] =	vst v5;
	v5 =	vld [tilespmem:s24+$0xC0]  }
0x1a5: {  	v62 =	vld [tilespmem:s16+$0x30]  }
0x1a6: {  	v23 =	vld [tilespmem:s24+$0xFFFFFF40];
	v9 =	vmul.f32 v9, v18  }
0x1a7: {  	v8 =	vld [tilespmem:s24+$0x30];
	v6 =	vmul.f32 v6, v19  }
0x1a8: {  	v24 =	vld [tilespmem:s24+$0xFFFFFFC0];
	v9 =	vmul.f32 v9, v20;
	v7 =	vmul.f32 v7, v17  }
0x1a9: {  	v61 =	vld [tilespmem:s24+$0x40];
	v5 =	vmul.f32 v6, v5  }
0x1aa: {  	v22 =	vld [tilespmem:s24+$0xFFFFFF60];
	[tilespmem:s24+$0xFFFFFF30] =	vst v9;
	v6 =	vmul.f32 v7, v21;
	v7 =	vmul.f32 v62, v16  }
0x1ab: {  	v9 =	vld [tilespmem:s16+$0xFFFFFF40];
	[tilespmem:s24+$0xC0] =	vst v5  }
0x1ac: {  	[tilespmem:s24+$0xFFFFFFB0] =	vst v6;
	v5 =	vmul.f32 v7, v8;
	v6 =	vld [tilespmem:s16+$0xD0]  }
0x1ad: {  	v7 =	vld [tilespmem:s16+$0xFFFFFFC0]  }
0x1ae: {  	[tilespmem:s24+$0x30] =	vst v5;
	v5 =	vld [tilespmem:s24+$0xD0]  }
0x1af: {  	v8 =	vld [tilespmem:s16+$0x40]  }
0x1b0: {  	v26 =	vld [tilespmem:s24+$0xE0];
	v9 =	vmul.f32 v9, v18  }
0x1b1: {  	v13 =	vld [tilespmem:s24+$0xFFFFFFD0];
	v63 =	vmul.f32 v6, v19  }
0x1b2: {  	v14 =	vld [tilespmem:s24+$0xFFFFFF50];
	v9 =	vmul.f32 v9, v23;
	v7 =	vmul.f32 v7, v17  }
0x1b3: {  	v15 =	vld [tilespmem:s24+$0x50];
	v11 =	vmul.f32 v63, v5  }
0x1b4: {  	p3 =	por $0x1, $0x1;
	v6 =	vld [tilespmem:s24+$0xFFFFFFE0];
	[tilespmem:s24+$0xFFFFFF40] =	vst v9;
	v7 =	vmul.f32 v7, v24;
	v8 =	vmul.f32 v8, v16  }
.Ltmp4:
0x1b5: {  	v5 =	vld [tilespmem:s24+$0x60];
	[tilespmem:s24+$0xD0] =	vst v11;
	(pc) =	sbr.rel @!p3 .LBB2_7-.Ltmp4, $4  }
0x1b6: {  	v24 =	vld [tilespmem:s16+$0xFFFFFF50];
	[tilespmem:s24+$0xFFFFFFC0] =	vst v7;
	v7 =	vmul.f32 v8, v61  }
0x1b7: {  	v28 =	vld [tilespmem:s16+$0xE0]  }
0x1b8: {  	v23 =	vld [tilespmem:s16+$0xFFFFFFD0];
	[tilespmem:s24+$0x40] =	vst v7  }
0x1b9: {  	p2 =	por $0x0, $0x0;
	s17 =	simm.s32 $0x80;
	s0 =	simm.s32 $0x40;
	v21 =	vld [tilespmem:s16+$0x50]  }
0x1ba: {  	s7 =	sand.u32 $0xF00, s17;
	s11 =	simm.s32 $0x70;
	v25 =	vld [tilespmem:s24+$0xFFFFFF70]  }
0x1bb: {  	v7 =	vld [tilespmem:s24+$0xFFFFFFF0];
	s7 =	sadd.s32 $0xA400, s7;
	s11 =	sand.u32 $0x70, s11  }
0x1bc: {  	s20 =	sadd.s32 $0x200, s16;
	v27 =	vld [tilespmem:s24+$0xF0];
	s11 =	sor.u32 s11, s7  }
0x1bd: {  	v10 =	vld [tilespmem:s20+$0x80];
	s11 =	sadd.s32 s26, s11  }
0x1be: {  	s31 =	sadd.s32 $0x200, s24;
	v9 =	vld [tilespmem:s11+$0x0]  }
0x1bf: {  	v20 =	vld [tilespmem:s31+$0x80]  }
0x1c0: {  	v29 =	vld [tilespmem:s20+$0xFFFFFF80]  }
0x1c1: {  	v30 =	vld [tilespmem:s31+$0xFFFFFF00];
	v8 =	vmul.f32 v28, v19  }
0x1c2: {  	s0 =	sand.u32 $0x40, s0;
	v31 =	vld [tilespmem:s20+$0x0]  }
0x1c3: {  	s21 =	simm.s32 $0x50;
	v32 =	vld [tilespmem:s31+$0x90];
	s0 =	sor.u32 s0, s7;
	v11 =	vmul.f32 v8, v26;
	v28 =	vmul.f32 v10, v9  }
0x1c4: {  	v33 =	vld [tilespmem:s31+$0xFFFFFF80];
	s0 =	sadd.s32 s26, s0;
	s11 =	sand.u32 $0x50, s21  }
0x1c5: {  	s11 =	sor.u32 s11, s7;
	[tilespmem:s24+$0xE0] =	vst v11;
	v11 =	vld [tilespmem:s0+$0x0];
	v20 =	vmul.f32 v28, v20  }
0x1c6: {  	s29 =	sadd.s32 s26, s11;
	v28 =	vld [tilespmem:s20+$0xFFFFFF00]  }
0x1c7: {  	s22 =	simm.s32 $0x60;
	v12 =	vld [tilespmem:s29+$0x0];
	[tilespmem:s31+$0x80] =	vst v20  }
0x1c8: {  	s17 =	sand.u32 $0x60, s22;
	v20 =	vld [tilespmem:s20+$0x90]  }
0x1c9: {  	v34 =	vld [tilespmem:s31+$0x0];
	s23 =	sor.u32 s17, s7  }
0x1ca: {  	v35 =	vld [tilespmem:s31+$0xFFFFFF10];
	s0 =	sadd.s32 s26, s23  }
0x1cb: {  	v10 =	vld [tilespmem:s0+$0x0];
	v28 =	vmul.f32 v28, v11  }
0x1cc: {  	v36 =	vld [tilespmem:s31+$0x10];
	v29 =	vmul.f32 v29, v12  }
0x1cd: {  	v54 =	vld [tilespmem:s31+$0xFFFFFF20];
	v28 =	vmul.f32 v28, v30;
	v20 =	vmul.f32 v20, v9  }
0x1ce: {  	v56 =	vld [tilespmem:s31+$0xFFFFFFA0];
	v29 =	vmul.f32 v29, v33  }
0x1cf: {  	v37 =	vld [tilespmem:s31+$0x20];
	[tilespmem:s31+$0xFFFFFF00] =	vst v28;
	v20 =	vmul.f32 v20, v32  }
0x1d0: {  	[tilespmem:s31+$0xFFFFFF80] =	vst v29;
	v28 =	vmul.f32 v31, v10;
	v31 =	vld [tilespmem:s20+$0xFFFFFF10]  }
0x1d1: {  	v29 =	vld [tilespmem:s20+$0xFFFFFF90];
	[tilespmem:s31+$0x90] =	vst v20  }
0x1d2: {  	v20 =	vmul.f32 v28, v34;
	v28 =	vld [tilespmem:s20+$0xA0]  }
0x1d3: {  	v30 =	vld [tilespmem:s31+$0xFFFFFF90]  }
0x1d4: {  	[tilespmem:s31+$0x0] =	vst v20;
	v20 =	vld [tilespmem:s31+$0xA0]  }
0x1d5: {  	v55 =	vld [tilespmem:s20+$0x10];
	v31 =	vmul.f32 v31, v11  }
0x1d6: {  	v57 =	vld [tilespmem:s31+$0xFFFFFF30]  }
0x1d7: {  	v38 =	vld [tilespmem:s31+$0xFFFFFFB0];
	v31 =	vmul.f32 v31, v35;
	v28 =	vmul.f32 v28, v9  }
0x1d8: {  	v59 =	vld [tilespmem:s31+$0xFFFFFF40];
	v29 =	vmul.f32 v29, v12  }
0x1d9: {  	v39 =	vld [tilespmem:s31+$0xFFFFFFC0];
	[tilespmem:s31+$0xFFFFFF10] =	vst v31;
	v20 =	vmul.f32 v28, v20  }
0x1da: {  	v28 =	vmul.f32 v29, v30;
	v29 =	vmul.f32 v55, v10;
	v30 =	vld [tilespmem:s20+$0xFFFFFF20]  }
0x1db: {  	v26 =	vld [tilespmem:s16+$0xF0];
	[tilespmem:s31+$0xA0] =	vst v20  }
0x1dc: {  	[tilespmem:s31+$0xFFFFFF90] =	vst v28;
	v20 =	vmul.f32 v29, v36;
	v28 =	vld [tilespmem:s20+$0xB0]  }
0x1dd: {  	v24 =	vmul.f32 v24, v18;
	v29 =	vld [tilespmem:s20+$0xFFFFFFA0]  }
0x1de: {  	v23 =	vmul.f32 v23, v17;
	[tilespmem:s31+$0x10] =	vst v20;
	v20 =	vld [tilespmem:s31+$0xB0]  }
0x1df: {  	v24 =	vmul.f32 v24, v14;
	v58 =	vld [tilespmem:s20+$0x20];
	v30 =	vmul.f32 v30, v11  }
0x1e0: {  	v14 =	vld [tilespmem:s31+$0xFFFFFF50];
	v21 =	vmul.f32 v21, v16;
	v23 =	vmul.f32 v23, v13  }
0x1e1: {  	v8 =	vld [tilespmem:s24+$0x70];
	v30 =	vmul.f32 v30, v54;
	v28 =	vmul.f32 v28, v9  }
0x1e2: {  	v21 =	vmul.f32 v21, v15;
	v15 =	vld [tilespmem:s31+$0x50];
	v29 =	vmul.f32 v29, v12  }
0x1e3: {  	v19 =	vmul.f32 v26, v19;
	v26 =	vld [tilespmem:s31+$0xE0];
	[tilespmem:s31+$0xFFFFFF20] =	vst v30;
	v13 =	vmul.f32 v28, v20  }
0x1e4: {  	v20 =	vmul.f32 v29, v56;
	v29 =	vmul.f32 v58, v10;
	v30 =	vld [tilespmem:s20+$0xFFFFFF30]  }
0x1e5: {  	v31 =	vld [tilespmem:s31+$0x30];
	[tilespmem:s31+$0xB0] =	vst v13  }
0x1e6: {  	[tilespmem:s31+$0xFFFFFFA0] =	vst v20;
	v20 =	vmul.f32 v29, v37;
	v29 =	vld [tilespmem:s20+$0xC0]  }
0x1e7: {  	v60 =	vld [tilespmem:s20+$0xFFFFFFB0]  }
0x1e8: {  	[tilespmem:s31+$0x20] =	vst v20;
	v20 =	vld [tilespmem:s31+$0xC0]  }
0x1e9: {  	v61 =	vld [tilespmem:s20+$0x30];
	v30 =	vmul.f32 v30, v11  }
0x1ea: {  	[tilespmem:s24+$0xFFFFFFD0] =	vst v23;
	v28 =	vld [tilespmem:s31+$0x40]  }
0x1eb: {  	[tilespmem:s24+$0xFFFFFF50] =	vst v24;
	v24 =	vmul.f32 v30, v57;
	v30 =	vld [tilespmem:s16+$0xFFFFFFE0];
	v23 =	vmul.f32 v29, v9  }
0x1ec: {  	[tilespmem:s24+$0x50] =	vst v21;
	v29 =	vld [tilespmem:s16+$0xFFFFFF60];
	v21 =	vmul.f32 v60, v12  }
0x1ed: {  	[tilespmem:s31+$0xFFFFFF30] =	vst v24;
	v24 =	vld [tilespmem:s16+$0x60];
	v23 =	vmul.f32 v23, v20  }
0x1ee: {  	v13 =	vld [tilespmem:s31+$0xFFFFFFD0];
	v21 =	vmul.f32 v21, v38;
	v62 =	vmul.f32 v61, v10  }
0x1ef: {  	[tilespmem:s31+$0xC0] =	vst v23;
	v23 =	vld [tilespmem:s20+$0xFFFFFF40]  }
0x1f0: {  	[tilespmem:s31+$0xFFFFFFB0] =	vst v21;
	v21 =	vmul.f32 v62, v31;
	v31 =	vld [tilespmem:s20+$0xD0]  }
0x1f1: {  	v30 =	vmul.f32 v30, v17;
	v29 =	vmul.f32 v29, v18;
	v63 =	vld [tilespmem:s20+$0xFFFFFFC0]  }
0x1f2: {  	[tilespmem:s31+$0x30] =	vst v21;
	v21 =	vld [tilespmem:s31+$0xD0];
	v24 =	vmul.f32 v24, v16  }
0x1f3: {  	v22 =	vmul.f32 v29, v22;
	v29 =	vmul.f32 v30, v6;
	v30 =	vld [tilespmem:s20+$0x40]  }
0x1f4: {  	v20 =	vld [tilespmem:s31+$0xFFFFFF60];
	v23 =	vmul.f32 v23, v11  }
0x1f5: {  	v6 =	vld [tilespmem:s31+$0xFFFFFFE0];
	v24 =	vmul.f32 v24, v5;
	[tilespmem:s24+$0xFFFFFF60] =	vst v22;
	v22 =	vmul.f32 v31, v9  }
0x1f6: {  	[tilespmem:s24+$0xFFFFFFE0] =	vst v29;
	v29 =	vmul.f32 v63, v12;
	v31 =	vld [tilespmem:s16+$0xFFFFFF70];
	v23 =	vmul.f32 v23, v59  }
0x1f7: {  	[tilespmem:s24+$0x60] =	vst v24;
	v21 =	vmul.f32 v22, v21;
	v22 =	vld [tilespmem:s16+$0xFFFFFFF0]  }
0x1f8: {  	p3 =	por $0x1, $0x1;
	[tilespmem:s31+$0xFFFFFF40] =	vst v23;
	v23 =	vmul.f32 v29, v39;
	v29 =	vmul.f32 v30, v10;
	v30 =	vld [tilespmem:s16+$0x70]  }
.Ltmp5:
0x1f9: {  	v24 =	vld [tilespmem:s20+$0xFFFFFF50];
	[tilespmem:s31+$0xD0] =	vst v21;
	(pc) =	sbr.rel @!p3 .LBB2_9-.Ltmp5, $4  }
0x1fa: {  	[tilespmem:s31+$0xFFFFFFC0] =	vst v23;
	v21 =	vmul.f32 v29, v28;
	v28 =	vld [tilespmem:s20+$0xE0]  }
0x1fb: {  	v19 =	vmul.f32 v19, v27;
	v18 =	vmul.f32 v31, v18;
	v23 =	vld [tilespmem:s20+$0xFFFFFFD0]  }
0x1fc: {  	s18 =	simm.s32 $0x100;
	p2 =	por $0x1, $0x1;
	s19 =	smov.u32 s31;
	v5 =	vld [tilespmem:s31+$0x60];
	[tilespmem:s31+$0x40] =	vst v21;
	v27 =	vmul.f32 v22, v17  }
0x1fd: {  	s17 =	simm.s32 $0x80;
	s0 =	smov.u32 s20;
	[tilespmem:s24+$0xF0] =	vst v19;
	s16 =	simm.s32 $0x4;
	v25 =	vmul.f32 v18, v25;
	v21 =	vld [tilespmem:s20+$0x50];
	v29 =	vmul.f32 v30, v16  }
.LBB2_10:
0x1fe: {  	s7 =	sand.u32 $0xF00, s18;
	s11 =	sadd.s32 $0x30, s17;
	s16 =	sadd.s32 $0x4, s16;
	v17 =	vmul.f32 v24, v11;
	v16 =	vld [tilespmem:s31+$0xFFFFFF70];
	v18 =	vmul.f32 v27, v7  }
0x1ff: {  	s7 =	sadd.s32 $0xA400, s7;
	s11 =	sand.u32 $0x70, s11;
	p3 =	slt.u32 s16, $0x4C;
	v7 =	vld [tilespmem:s31+$0xFFFFFFF0];
	v19 =	vmul.f32 v28, v9;
	[tilespmem:s24+$0xFFFFFF70] =	vst v25;
	v22 =	vmul.f32 v29, v8  }
0x200: {  	s21 =	sadd.s32 $0x10, s17;
	s0 =	sadd.s32 $0x200, s0;
	s11 =	sor.u32 s11, s7;
	v14 =	vmul.f32 v17, v14;
	v17 =	vmul.f32 v23, v12;
	v8 =	vld [tilespmem:s31+$0x70];
	[tilespmem:s24+$0xFFFFFFF0] =	vst v18  }
0x201: {  	s22 =	sadd.s32 $0x20, s17;
	s21 =	sand.u32 $0x50, s21;
	s11 =	sadd.s32 s26, s11;
	v23 =	vld [tilespmem:s0+$0x80];
	v18 =	vmul.f32 v19, v26;
	[tilespmem:s24+$0x70] =	vst v22  }
0x202: {  	s23 =	sand.u32 $0x40, s17;
	s22 =	sand.u32 $0x60, s22;
	s31 =	sadd.s32 $0x200, s31;
	v22 =	vld [tilespmem:s11+$0x0];
	[tilespmem:s19+$0xFFFFFF50] =	vst v14;
	v13 =	vmul.f32 v17, v13;
	v14 =	vmul.f32 v21, v10  }
0x203: {  	s21 =	sor.u32 s21, s7;
	s11 =	sor.u32 s23, s7;
	s7 =	sor.u32 s22, s7;
	v21 =	vld [tilespmem:s31+$0x80];
	[tilespmem:s19+$0xE0] =	vst v18  }
0x204: {  	s21 =	sadd.s32 s26, s21;
	s11 =	sadd.s32 s26, s11;
	s7 =	sadd.s32 s26, s7;
	[tilespmem:s19+$0xFFFFFFD0] =	vst v13;
	v13 =	vmul.f32 v14, v15;
	v14 =	vld [tilespmem:s20+$0xF0]  }
0x205: {  	s24 =	smov.u32 s19;
	s19 =	smov.u32 s31;
	v18 =	vld [tilespmem:s11+$0x0]  }
0x206: {  	[tilespmem:s24+$0x50] =	vst v13;
	v13 =	vld [tilespmem:s24+$0xF0]  }
0x207: {  	v19 =	vld [tilespmem:s21+$0x0];
	v15 =	vmul.f32 v23, v22  }
0x208: {  	v17 =	vld [tilespmem:s7+$0x0]  }
0x209: {  	v23 =	vld [tilespmem:s0+$0xFFFFFF00];
	v15 =	vmul.f32 v15, v21;
	v14 =	vmul.f32 v14, v9;
	v9 =	vmov v22  }
0x20a: {  	v21 =	vld [tilespmem:s0+$0xFFFFFF80]  }
0x20b: {  	v22 =	vld [tilespmem:s0+$0x0];
	[tilespmem:s31+$0x80] =	vst v15;
	v13 =	vmul.f32 v14, v13  }
0x20c: {  	v14 =	vld [tilespmem:s0+$0x90]  }
0x20d: {  	v15 =	vld [tilespmem:s31+$0xFFFFFF00];
	[tilespmem:s24+$0xF0] =	vst v13  }
0x20e: {  	v13 =	vmul.f32 v23, v18;
	v23 =	vld [tilespmem:s31+$0x90]  }
0x20f: {  	v24 =	vld [tilespmem:s31+$0xFFFFFF80];
	v21 =	vmul.f32 v21, v19  }
0x210: {  	v25 =	vld [tilespmem:s31+$0x0];
	v22 =	vmul.f32 v22, v17  }
0x211: {  	v26 =	vld [tilespmem:s31+$0xFFFFFF10];
	v14 =	vmul.f32 v14, v9  }
0x212: {  	v13 =	vmul.f32 v13, v15;
	v15 =	vld [tilespmem:s31+$0xFFFFFF90]  }
0x213: {  	v27 =	vld [tilespmem:s31+$0x10];
	v14 =	vmul.f32 v14, v23  }
0x214: {  	[tilespmem:s31+$0xFFFFFF00] =	vst v13;
	v13 =	vld [tilespmem:s31+$0xFFFFFF20];
	v21 =	vmul.f32 v21, v24  }
0x215: {  	v23 =	vld [tilespmem:s0+$0xFFFFFF10];
	v22 =	vmul.f32 v22, v25;
	[tilespmem:s31+$0x90] =	vst v14  }
0x216: {  	[tilespmem:s31+$0xFFFFFF80] =	vst v21;
	v14 =	vld [tilespmem:s0+$0xA0]  }
0x217: {  	v21 =	vld [tilespmem:s0+$0xFFFFFF90];
	[tilespmem:s31+$0x0] =	vst v22  }
0x218: {  	v22 =	vld [tilespmem:s31+$0xA0]  }
0x219: {  	v24 =	vld [tilespmem:s0+$0x10]  }
0x21a: {  	v23 =	vmul.f32 v23, v18;
	v25 =	vld [tilespmem:s31+$0xFFFFFFA0]  }
0x21b: {  	v28 =	vld [tilespmem:s31+$0x20];
	v14 =	vmul.f32 v14, v9  }
0x21c: {  	v23 =	vmul.f32 v23, v26;
	v26 =	vld [tilespmem:s31+$0xFFFFFF30];
	v21 =	vmul.f32 v21, v19  }
0x21d: {  	v29 =	vld [tilespmem:s31+$0xFFFFFFB0];
	v14 =	vmul.f32 v14, v22  }
0x21e: {  	[tilespmem:s31+$0xFFFFFF10] =	vst v23;
	v15 =	vmul.f32 v21, v15;
	v21 =	vmul.f32 v24, v17;
	v22 =	vld [tilespmem:s31+$0x30]  }
0x21f: {  	v23 =	vld [tilespmem:s0+$0xFFFFFF20];
	[tilespmem:s31+$0xA0] =	vst v14  }
0x220: {  	[tilespmem:s31+$0xFFFFFF90] =	vst v15;
	v14 =	vmul.f32 v21, v27;
	v15 =	vld [tilespmem:s0+$0xB0]  }
0x221: {  	v21 =	vld [tilespmem:s0+$0xFFFFFFA0]  }
0x222: {  	[tilespmem:s31+$0x10] =	vst v14;
	v24 =	vld [tilespmem:s31+$0xB0]  }
0x223: {  	v27 =	vld [tilespmem:s0+$0x20]  }
0x224: {  	v14 =	vmul.f32 v23, v18;
	v23 =	vld [tilespmem:s31+$0xFFFFFF40]  }
0x225: {  	v30 =	vld [tilespmem:s31+$0xFFFFFFC0];
	v15 =	vmul.f32 v15, v9  }
0x226: {  	v13 =	vmul.f32 v14, v13;
	v21 =	vmul.f32 v21, v19;
	v31 =	vld [tilespmem:s31+$0x40]  }
0x227: {  	v14 =	vld [tilespmem:s31+$0xFFFFFF50];
	v15 =	vmul.f32 v15, v24  }
0x228: {  	[tilespmem:s31+$0xFFFFFF20] =	vst v13;
	v21 =	vmul.f32 v21, v25;
	v13 =	vld [tilespmem:s31+$0xFFFFFFD0];
	v24 =	vmul.f32 v27, v17  }
0x229: {  	v25 =	vld [tilespmem:s0+$0xFFFFFF30];
	[tilespmem:s31+$0xB0] =	vst v15  }
0x22a: {  	[tilespmem:s31+$0xFFFFFFA0] =	vst v21;
	v15 =	vmul.f32 v24, v28;
	v21 =	vld [tilespmem:s0+$0xC0]  }
0x22b: {  	v24 =	vld [tilespmem:s0+$0xFFFFFFB0]  }
0x22c: {  	[tilespmem:s31+$0x20] =	vst v15;
	v27 =	vld [tilespmem:s31+$0xC0]  }
0x22d: {  	v28 =	vld [tilespmem:s0+$0x30]  }
0x22e: {  	v25 =	vmul.f32 v25, v18;
	v15 =	vld [tilespmem:s31+$0x50]  }
0x22f: {  	v21 =	vmul.f32 v21, v9;
	v32 =	vld [tilespmem:s20+$0xFFFFFF60]  }
0x230: {  	v25 =	vmul.f32 v25, v26;
	v24 =	vmul.f32 v24, v19;
	v26 =	vld [tilespmem:s20+$0xFFFFFFE0]  }
0x231: {  	v21 =	vmul.f32 v21, v27;
	v27 =	vld [tilespmem:s20+$0x60]  }
0x232: {  	[tilespmem:s31+$0xFFFFFF30] =	vst v25;
	v25 =	vld [tilespmem:s31+$0xFFFFFF60];
	v24 =	vmul.f32 v24, v29;
	v28 =	vmul.f32 v28, v17  }
0x233: {  	v29 =	vld [tilespmem:s0+$0xFFFFFF40];
	[tilespmem:s31+$0xC0] =	vst v21  }
0x234: {  	[tilespmem:s31+$0xFFFFFFB0] =	vst v24;
	v21 =	vmul.f32 v28, v22;
	v22 =	vld [tilespmem:s0+$0xD0];
	v24 =	vmul.f32 v32, v11  }
0x235: {  	v28 =	vld [tilespmem:s0+$0xFFFFFFC0];
	v26 =	vmul.f32 v26, v12  }
0x236: {  	[tilespmem:s31+$0x30] =	vst v21;
	v21 =	vld [tilespmem:s31+$0xD0];
	v24 =	vmul.f32 v24, v20;
	v27 =	vmul.f32 v27, v10  }
0x237: {  	v32 =	vld [tilespmem:s0+$0x40];
	v26 =	vmul.f32 v26, v6;
	v20 =	vmov v25  }
0x238: {  	v25 =	vmul.f32 v29, v18;
	v6 =	vld [tilespmem:s31+$0xFFFFFFE0];
	[tilespmem:s24+$0xFFFFFF60] =	vst v24;
	v24 =	vmul.f32 v27, v5  }
0x239: {  	v5 =	vld [tilespmem:s31+$0x60];
	v22 =	vmul.f32 v22, v9;
	[tilespmem:s24+$0xFFFFFFE0] =	vst v26  }
0x23a: {  	v23 =	vmul.f32 v25, v23;
	v25 =	vmul.f32 v28, v19;
	v26 =	vld [tilespmem:s20+$0xFFFFFF70];
	[tilespmem:s24+$0x60] =	vst v24  }
0x23b: {  	v21 =	vmul.f32 v22, v21;
	v22 =	vld [tilespmem:s20+$0xFFFFFFF0]  }
0x23c: {  	[tilespmem:s31+$0xFFFFFF40] =	vst v23;
	v23 =	vmul.f32 v25, v30;
	v25 =	vmul.f32 v32, v17;
	v29 =	vld [tilespmem:s20+$0x70];
	s20 =	smov.u32 s0  }
.Ltmp6:
0x23d: {  	v24 =	vld [tilespmem:s0+$0xFFFFFF50];
	[tilespmem:s31+$0xD0] =	vst v21;
	(pc) =	sbr.rel @p3 .LBB2_10-.Ltmp6, $4  }
0x23e: {  	[tilespmem:s31+$0xFFFFFFC0] =	vst v23;
	v21 =	vmul.f32 v25, v31;
	v28 =	vld [tilespmem:s0+$0xE0]  }
0x23f: {  	v23 =	vld [tilespmem:s0+$0xFFFFFFD0];
	v25 =	vmul.f32 v26, v11;
	v11 =	vmov v18  }
0x240: {  	[tilespmem:s31+$0x40] =	vst v21;
	v26 =	vld [tilespmem:s31+$0xE0];
	v27 =	vmul.f32 v22, v12;
	v12 =	vmov v19  }
0x241: {  	s17 =	sadd.s32 $0x40, s17;
	s18 =	sadd.s32 $0x80, s18;
	v21 =	vld [tilespmem:s0+$0x50];
	v25 =	vmul.f32 v25, v16;
	v29 =	vmul.f32 v29, v10;
	v10 =	vmov v17  }
0x242: {  	s0 =	smov.u32 s24;
	v18 =	vmovc v11;
	v19 =	vmovc v9;
	v17 =	vmov v12;
	s24 =	smov.u32 s19;
	v16 =	vmov v10;
	s16 =	smov.u32 s20;
	v22 =	vmov v20  }
.LBB2_12:
0x243: {  	_ = 	snop  }
0x244: {  	v9 =	vmul.f32 v24, v18  }
0x245: {  	v10 =	vmul.f32 v23, v17  }
0x246: {  	v11 =	vld [tilespmem:s31+$0xFFFFFF70];
	v9 =	vmul.f32 v9, v14;
	v12 =	vmul.f32 v21, v16  }
0x247: {  	v53 =	vld [tilespmem:s31+$0xFFFFFFF0];
	v10 =	vmul.f32 v10, v13  }
0x248: {  	v54 =	vld [tilespmem:s31+$0x70];
	[tilespmem:s24+$0xFFFFFF50] =	vst v9;
	v55 =	vmul.f32 v12, v15  }
0x249: {  	[tilespmem:s24+$0xFFFFFFD0] =	vst v10;
	v56 =	vld [tilespmem:s16+$0xFFFFFF60]  }
0x24a: {  	v57 =	vld [tilespmem:s16+$0xFFFFFFE0];
	[tilespmem:s24+$0x50] =	vst v55  }
0x24b: {  	v58 =	vld [tilespmem:s16+$0x60];
	_ =	sdelay $0x1  }
0x24c: {  	v59 =	vmul.f32 v28, v19  }
0x24d: {  	v10 =	vmul.f32 v56, v18  }
0x24e: {  	v15 =	vmul.f32 v59, v26;
	v9 =	vmul.f32 v57, v17  }
0x24f: {  	v10 =	vmul.f32 v10, v22;
	v12 =	vmul.f32 v58, v16  }
0x250: {  	v60 =	vld [tilespmem:s24+$0xF0];
	[tilespmem:s24+$0xE0] =	vst v15;
	v6 =	vmul.f32 v9, v6  }
0x251: {  	v15 =	vld [tilespmem:s16+$0xF0];
	[tilespmem:s24+$0xFFFFFF60] =	vst v10;
	v5 =	vmul.f32 v12, v5  }
0x252: {  	[tilespmem:s24+$0xFFFFFFE0] =	vst v6;
	v6 =	vld [tilespmem:s16+$0xFFFFFF70]  }
0x253: {  	[tilespmem:s24+$0x60] =	vst v5;
	v5 =	vld [tilespmem:s16+$0xFFFFFFF0]  }
0x254: {  	v61 =	vld [tilespmem:s16+$0x70];
	_ =	sdelay $0x1  }
0x255: {  	v7 =	vmul.f32 @p2 v27, v7;
	v62 =	vmul.f32 v15, v19  }
0x256: {  	[tilespmem:s0+$0xFFFFFF70] =	vst @p2 v25;
	v8 =	vmul.f32 @p2 v29, v8;
	v6 =	vmul.f32 v6, v18  }
0x257: {  	[tilespmem:s0+$0xFFFFFFF0] =	vst @p2 v7;
	v7 =	vmul.f32 v62, v60;
	v5 =	vmul.f32 v5, v17  }
0x258: {  	[tilespmem:s0+$0x70] =	vst @p2 v8;
	p2 =	sne.s32 s25, $0x7D;
	v6 =	vmul.f32 v6, v11;
	v63 =	vmul.f32 v61, v16  }
.Ltmp7:
0x259: {  	[tilespmem:s24+$0xF0] =	vst v7;
	v5 =	vmul.f32 v5, v53;
	(pc) =	sbr.rel @p2 .LBB2_4-.Ltmp7, $4  }
.Ltmp8:
0x25a: {  	[tilespmem:s24+$0xFFFFFF70] =	vst v6;
	v6 =	vmul.f32 v63, v54;
	(pc) =	sbr.rel @!p2 .LBB2_13-.Ltmp8, $4  }
0x25b: {  	s31 =	sshll.u32 s28, $0x7;
	[tilespmem:s24+$0xFFFFFFF0] =	vst v5  }
0x25c: {  	p1 =	por !p1, !p1;
	s0 =	sadd.s32 $0x200, s31;
	[tilespmem:s24+$0x70] =	vst v6  }
0x25d: {  	[spmem:s4] =	stream.indirect.scatter.add.f32 [tilespmem:s30], [sflag:$0x4], $0x80, s0, s8, $0xb8;
	[tilespmem:$0x1E680] =	vst v63  }
0x25e: {  	_ = 	snop  }
.LBB2_7:
.Ltmp9:
0x25f: {  	(pc) =	sbr.rel .LBB2_12-.Ltmp9, $2  }
0x260: {  	_ =	sdelay $0x2  }
0x261: {  	s31 =	smov.u32 s24  }
.LBB2_9:
.Ltmp10:
0x262: {  	(pc) =	sbr.rel .LBB2_12-.Ltmp10, $2  }
0x263: {  	_ =	sdelay $0x2  }
0x264: {  	s0 =	smov.u32 s24;
	v18 =	vmovc v11;
	v19 =	vmovc v9;
	v17 =	vmov v12;
	s24 =	smov.u32 s31;
	v16 =	vmov v10;
	s16 =	smov.u32 s20;
	v22 =	vmov v20  }
.LBB2_14:
0x265: {  	_ =	sfence.sel $0x180000  }
0x266: {  	[bflag:$0x0] =	sbarrier.arrive $0xFFFF  }
0x267: {  	_ =	strace $0x90000047  }
0x268: {  	s0 =	stileid.u32;
	[bflag:$0x2] =	sbarrier.arrive $0xFFFF  }
0x269: {  	p0 =	sne.s32 s0, $0x0;
	s0 =	rddreg [dreg:$0x4]  }
0x26a: {  	s0 =	sadd.s32 @!p0 $0x100000, s0  }
0x26b: {  	[sflag:s0] =	ssyncadd.tile.s32 @!p0 $0x1;
	_ =	shalt  }
.Lfunc_end2:
_tile_overlayer_lowered:
.L_overlay_start_2:
0x26c: {  	(tag) =	ssettag $0x2  }
0x26d: {  	s0 =	rddreg [dreg:$0x0];
	s2 =	stileid.u32  }
0x26e: {  	s1 =	rddreg [dreg:$0x1];
	p0 =	sne.s32 s2, $0x0  }
0x26f: {  	s3 =	rddreg [dreg:$0x2];
	[bflag:$0x3] =	sbarrier.arrive $0xFFFF;
	s2 =	simm.s32 @!p0 $0x1C05  }
0x270: {  	[timem:s3], [sflag:s2] =	dma.local @!p0 [hbm:s0], s1  }
0x271: {  	s0 =	simm.s32 @!p0 $0x5  }
0x272: {  	_ =	swait.ge @!p0 [sflag:s0], s1  }
0x273: {  	s1 =	ssub.s32 @!p0 $0x0, s1;
	[sflag:s0] =	ssyncset.done @!p0 $0x0  }
0x274: {  	[sflag:s0] =	ssyncadd.s32 @!p0 s1  }
0x275: {  	[bflag:$0x3] =	sbarrier.arrive $0xFFFF  }
0x276: {  	_ =	shalt  }

</sc_bundles>
